<compile_context>
chip_gen: v7x
topology: tpu7x:2x2x1
jax: 0.10.2.dev20260603
libtpu: 0.0.44.dev20260713+nightly
codegen_flags: <defaults>
</compile_context>

<pallas_src>
import functools

import jax
import jax.numpy as jnp
from jax import lax
from jax.experimental import pallas as pl
from jax.experimental.pallas import tpu as pltpu
from jax.experimental.pallas import tpu_sc as plsc

EPS = 1e-5
G = 256
NUM_CHIRALITY = 11
CH = 128
NC = 2
NS = 16
BLK = 2000
_HI = jax.lax.Precision.HIGHEST


def _mesh():
    return plsc.VectorSubcoreMesh(core_axis_name="c", subcore_axis_name="s")


@functools.lru_cache(maxsize=None)
def _make_k0(N, D):
    n_full = N // CH
    n_tail = N - n_full * CH
    nw = NC * NS
    node_iters = -(-n_full // nw)

    @functools.partial(
        pl.kernel,
        mesh=_mesh(),
        out_type=jax.ShapeDtypeStruct((N, D), jnp.float32),
        scratch_types=[
            pltpu.VMEM((CH,), jnp.int32),
            pltpu.VMEM((CH,), jnp.int32),
            pltpu.VMEM((CH,), jnp.int32),
            pltpu.VMEM((16,), jnp.int32),
            pltpu.VMEM((CH, D), jnp.float32),
            pltpu.SemaphoreType.DMA,
        ],
    )
    def k0(t_hbm, x0_hbm, x1_hbm, h0_hbm, x0b, x1b, idxb, idxt, rows, sem):
        c = lax.axis_index("c")
        s = lax.axis_index("s")
        wid = s * NC + c

        def nbody(kk, carry):
            ch = kk * nw + wid

            @pl.when(ch < n_full)
            def _():
                base = ch * CH
                pltpu.sync_copy(x0_hbm.at[pl.ds(base, CH)], x0b)
                pltpu.sync_copy(x1_hbm.at[pl.ds(base, CH)], x1b)
                for r in range(CH // 16):
                    sl = pl.ds(r * 16, 16)
                    idxb[sl] = x0b[sl] * NUM_CHIRALITY + x1b[sl]
                pltpu.async_copy(t_hbm.at[idxb], rows, sem).wait()
                pltpu.sync_copy(rows, h0_hbm.at[pl.ds(base, CH), :])
            return carry
        lax.fori_loop(0, node_iters, nbody, 0)

        if n_tail:
            @pl.when(wid == 0)
            def _():
                base = n_full * CH
                pltpu.sync_copy(x0_hbm.at[pl.ds(base, n_tail)],
                                x0b.at[pl.ds(0, n_tail)])
                pltpu.sync_copy(x1_hbm.at[pl.ds(base, n_tail)],
                                x1b.at[pl.ds(0, n_tail)])
                for r in range(n_tail // 16):
                    sl = pl.ds(r * 16, 16)
                    idxt[sl] = x0b[sl] * NUM_CHIRALITY + x1b[sl]
                pltpu.async_copy(t_hbm.at[idxt], rows.at[pl.ds(0, n_tail)],
                                 sem).wait()
                pltpu.sync_copy(rows.at[pl.ds(0, n_tail)],
                                h0_hbm.at[pl.ds(base, n_tail), :])

    return k0


@functools.lru_cache(maxsize=None)
def _make_gather(N, D, E):
    ne = E // CH
    nw = NC * NS
    edge_iters = -(-ne // nw)

    @functools.partial(
        pl.kernel,
        mesh=_mesh(),
        out_type=jax.ShapeDtypeStruct((E, D), jnp.float32),
        scratch_types=[
            pltpu.VMEM((CH,), jnp.int32),
            pltpu.VMEM((CH, D), jnp.float32),
            pltpu.SemaphoreType.DMA,
        ],
    )
    def gat(h_hbm, src_hbm, hg_hbm, idxs, rows, sem):
        c = lax.axis_index("c")
        s = lax.axis_index("s")
        wid = s * NC + c

        def body(kk, carry):
            ch = kk * nw + wid

            @pl.when(ch < ne)
            def _():
                base = ch * CH
                pltpu.sync_copy(src_hbm.at[pl.ds(base, CH)], idxs)
                pltpu.async_copy(h_hbm.at[idxs], rows, sem).wait()
                pltpu.sync_copy(rows, hg_hbm.at[pl.ds(base, CH), :])
            return carry
        lax.fori_loop(0, edge_iters, body, 0)

    return gat


@functools.lru_cache(maxsize=None)
def _make_pool(N, D):
    n_full = N // CH
    n_tail = N - n_full * CH
    rpt = G // NS
    pool_iters = -(-n_full // NS)

    @functools.partial(
        pl.kernel,
        mesh=_mesh(),
        out_type=[jax.ShapeDtypeStruct((G, D), jnp.float32),
                  jax.ShapeDtypeStruct((G,), jnp.float32)],
        scratch_types=[
            pltpu.VMEM((CH, D), jnp.float32),
            pltpu.VMEM((CH,), jnp.int32),
            pltpu.VMEM((16,), jnp.int32),
            pltpu.VMEM((CH,), jnp.float32),
            pltpu.VMEM_SHARED((G, D), jnp.float32),
            pltpu.VMEM_SHARED((G,), jnp.float32),
            pltpu.SemaphoreType.DMA,
        ],
    )
    def pool(h_hbm, batch_hbm, zg_hbm, zc_hbm, ss_hbm, cnt_hbm,
             rows, idxb, idxt, onesb, ssum, cnt, sem):
        c = lax.axis_index("c")
        s = lax.axis_index("s")

        pltpu.sync_copy(zg_hbm, ssum.at[pl.ds(s * rpt, rpt)])

        @pl.when(s == 0)
        def _():
            pltpu.sync_copy(zc_hbm, cnt)

        for r in range(CH // 16):
            onesb[pl.ds(r * 16, 16)] = jnp.full((16,), 1.0, jnp.float32)
        plsc.subcore_barrier()

        @pl.when(c == 0)
        def _():
            def body(kk, carry):
                ch = kk * NS + s

                @pl.when(ch < n_full)
                def _():
                    base = ch * CH
                    pltpu.sync_copy(h_hbm.at[pl.ds(base, CH), :], rows)
                    pltpu.sync_copy(batch_hbm.at[pl.ds(base, CH)], idxb)
                    pltpu.sync_copy(rows, ssum.at[idxb], add=True)
                    pltpu.sync_copy(onesb, cnt.at[idxb], add=True)
                return carry
            lax.fori_loop(0, pool_iters, body, 0)

            if n_tail:
                @pl.when(s == 0)
                def _():
                    base = n_full * CH
                    pltpu.sync_copy(h_hbm.at[pl.ds(base, n_tail), :],
                                    rows.at[pl.ds(0, n_tail)])
                    pltpu.sync_copy(batch_hbm.at[pl.ds(base, n_tail)], idxt)
                    pltpu.sync_copy(rows.at[pl.ds(0, n_tail)],
                                    ssum.at[idxt], add=True)
                    pltpu.sync_copy(onesb.at[pl.ds(0, n_tail)],
                                    cnt.at[idxt], add=True)

        plsc.subcore_barrier()

        @pl.when(c == 0)
        def _():
            pltpu.sync_copy(ssum.at[pl.ds(s * rpt, rpt)],
                            ss_hbm.at[pl.ds(s * rpt, rpt), :])

            @pl.when(s == 0)
            def _():
                pltpu.sync_copy(cnt, cnt_hbm)

    return pool


def _scat_body(hg, combo, dst, e21, o, acc, msgs):
    i = pl.program_id(0)
    nsteps = pl.num_programs(0)

    @pl.when(i == 0)
    def _():
        acc[...] = jnp.zeros_like(acc)

    oh = (lax.broadcasted_iota(jnp.int32, (BLK, 32), 1) == combo[...]
          ).astype(jnp.float32)
    e = jnp.dot(oh, e21[...], precision=_HI,
                preferred_element_type=jnp.float32)
    msgs[...] = hg[...] + e

    def body(k, carry):
        d = dst[0, 0, k]
        acc[pl.ds(d, 1), :] += msgs[pl.ds(k, 1), :]
        return carry
    lax.fori_loop(0, BLK, body, 0)

    @pl.when(i == nsteps - 1)
    def _():
        o[...] = acc[...]


def _tc_scatter(hg, combo, dst2, e21, n):
    e, d = hg.shape
    return pl.pallas_call(
        _scat_body,
        grid=(e // BLK,),
        in_specs=[
            pl.BlockSpec((BLK, d), lambda i: (i, 0)),
            pl.BlockSpec((BLK, 1), lambda i: (i, 0)),
            pl.BlockSpec((1, 1, BLK), lambda i: (i, 0, 0),
                         memory_space=pltpu.SMEM),
            pl.BlockSpec((32, d), lambda i: (0, 0)),
        ],
        out_specs=pl.BlockSpec((n, d), lambda i: (0, 0)),
        out_shape=jax.ShapeDtypeStruct((n, d), jnp.float32),
        scratch_shapes=[pltpu.VMEM((n, d), jnp.float32),
                        pltpu.VMEM((BLK, d), jnp.float32)],
    )(hg, combo, dst2, e21)


def _tree8(acc):
    a4 = acc[0:4, :] + acc[4:8, :]
    a2 = a4[0:2, :] + a4[2:4, :]
    return a2[0:1, :] + a2[1:2, :]


def _tc1_body(p, h, crow, w1, b1, w2, b2, o_hp, o_s1, acc):
    i = pl.program_id(0)
    nsteps = pl.num_programs(0)
    agg = p[...] + (h[...] + crow[...])
    hid = jnp.maximum(
        jnp.dot(agg, w1[...], preferred_element_type=jnp.float32) + b1[...], 0.0)
    o_hp[...] = jnp.dot(hid, w2[...],
                        preferred_element_type=jnp.float32) + b2[...]

    @pl.when(i == 0)
    def _():
        acc[...] = jnp.zeros_like(acc)

    bn = o_hp.shape[0]

    def body(g, carry):
        acc[...] += o_hp[pl.ds(g * 8, 8), :]
        return carry
    lax.fori_loop(0, bn // 8, body, 0)

    @pl.when(i == nsteps - 1)
    def _():
        o_s1[...] = _tree8(acc[...])


def _tc1(p, h, crow, w1, b1, w2, b2):
    n, d = h.shape
    bn = 2000
    full = lambda shape: pl.BlockSpec(shape, lambda i: (0, 0))
    blk = lambda shape: pl.BlockSpec(shape, lambda i: (i, 0))
    return pl.pallas_call(
        _tc1_body,
        grid=(n // bn,),
        in_specs=[blk((bn, d)), blk((bn, d)), full((1, d)),
                  full((d, 2 * d)), full((1, 2 * d)), full((2 * d, d)),
                  full((1, d))],
        out_specs=[blk((bn, d)), full((1, d))],
        out_shape=[jax.ShapeDtypeStruct((n, d), jnp.float32),
                   jax.ShapeDtypeStruct((1, d), jnp.float32)],
        scratch_shapes=[pltpu.VMEM((8, d), jnp.float32)],
    )(p, h, crow, w1, b1, w2, b2)


def _tcv_body(hp, mean, o_s2, acc):
    i = pl.program_id(0)
    nsteps = pl.num_programs(0)

    @pl.when(i == 0)
    def _():
        acc[...] = jnp.zeros_like(acc)

    bn = hp.shape[0]

    def body(g, carry):
        dev = hp[pl.ds(g * 8, 8), :] - mean[...]
        acc[...] += dev * dev
        return carry
    lax.fori_loop(0, bn // 8, body, 0)

    @pl.when(i == nsteps - 1)
    def _():
        o_s2[...] = _tree8(acc[...])


def _tcv(hp, mean):
    n, d = hp.shape
    bn = 2000
    full = lambda shape: pl.BlockSpec(shape, lambda i: (0, 0))
    blk = lambda shape: pl.BlockSpec(shape, lambda i: (i, 0))
    return pl.pallas_call(
        _tcv_body,
        grid=(n // bn,),
        in_specs=[blk((bn, d)), full((1, d))],
        out_specs=full((1, d)),
        out_shape=jax.ShapeDtypeStruct((1, d), jnp.float32),
        scratch_shapes=[pltpu.VMEM((8, d), jnp.float32)],
    )(hp, mean)


def _tc2_body(hp, mean, var, g, b, o, *, relu):
    v = (hp[...] - mean[...]) / jnp.sqrt(var[...] + EPS) * g[...] + b[...]
    if relu:
        v = jnp.maximum(v, 0.0)
    o[...] = v


def _tc2(hp, mean, var, g, b, relu):
    n, d = hp.shape
    bn = 2000
    full = lambda shape: pl.BlockSpec(shape, lambda i: (0, 0))
    blk = lambda shape: pl.BlockSpec(shape, lambda i: (i, 0))
    return pl.pallas_call(
        functools.partial(_tc2_body, relu=relu),
        grid=(n // bn,),
        in_specs=[blk((bn, d)), full((1, d)), full((1, d)), full((1, d)),
                  full((1, d))],
        out_specs=blk((bn, d)),
        out_shape=jax.ShapeDtypeStruct((n, d), jnp.float32),
    )(hp, mean, var, g, b)


def _tc3_body(ss, cnt, o):
    o[...] = ss[...] / jnp.clip(cnt[...], 1.0, None)


def _tc3(ss, cnt):
    g, d = ss.shape
    return pl.pallas_call(
        _tc3_body,
        in_specs=[pl.BlockSpec((g, d), lambda: (0, 0)),
                  pl.BlockSpec((g, 1), lambda: (0, 0))],
        out_specs=pl.BlockSpec((g, d), lambda: (0, 0)),
        out_shape=jax.ShapeDtypeStruct((g, d), jnp.float32),
    )(ss, cnt)


def kernel(x, edge_index, edge_attr, batch, xe1, xe2, ee1, ee2,
           W1, b1, W2, b2, gamma, beta):
    N = x.shape[0]
    D = xe1.shape[1]
    E = edge_index.shape[1]
    L = W1.shape[0]

    i32 = jnp.int32
    x0 = x[:, 0].astype(i32)
    x1 = x[:, 1].astype(i32)
    src = edge_index[0].astype(i32)
    dst2 = edge_index[1].astype(i32).reshape(E // BLK, 1, BLK)
    combo = (edge_attr[:, 0].astype(i32) * 3
             + edge_attr[:, 1].astype(i32)).reshape(E, 1)
    bat = batch.astype(i32)

    T = (xe1[:, None, :] + xe2[None, :, :]).reshape(-1, D)

    zg = jnp.zeros((G // NS, D), jnp.float32)
    zc = jnp.zeros((G,), jnp.float32)

    k0 = _make_k0(N, D)
    gat = _make_gather(N, D, E)
    pool = _make_pool(N, D)

    h = k0(T, x0, x1)

    for l in range(L):
        e21 = jnp.zeros((32, D), jnp.float32)
        e21 = e21.at[0:21].set(
            (ee1[l][:, None, :] + ee2[l][None, :, :]).reshape(21, D))
        crow = (ee1[l, 4] + ee2[l, 0]).reshape(1, D)
        hg = gat(h, src)
        p = _tc_scatter(hg, combo, dst2, e21, N)
        hp, s1 = _tc1(p, h, crow, W1[l], b1[l].reshape(1, -1),
                      W2[l], b2[l].reshape(1, -1))
        mean = s1 / jnp.float32(N)
        var = _tcv(hp, mean) / jnp.float32(N)
        h = _tc2(hp, mean, var, gamma[l].reshape(1, -1),
                 beta[l].reshape(1, -1), relu=l < L - 1)

    ss, cnt = pool(h, bat, zg, zc)
    ga = _tc3(ss, cnt.reshape(G, 1))
    return ga, h

# --- scband reference (transcript-rebuilt; emitter-appended) ---
"""Pipeline reference for scband-discrete-gnn2-4157528343206 (READ-ONLY COPY).

The authoritative reference and input builder live on the scoring server;
editing this copy changes nothing except your own understanding.
"""

import jax, jax.numpy as jnp
import numpy as np

N = 10000
E = 320000
D = 128
L = 5
G = 256
NUM_ATOM_TYPE = 121
NUM_CHIRALITY = 11
NUM_BOND_TYPE = 7
NUM_BOND_DIR = 3
EPS = 1e-5


def setup_inputs(seed: int = 0) -> dict:
    key = jax.random.key(seed)
    ks = jax.random.split(key, 14)
    x = jax.random.randint(ks[0], (N, 2), 0, NUM_CHIRALITY)
    edge_index = jax.random.randint(ks[1], (2, E), 0, N)
    edge_attr = jax.random.randint(ks[2], (E, 2), 0, NUM_BOND_DIR)
    batch = jnp.sort(jax.random.randint(ks[3], (N,), 0, G))
    xe1 = jax.random.normal(ks[4], (NUM_ATOM_TYPE, D), dtype=jnp.float32) * 0.1
    xe2 = jax.random.normal(ks[5], (NUM_CHIRALITY, D), dtype=jnp.float32) * 0.1
    ee1 = jax.random.normal(ks[6], (L, NUM_BOND_TYPE, D), dtype=jnp.float32) * 0.1
    ee2 = jax.random.normal(ks[7], (L, NUM_BOND_DIR, D), dtype=jnp.float32) * 0.1
    W1 = jax.random.normal(ks[8], (L, D, 2 * D), dtype=jnp.float32) * 0.05
    b1 = jnp.zeros((L, 2 * D), dtype=jnp.float32)
    W2 = jax.random.normal(ks[9], (L, 2 * D, D), dtype=jnp.float32) * 0.05
    b2 = jnp.zeros((L, D), dtype=jnp.float32)
    gamma = jnp.ones((L, D), dtype=jnp.float32)
    beta = jnp.zeros((L, D), dtype=jnp.float32)
    return {"x": x, "edge_index": edge_index, "edge_attr": edge_attr, "batch": batch,
            "xe1": xe1, "xe2": xe2, "ee1": ee1, "ee2": ee2,
            "W1": W1, "b1": b1, "W2": W2, "b2": b2, "gamma": gamma, "beta": beta}


def reference(x, edge_index, edge_attr, batch, xe1, xe2, ee1, ee2, W1, b1, W2, b2, gamma, beta):
    # node input embedding: x_embedding1(x[:,0]) + x_embedding2(x[:,1])
    h = xe1[x[:, 0]] + xe2[x[:, 1]]
    n = h.shape[0]
    loop = jnp.arange(n, dtype=edge_index.dtype)
    src = jnp.concatenate([edge_index[0], loop])
    dst = jnp.concatenate([edge_index[1], loop])
    # self-loop edge_attr = [4, 0]
    ea0 = jnp.concatenate([edge_attr[:, 0], jnp.full((n,), 4, dtype=edge_attr.dtype)])
    ea1 = jnp.concatenate([edge_attr[:, 1], jnp.zeros((n,), dtype=edge_attr.dtype)])
    for l in range(L):
        e_emb = ee1[l][ea0] + ee2[l][ea1]
        msg = h[src] + e_emb                      # message: x_j + edge_attr
        agg = jax.ops.segment_sum(msg, dst, num_segments=n)  # aggr='add'
        hid = jnp.maximum(agg @ W1[l] + b1[l], 0.0)
        h_new = hid @ W2[l] + b2[l]               # update: mlp
        mean = h_new.mean(axis=0)
        var = h_new.var(axis=0)
        h_new = (h_new - mean) / jnp.sqrt(var + EPS) * gamma[l] + beta[l]  # BatchNorm1d (train stats)
        if l < L - 1:
            h_new = jnp.maximum(h_new, 0.0)       # relu (dropout p=0 is identity)
        h = h_new
    node_representation = h                       # JK='last'
    ones = jnp.ones((n,), dtype=node_representation.dtype)
    cnt = jax.ops.segment_sum(ones, batch, num_segments=G)
    ssum = jax.ops.segment_sum(node_representation, batch, num_segments=G)
    graph_agg = ssum / jnp.clip(cnt, 1.0)[:, None]  # global_mean_pool
    return (graph_agg, node_representation)

if __name__ == "__main__":
    import jax
    _d = setup_inputs()
    print(jax.jit(kernel)(*tuple(_d.values())))

</pallas_src>

<mosaic_0001>
#map = affine_map<(d0, d1) -> (0, 0)>
#map1 = affine_map<(d0, d1) -> (0)>
module attributes {stable_mosaic.version = 14 : i64} {
  func.func @k0(%arg0: i32, %arg1: i32, %arg2: memref<1331x128xf32, #tpu.memory_space<hbm>>, %arg3: memref<10000xi32, #tpu.memory_space<hbm>>, %arg4: memref<10000xi32, #tpu.memory_space<hbm>>, %arg5: memref<10000x128xf32, #tpu.memory_space<hbm>>, %arg6: memref<128xi32, #tpu.memory_space<vmem>>, %arg7: memref<128xi32, #tpu.memory_space<vmem>>, %arg8: memref<128xi32, #tpu.memory_space<vmem>>, %arg9: memref<16xi32, #tpu.memory_space<vmem>>, %arg10: memref<128x128xf32, #tpu.memory_space<vmem>>, %arg11: memref<!tpu.dma_semaphore, #tpu.memory_space<semaphore_mem>>) attributes {dimension_semantics = [#tpu.dimension_semantics<core_parallel>, #tpu.dimension_semantics<subcore_parallel>], iteration_bounds = array<i64: 2, 16>, scalar_prefetch = 0 : i64, scratch_operands = 6 : i64, tpu.core_type = #tpu.core_type<sc_vector_subcore>, window_params = [{transform_indices = #map}, {transform_indices = #map1}, {transform_indices = #map1}, {transform_indices = #map}]} {
    %mul3A = arith.constant 2 : i32
    %mul3A_0 = arith.muli %arg1, %mul3A : i32
    %add3A = arith.addi %mul3A_0, %arg0 : i32
    %scan3A = arith.constant 0 : i32
    %scan3A_1 = arith.constant 0 : i32
    %scan3A_2 = arith.constant 3 : i32
    %scan3A_3 = arith.addi %scan3A_1, %scan3A_2 : i32
    %scan3A_4 = arith.constant 1 : i32
    scf.for %scan3A_8 = %scan3A_1 to %scan3A_3 step %scan3A_4  : i32 {
      %mul3A_9 = arith.constant 32 : i32
      %mul3A_10 = arith.muli %scan3A_8, %mul3A_9 : i32
      %add3A_11 = arith.addi %mul3A_10, %add3A : i32
      %lt3A = arith.constant 78 : i32
      %lt3A_12 = arith.cmpi slt, %add3A_11, %lt3A : i32
      %convert_element_type3A_13 = arith.extui %lt3A_12 : i1 to i32
      %cond3A_14 = arith.constant 0 : i32
      %cond3A_15 = arith.cmpi ne, %convert_element_type3A_13, %cond3A_14 : i32
      scf.if %cond3A_15 {
        %mul3A_16 = arith.constant 128 : i32
        %mul3A_17 = arith.muli %add3A_11, %mul3A_16 : i32
        "tpu.region"() ({
          %run_scoped3A = tpu.sem_alloc : memref<!tpu.dma_semaphore, #tpu.memory_space<semaphore_mem>>
          %dma_start3A_132 = tpu.memref_slice %arg3[%mul3A_17] : memref<10000xi32, #tpu.memory_space<hbm>> -> memref<128xi32, #tpu.memory_space<hbm>>
          %dma_start3A_133 = tpu.memref_slice %arg3[%mul3A_17] : memref<10000xi32, #tpu.memory_space<hbm>> -> memref<128xi32, #tpu.memory_space<hbm>>
          tpu.enqueue_dma source(%dma_start3A_133 : memref<128xi32, #tpu.memory_space<hbm>>) target(%arg6 : memref<128xi32, #tpu.memory_space<vmem>>) target_semaphore(%run_scoped3A : memref<!tpu.dma_semaphore, #tpu.memory_space<semaphore_mem>>)
          %dma_wait3A_134 = tpu.memref_slice %arg3[%mul3A_17] : memref<10000xi32, #tpu.memory_space<hbm>> -> memref<128xi32, #tpu.memory_space<hbm>>
          %dma_wait3A_135 = tpu.memref_slice %arg3[%mul3A_17] : memref<10000xi32, #tpu.memory_space<hbm>> -> memref<128xi32, #tpu.memory_space<hbm>>
          tpu.wait_dma2 semaphore(%run_scoped3A : memref<!tpu.dma_semaphore, #tpu.memory_space<semaphore_mem>>) src(%dma_wait3A_135 : memref<128xi32, #tpu.memory_space<hbm>>) dst(%arg6 : memref<128xi32, #tpu.memory_space<vmem>>)
          tpu.yield
        }) : () -> ()
        "tpu.region"() ({
          %run_scoped3A = tpu.sem_alloc : memref<!tpu.dma_semaphore, #tpu.memory_space<semaphore_mem>>
          %dma_start3A_132 = tpu.memref_slice %arg4[%mul3A_17] : memref<10000xi32, #tpu.memory_space<hbm>> -> memref<128xi32, #tpu.memory_space<hbm>>
          %dma_start3A_133 = tpu.memref_slice %arg4[%mul3A_17] : memref<10000xi32, #tpu.memory_space<hbm>> -> memref<128xi32, #tpu.memory_space<hbm>>
          tpu.enqueue_dma source(%dma_start3A_133 : memref<128xi32, #tpu.memory_space<hbm>>) target(%arg7 : memref<128xi32, #tpu.memory_space<vmem>>) target_semaphore(%run_scoped3A : memref<!tpu.dma_semaphore, #tpu.memory_space<semaphore_mem>>)
          %dma_wait3A_134 = tpu.memref_slice %arg4[%mul3A_17] : memref<10000xi32, #tpu.memory_space<hbm>> -> memref<128xi32, #tpu.memory_space<hbm>>
          %dma_wait3A_135 = tpu.memref_slice %arg4[%mul3A_17] : memref<10000xi32, #tpu.memory_space<hbm>> -> memref<128xi32, #tpu.memory_space<hbm>>
          tpu.wait_dma2 semaphore(%run_scoped3A : memref<!tpu.dma_semaphore, #tpu.memory_space<semaphore_mem>>) src(%dma_wait3A_135 : memref<128xi32, #tpu.memory_space<hbm>>) dst(%arg7 : memref<128xi32, #tpu.memory_space<vmem>>)
          tpu.yield
        }) : () -> ()
        %get3A = arith.constant 0 : index
        %get3A_18 = tpu.vector_load %arg6[%get3A] {strides = array<i32>} : memref<128xi32, #tpu.memory_space<vmem>>, vector<16xi32>,
        %get3A_19 = vector.shape_cast %get3A_18 : vector<16xi32> to vector<16xi32>
        %mul3A_20 = arith.constant 11 : i32
        %mul3A_21 = vector.broadcast %mul3A_20 : i32 to vector<16xi32>
        %mul3A_22 = arith.muli %get3A_19, %mul3A_21 : vector<16xi32>
        %get3A_23 = arith.constant 0 : index
        %get3A_24 = tpu.vector_load %arg7[%get3A_23] {strides = array<i32>} : memref<128xi32, #tpu.memory_space<vmem>>, vector<16xi32>,
        %get3A_25 = vector.shape_cast %get3A_24 : vector<16xi32> to vector<16xi32>
        %add3A_26 = arith.addi %mul3A_22, %get3A_25 : vector<16xi32>
        %swap3A = arith.constant 0 : index
        %swap3A_27 = tpu.vector_load %arg8[%swap3A] {strides = array<i32>} : memref<128xi32, #tpu.memory_space<vmem>>, vector<16xi32>,
        %swap3A_28 = vector.shape_cast %swap3A_27 : vector<16xi32> to vector<16xi32>
        %swap3A_29 = vector.shape_cast %add3A_26 : vector<16xi32> to vector<16xi32>
        tpu.vector_store %arg8[%swap3A], %swap3A_29 {strides = array<i32>} : memref<128xi32, #tpu.memory_space<vmem>>, vector<16xi32>,
        %get3A_30 = arith.constant 16 : index
        %get3A_31 = tpu.vector_load %arg6[%get3A_30] {strides = array<i32>} : memref<128xi32, #tpu.memory_space<vmem>>, vector<16xi32>,
        %get3A_32 = vector.shape_cast %get3A_31 : vector<16xi32> to vector<16xi32>
        %mul3A_33 = arith.constant 11 : i32
        %mul3A_34 = vector.broadcast %mul3A_33 : i32 to vector<16xi32>
        %mul3A_35 = arith.muli %get3A_32, %mul3A_34 : vector<16xi32>
        %get3A_36 = arith.constant 16 : index
        %get3A_37 = tpu.vector_load %arg7[%get3A_36] {strides = array<i32>} : memref<128xi32, #tpu.memory_space<vmem>>, vector<16xi32>,
        %get3A_38 = vector.shape_cast %get3A_37 : vector<16xi32> to vector<16xi32>
        %add3A_39 = arith.addi %mul3A_35, %get3A_38 : vector<16xi32>
        %swap3A_40 = arith.constant 16 : index
        %swap3A_41 = tpu.vector_load %arg8[%swap3A_40] {strides = array<i32>} : memref<128xi32, #tpu.memory_space<vmem>>, vector<16xi32>,
        %swap3A_42 = vector.shape_cast %swap3A_41 : vector<16xi32> to vector<16xi32>
        %swap3A_43 = vector.shape_cast %add3A_39 : vector<16xi32> to vector<16xi32>
        tpu.vector_store %arg8[%swap3A_40], %swap3A_43 {strides = array<i32>} : memref<128xi32, #tpu.memory_space<vmem>>, vector<16xi32>,
        %get3A_44 = arith.constant 32 : index
        %get3A_45 = tpu.vector_load %arg6[%get3A_44] {strides = array<i32>} : memref<128xi32, #tpu.memory_space<vmem>>, vector<16xi32>,
        %get3A_46 = vector.shape_cast %get3A_45 : vector<16xi32> to vector<16xi32>
        %mul3A_47 = arith.constant 11 : i32
        %mul3A_48 = vector.broadcast %mul3A_47 : i32 to vector<16xi32>
        %mul3A_49 = arith.muli %get3A_46, %mul3A_48 : vector<16xi32>
        %get3A_50 = arith.constant 32 : index
        %get3A_51 = tpu.vector_load %arg7[%get3A_50] {strides = array<i32>} : memref<128xi32, #tpu.memory_space<vmem>>, vector<16xi32>,
        %get3A_52 = vector.shape_cast %get3A_51 : vector<16xi32> to vector<16xi32>
        %add3A_53 = arith.addi %mul3A_49, %get3A_52 : vector<16xi32>
        %swap3A_54 = arith.constant 32 : index
        %swap3A_55 = tpu.vector_load %arg8[%swap3A_54] {strides = array<i32>} : memref<128xi32, #tpu.memory_space<vmem>>, vector<16xi32>,
        %swap3A_56 = vector.shape_cast %swap3A_55 : vector<16xi32> to vector<16xi32>
        %swap3A_57 = vector.shape_cast %add3A_53 : vector<16xi32> to vector<16xi32>
        tpu.vector_store %arg8[%swap3A_54], %swap3A_57 {strides = array<i32>} : memref<128xi32, #tpu.memory_space<vmem>>, vector<16xi32>,
        %get3A_58 = arith.constant 48 : index
        %get3A_59 = tpu.vector_load %arg6[%get3A_58] {strides = array<i32>} : memref<128xi32, #tpu.memory_space<vmem>>, vector<16xi32>,
        %get3A_60 = vector.shape_cast %get3A_59 : vector<16xi32> to vector<16xi32>
        %mul3A_61 = arith.constant 11 : i32
        %mul3A_62 = vector.broadcast %mul3A_61 : i32 to vector<16xi32>
        %mul3A_63 = arith.muli %get3A_60, %mul3A_62 : vector<16xi32>
        %get3A_64 = arith.constant 48 : index
        %get3A_65 = tpu.vector_load %arg7[%get3A_64] {strides = array<i32>} : memref<128xi32, #tpu.memory_space<vmem>>, vector<16xi32>,
        %get3A_66 = vector.shape_cast %get3A_65 : vector<16xi32> to vector<16xi32>
        %add3A_67 = arith.addi %mul3A_63, %get3A_66 : vector<16xi32>
        %swap3A_68 = arith.constant 48 : index
        %swap3A_69 = tpu.vector_load %arg8[%swap3A_68] {strides = array<i32>} : memref<128xi32, #tpu.memory_space<vmem>>, vector<16xi32>,
        %swap3A_70 = vector.shape_cast %swap3A_69 : vector<16xi32> to vector<16xi32>
        %swap3A_71 = vector.shape_cast %add3A_67 : vector<16xi32> to vector<16xi32>
        tpu.vector_store %arg8[%swap3A_68], %swap3A_71 {strides = array<i32>} : memref<128xi32, #tpu.memory_space<vmem>>, vector<16xi32>,
        %get3A_72 = arith.constant 64 : index
        %get3A_73 = tpu.vector_load %arg6[%get3A_72] {strides = array<i32>} : memref<128xi32, #tpu.memory_space<vmem>>, vector<16xi32>,
        %get3A_74 = vector.shape_cast %get3A_73 : vector<16xi32> to vector<16xi32>
        %mul3A_75 = arith.constant 11 : i32
        %mul3A_76 = vector.broadcast %mul3A_75 : i32 to vector<16xi32>
        %mul3A_77 = arith.muli %get3A_74, %mul3A_76 : vector<16xi32>
        %get3A_78 = arith.constant 64 : index
        %get3A_79 = tpu.vector_load %arg7[%get3A_78] {strides = array<i32>} : memref<128xi32, #tpu.memory_space<vmem>>, vector<16xi32>,
        %get3A_80 = vector.shape_cast %get3A_79 : vector<16xi32> to vector<16xi32>
        %add3A_81 = arith.addi %mul3A_77, %get3A_80 : vector<16xi32>
        %swap3A_82 = arith.constant 64 : index
        %swap3A_83 = tpu.vector_load %arg8[%swap3A_82] {strides = array<i32>} : memref<128xi32, #tpu.memory_space<vmem>>, vector<16xi32>,
        %swap3A_84 = vector.shape_cast %swap3A_83 : vector<16xi32> to vector<16xi32>
        %swap3A_85 = vector.shape_cast %add3A_81 : vector<16xi32> to vector<16xi32>
        tpu.vector_store %arg8[%swap3A_82], %swap3A_85 {strides = array<i32>} : memref<128xi32, #tpu.memory_space<vmem>>, vector<16xi32>,
        %get3A_86 = arith.constant 80 : index
        %get3A_87 = tpu.vector_load %arg6[%get3A_86] {strides = array<i32>} : memref<128xi32, #tpu.memory_space<vmem>>, vector<16xi32>,
        %get3A_88 = vector.shape_cast %get3A_87 : vector<16xi32> to vector<16xi32>
        %mul3A_89 = arith.constant 11 : i32
        %mul3A_90 = vector.broadcast %mul3A_89 : i32 to vector<16xi32>
        %mul3A_91 = arith.muli %get3A_88, %mul3A_90 : vector<16xi32>
        %get3A_92 = arith.constant 80 : index
        %get3A_93 = tpu.vector_load %arg7[%get3A_92] {strides = array<i32>} : memref<128xi32, #tpu.memory_space<vmem>>, vector<16xi32>,
        %get3A_94 = vector.shape_cast %get3A_93 : vector<16xi32> to vector<16xi32>
        %add3A_95 = arith.addi %mul3A_91, %get3A_94 : vector<16xi32>
        %swap3A_96 = arith.constant 80 : index
        %swap3A_97 = tpu.vector_load %arg8[%swap3A_96] {strides = array<i32>} : memref<128xi32, #tpu.memory_space<vmem>>, vector<16xi32>,
        %swap3A_98 = vector.shape_cast %swap3A_97 : vector<16xi32> to vector<16xi32>
        %swap3A_99 = vector.shape_cast %add3A_95 : vector<16xi32> to vector<16xi32>
        tpu.vector_store %arg8[%swap3A_96], %swap3A_99 {strides = array<i32>} : memref<128xi32, #tpu.memory_space<vmem>>, vector<16xi32>,
        %get3A_100 = arith.constant 96 : index
        %get3A_101 = tpu.vector_load %arg6[%get3A_100] {strides = array<i32>} : memref<128xi32, #tpu.memory_space<vmem>>, vector<16xi32>,
        %get3A_102 = vector.shape_cast %get3A_101 : vector<16xi32> to vector<16xi32>
        %mul3A_103 = arith.constant 11 : i32
        %mul3A_104 = vector.broadcast %mul3A_103 : i32 to vector<16xi32>
        %mul3A_105 = arith.muli %get3A_102, %mul3A_104 : vector<16xi32>
        %get3A_106 = arith.constant 96 : index
        %get3A_107 = tpu.vector_load %arg7[%get3A_106] {strides = array<i32>} : memref<128xi32, #tpu.memory_space<vmem>>, vector<16xi32>,
        %get3A_108 = vector.shape_cast %get3A_107 : vector<16xi32> to vector<16xi32>
        %add3A_109 = arith.addi %mul3A_105, %get3A_108 : vector<16xi32>
        %swap3A_110 = arith.constant 96 : index
        %swap3A_111 = tpu.vector_load %arg8[%swap3A_110] {strides = array<i32>} : memref<128xi32, #tpu.memory_space<vmem>>, vector<16xi32>,
        %swap3A_112 = vector.shape_cast %swap3A_111 : vector<16xi32> to vector<16xi32>
        %swap3A_113 = vector.shape_cast %add3A_109 : vector<16xi32> to vector<16xi32>
        tpu.vector_store %arg8[%swap3A_110], %swap3A_113 {strides = array<i32>} : memref<128xi32, #tpu.memory_space<vmem>>, vector<16xi32>,
        %get3A_114 = arith.constant 112 : index
        %get3A_115 = tpu.vector_load %arg6[%get3A_114] {strides = array<i32>} : memref<128xi32, #tpu.memory_space<vmem>>, vector<16xi32>,
        %get3A_116 = vector.shape_cast %get3A_115 : vector<16xi32> to vector<16xi32>
        %mul3A_117 = arith.constant 11 : i32
        %mul3A_118 = vector.broadcast %mul3A_117 : i32 to vector<16xi32>
        %mul3A_119 = arith.muli %get3A_116, %mul3A_118 : vector<16xi32>
        %get3A_120 = arith.constant 112 : index
        %get3A_121 = tpu.vector_load %arg7[%get3A_120] {strides = array<i32>} : memref<128xi32, #tpu.memory_space<vmem>>, vector<16xi32>,
        %get3A_122 = vector.shape_cast %get3A_121 : vector<16xi32> to vector<16xi32>
        %add3A_123 = arith.addi %mul3A_119, %get3A_122 : vector<16xi32>
        %swap3A_124 = arith.constant 112 : index
        %swap3A_125 = tpu.vector_load %arg8[%swap3A_124] {strides = array<i32>} : memref<128xi32, #tpu.memory_space<vmem>>, vector<16xi32>,
        %swap3A_126 = vector.shape_cast %swap3A_125 : vector<16xi32> to vector<16xi32>
        %swap3A_127 = vector.shape_cast %add3A_123 : vector<16xi32> to vector<16xi32>
        tpu.vector_store %arg8[%swap3A_124], %swap3A_127 {strides = array<i32>} : memref<128xi32, #tpu.memory_space<vmem>>, vector<16xi32>,
        %dma_start3A = arith.constant 0 : i32
        %dma_start3A_128 = arith.constant 0 : i32
        %dma_start3A_129 = tpu.memref_slice %arg2[%dma_start3A, %dma_start3A_128] : memref<1331x128xf32, #tpu.memory_space<hbm>> -> memref<1331x128xf32, #tpu.memory_space<hbm>>
        tpu.enqueue_indirect_dma source(%dma_start3A_129 : memref<1331x128xf32, #tpu.memory_space<hbm>>) target(%arg10 : memref<128x128xf32, #tpu.memory_space<vmem>>) offsets(%arg8 : memref<128xi32, #tpu.memory_space<vmem>>) semaphore(%arg11 : memref<!tpu.dma_semaphore, #tpu.memory_space<semaphore_mem>>)
        %dma_wait3A = arith.constant 0 : i32
        %dma_wait3A_130 = arith.constant 0 : i32
        %dma_wait3A_131 = tpu.memref_slice %arg2[%dma_wait3A, %dma_wait3A_130] : memref<1331x128xf32, #tpu.memory_space<hbm>> -> memref<1331x128xf32, #tpu.memory_space<hbm>>
        tpu.wait_indirect_dma semaphore(%arg11 : memref<!tpu.dma_semaphore, #tpu.memory_space<semaphore_mem>>) src(%dma_wait3A_131 : memref<1331x128xf32, #tpu.memory_space<hbm>>) dst(%arg10 : memref<128x128xf32, #tpu.memory_space<vmem>>)
        "tpu.region"() ({
          %run_scoped3A = tpu.sem_alloc : memref<!tpu.dma_semaphore, #tpu.memory_space<semaphore_mem>>
          %dma_start3A_132 = arith.constant 0 : i32
          %dma_start3A_133 = tpu.memref_slice %arg5[%mul3A_17, %dma_start3A_132] : memref<10000x128xf32, #tpu.memory_space<hbm>> -> memref<128x128xf32, #tpu.memory_space<hbm>>
          %dma_start3A_134 = arith.constant 0 : i32
          %dma_start3A_135 = tpu.memref_slice %arg5[%mul3A_17, %dma_start3A_134] : memref<10000x128xf32, #tpu.memory_space<hbm>> -> memref<128x128xf32, #tpu.memory_space<hbm>>
          tpu.enqueue_dma source(%arg10 : memref<128x128xf32, #tpu.memory_space<vmem>>) target(%dma_start3A_135 : memref<128x128xf32, #tpu.memory_space<hbm>>) target_semaphore(%run_scoped3A : memref<!tpu.dma_semaphore, #tpu.memory_space<semaphore_mem>>)
          %dma_wait3A_136 = arith.constant 0 : i32
          %dma_wait3A_137 = tpu.memref_slice %arg5[%mul3A_17, %dma_wait3A_136] : memref<10000x128xf32, #tpu.memory_space<hbm>> -> memref<128x128xf32, #tpu.memory_space<hbm>>
          %dma_wait3A_138 = arith.constant 0 : i32
          %dma_wait3A_139 = tpu.memref_slice %arg5[%mul3A_17, %dma_wait3A_138] : memref<10000x128xf32, #tpu.memory_space<hbm>> -> memref<128x128xf32, #tpu.memory_space<hbm>>
          tpu.wait_dma2 semaphore(%run_scoped3A : memref<!tpu.dma_semaphore, #tpu.memory_space<semaphore_mem>>) src(%arg10 : memref<128x128xf32, #tpu.memory_space<vmem>>) dst(%dma_wait3A_139 : memref<128x128xf32, #tpu.memory_space<hbm>>)
          tpu.yield
        }) : () -> ()
      } else {
      }
    }
    %scan3A_5 = arith.constant 3 : i32
    %eq3A = arith.constant 0 : i32
    %eq3A_6 = arith.cmpi eq, %add3A, %eq3A : i32
    %convert_element_type3A = arith.extui %eq3A_6 : i1 to i32
    %cond3A = arith.constant 0 : i32
    %cond3A_7 = arith.cmpi ne, %convert_element_type3A, %cond3A : i32
    scf.if %cond3A_7 {
      "tpu.region"() ({
        %run_scoped3A = tpu.sem_alloc : memref<!tpu.dma_semaphore, #tpu.memory_space<semaphore_mem>>
        %dma_start3A_30 = arith.constant 0 : i32
        %dma_start3A_31 = tpu.memref_slice %arg6[%dma_start3A_30] : memref<128xi32, #tpu.memory_space<vmem>> -> memref<16xi32, #tpu.memory_space<vmem>>
        %dma_start3A_32 = arith.constant 9984 : i32
        %dma_start3A_33 = tpu.memref_slice %arg3[%dma_start3A_32] : memref<10000xi32, #tpu.memory_space<hbm>> -> memref<16xi32, #tpu.memory_space<hbm>>
        %dma_start3A_34 = arith.constant 0 : i32
        %dma_start3A_35 = tpu.memref_slice %arg6[%dma_start3A_34] : memref<128xi32, #tpu.memory_space<vmem>> -> memref<16xi32, #tpu.memory_space<vmem>>
        %dma_start3A_36 = arith.constant 9984 : i32
        %dma_start3A_37 = tpu.memref_slice %arg3[%dma_start3A_36] : memref<10000xi32, #tpu.memory_space<hbm>> -> memref<16xi32, #tpu.memory_space<hbm>>
        tpu.enqueue_dma source(%dma_start3A_37 : memref<16xi32, #tpu.memory_space<hbm>>) target(%dma_start3A_35 : memref<16xi32, #tpu.memory_space<vmem>>) target_semaphore(%run_scoped3A : memref<!tpu.dma_semaphore, #tpu.memory_space<semaphore_mem>>)
        %dma_wait3A_38 = arith.constant 0 : i32
        %dma_wait3A_39 = tpu.memref_slice %arg6[%dma_wait3A_38] : memref<128xi32, #tpu.memory_space<vmem>> -> memref<16xi32, #tpu.memory_space<vmem>>
        %dma_wait3A_40 = arith.constant 9984 : i32
        %dma_wait3A_41 = tpu.memref_slice %arg3[%dma_wait3A_40] : memref<10000xi32, #tpu.memory_space<hbm>> -> memref<16xi32, #tpu.memory_space<hbm>>
        %dma_wait3A_42 = arith.constant 0 : i32
        %dma_wait3A_43 = tpu.memref_slice %arg6[%dma_wait3A_42] : memref<128xi32, #tpu.memory_space<vmem>> -> memref<16xi32, #tpu.memory_space<vmem>>
        %dma_wait3A_44 = arith.constant 9984 : i32
        %dma_wait3A_45 = tpu.memref_slice %arg3[%dma_wait3A_44] : memref<10000xi32, #tpu.memory_space<hbm>> -> memref<16xi32, #tpu.memory_space<hbm>>
        tpu.wait_dma2 semaphore(%run_scoped3A : memref<!tpu.dma_semaphore, #tpu.memory_space<semaphore_mem>>) src(%dma_wait3A_45 : memref<16xi32, #tpu.memory_space<hbm>>) dst(%dma_wait3A_43 : memref<16xi32, #tpu.memory_space<vmem>>)
        tpu.yield
      }) : () -> ()
      "tpu.region"() ({
        %run_scoped3A = tpu.sem_alloc : memref<!tpu.dma_semaphore, #tpu.memory_space<semaphore_mem>>
        %dma_start3A_30 = arith.constant 0 : i32
        %dma_start3A_31 = tpu.memref_slice %arg7[%dma_start3A_30] : memref<128xi32, #tpu.memory_space<vmem>> -> memref<16xi32, #tpu.memory_space<vmem>>
        %dma_start3A_32 = arith.constant 9984 : i32
        %dma_start3A_33 = tpu.memref_slice %arg4[%dma_start3A_32] : memref<10000xi32, #tpu.memory_space<hbm>> -> memref<16xi32, #tpu.memory_space<hbm>>
        %dma_start3A_34 = arith.constant 0 : i32
        %dma_start3A_35 = tpu.memref_slice %arg7[%dma_start3A_34] : memref<128xi32, #tpu.memory_space<vmem>> -> memref<16xi32, #tpu.memory_space<vmem>>
        %dma_start3A_36 = arith.constant 9984 : i32
        %dma_start3A_37 = tpu.memref_slice %arg4[%dma_start3A_36] : memref<10000xi32, #tpu.memory_space<hbm>> -> memref<16xi32, #tpu.memory_space<hbm>>
        tpu.enqueue_dma source(%dma_start3A_37 : memref<16xi32, #tpu.memory_space<hbm>>) target(%dma_start3A_35 : memref<16xi32, #tpu.memory_space<vmem>>) target_semaphore(%run_scoped3A : memref<!tpu.dma_semaphore, #tpu.memory_space<semaphore_mem>>)
        %dma_wait3A_38 = arith.constant 0 : i32
        %dma_wait3A_39 = tpu.memref_slice %arg7[%dma_wait3A_38] : memref<128xi32, #tpu.memory_space<vmem>> -> memref<16xi32, #tpu.memory_space<vmem>>
        %dma_wait3A_40 = arith.constant 9984 : i32
        %dma_wait3A_41 = tpu.memref_slice %arg4[%dma_wait3A_40] : memref<10000xi32, #tpu.memory_space<hbm>> -> memref<16xi32, #tpu.memory_space<hbm>>
        %dma_wait3A_42 = arith.constant 0 : i32
        %dma_wait3A_43 = tpu.memref_slice %arg7[%dma_wait3A_42] : memref<128xi32, #tpu.memory_space<vmem>> -> memref<16xi32, #tpu.memory_space<vmem>>
        %dma_wait3A_44 = arith.constant 9984 : i32
        %dma_wait3A_45 = tpu.memref_slice %arg4[%dma_wait3A_44] : memref<10000xi32, #tpu.memory_space<hbm>> -> memref<16xi32, #tpu.memory_space<hbm>>
        tpu.wait_dma2 semaphore(%run_scoped3A : memref<!tpu.dma_semaphore, #tpu.memory_space<semaphore_mem>>) src(%dma_wait3A_45 : memref<16xi32, #tpu.memory_space<hbm>>) dst(%dma_wait3A_43 : memref<16xi32, #tpu.memory_space<vmem>>)
        tpu.yield
      }) : () -> ()
      %get3A = arith.constant 0 : index
      %get3A_8 = tpu.vector_load %arg6[%get3A] {strides = array<i32>} : memref<128xi32, #tpu.memory_space<vmem>>, vector<16xi32>,
      %get3A_9 = vector.shape_cast %get3A_8 : vector<16xi32> to vector<16xi32>
      %mul3A_10 = arith.constant 11 : i32
      %mul3A_11 = vector.broadcast %mul3A_10 : i32 to vector<16xi32>
      %mul3A_12 = arith.muli %get3A_9, %mul3A_11 : vector<16xi32>
      %get3A_13 = arith.constant 0 : index
      %get3A_14 = tpu.vector_load %arg7[%get3A_13] {strides = array<i32>} : memref<128xi32, #tpu.memory_space<vmem>>, vector<16xi32>,
      %get3A_15 = vector.shape_cast %get3A_14 : vector<16xi32> to vector<16xi32>
      %add3A_16 = arith.addi %mul3A_12, %get3A_15 : vector<16xi32>
      %swap3A = arith.constant 0 : index
      %swap3A_17 = tpu.vector_load %arg9[%swap3A] {strides = array<i32>} : memref<16xi32, #tpu.memory_space<vmem>>, vector<16xi32>,
      %swap3A_18 = vector.shape_cast %swap3A_17 : vector<16xi32> to vector<16xi32>
      %swap3A_19 = vector.shape_cast %add3A_16 : vector<16xi32> to vector<16xi32>
      tpu.vector_store %arg9[%swap3A], %swap3A_19 {strides = array<i32>} : memref<16xi32, #tpu.memory_space<vmem>>, vector<16xi32>,
      %dma_start3A = arith.constant 0 : i32
      %dma_start3A_20 = arith.constant 0 : i32
      %dma_start3A_21 = tpu.memref_slice %arg10[%dma_start3A, %dma_start3A_20] : memref<128x128xf32, #tpu.memory_space<vmem>> -> memref<16x128xf32, #tpu.memory_space<vmem>>
      %dma_start3A_22 = arith.constant 0 : i32
      %dma_start3A_23 = arith.constant 0 : i32
      %dma_start3A_24 = tpu.memref_slice %arg2[%dma_start3A_22, %dma_start3A_23] : memref<1331x128xf32, #tpu.memory_space<hbm>> -> memref<1331x128xf32, #tpu.memory_space<hbm>>
      tpu.enqueue_indirect_dma source(%dma_start3A_24 : memref<1331x128xf32, #tpu.memory_space<hbm>>) target(%dma_start3A_21 : memref<16x128xf32, #tpu.memory_space<vmem>>) offsets(%arg9 : memref<16xi32, #tpu.memory_space<vmem>>) semaphore(%arg11 : memref<!tpu.dma_semaphore, #tpu.memory_space<semaphore_mem>>)
      %dma_wait3A = arith.constant 0 : i32
      %dma_wait3A_25 = arith.constant 0 : i32
      %dma_wait3A_26 = tpu.memref_slice %arg10[%dma_wait3A, %dma_wait3A_25] : memref<128x128xf32, #tpu.memory_space<vmem>> -> memref<16x128xf32, #tpu.memory_space<vmem>>
      %dma_wait3A_27 = arith.constant 0 : i32
      %dma_wait3A_28 = arith.constant 0 : i32
      %dma_wait3A_29 = tpu.memref_slice %arg2[%dma_wait3A_27, %dma_wait3A_28] : memref<1331x128xf32, #tpu.memory_space<hbm>> -> memref<1331x128xf32, #tpu.memory_space<hbm>>
      tpu.wait_indirect_dma semaphore(%arg11 : memref<!tpu.dma_semaphore, #tpu.memory_space<semaphore_mem>>) src(%dma_wait3A_29 : memref<1331x128xf32, #tpu.memory_space<hbm>>) dst(%dma_wait3A_26 : memref<16x128xf32, #tpu.memory_space<vmem>>)
      "tpu.region"() ({
        %run_scoped3A = tpu.sem_alloc : memref<!tpu.dma_semaphore, #tpu.memory_space<semaphore_mem>>
        %dma_start3A_30 = arith.constant 0 : i32
        %dma_start3A_31 = arith.constant 0 : i32
        %dma_start3A_32 = tpu.memref_slice %arg10[%dma_start3A_30, %dma_start3A_31] : memref<128x128xf32, #tpu.memory_space<vmem>> -> memref<16x128xf32, #tpu.memory_space<vmem>>
        %dma_start3A_33 = arith.constant 9984 : i32
        %dma_start3A_34 = arith.constant 0 : i32
        %dma_start3A_35 = tpu.memref_slice %arg5[%dma_start3A_33, %dma_start3A_34] : memref<10000x128xf32, #tpu.memory_space<hbm>> -> memref<16x128xf32, #tpu.memory_space<hbm>>
        %dma_start3A_36 = arith.constant 9984 : i32
        %dma_start3A_37 = arith.constant 0 : i32
        %dma_start3A_38 = tpu.memref_slice %arg5[%dma_start3A_36, %dma_start3A_37] : memref<10000x128xf32, #tpu.memory_space<hbm>> -> memref<16x128xf32, #tpu.memory_space<hbm>>
        %dma_start3A_39 = arith.constant 0 : i32
        %dma_start3A_40 = arith.constant 0 : i32
        %dma_start3A_41 = tpu.memref_slice %arg10[%dma_start3A_39, %dma_start3A_40] : memref<128x128xf32, #tpu.memory_space<vmem>> -> memref<16x128xf32, #tpu.memory_space<vmem>>
        tpu.enqueue_dma source(%dma_start3A_41 : memref<16x128xf32, #tpu.memory_space<vmem>>) target(%dma_start3A_38 : memref<16x128xf32, #tpu.memory_space<hbm>>) target_semaphore(%run_scoped3A : memref<!tpu.dma_semaphore, #tpu.memory_space<semaphore_mem>>)
        %dma_wait3A_42 = arith.constant 0 : i32
        %dma_wait3A_43 = arith.constant 0 : i32
        %dma_wait3A_44 = tpu.memref_slice %arg10[%dma_wait3A_42, %dma_wait3A_43] : memref<128x128xf32, #tpu.memory_space<vmem>> -> memref<16x128xf32, #tpu.memory_space<vmem>>
        %dma_wait3A_45 = arith.constant 9984 : i32
        %dma_wait3A_46 = arith.constant 0 : i32
        %dma_wait3A_47 = tpu.memref_slice %arg5[%dma_wait3A_45, %dma_wait3A_46] : memref<10000x128xf32, #tpu.memory_space<hbm>> -> memref<16x128xf32, #tpu.memory_space<hbm>>
        %dma_wait3A_48 = arith.constant 9984 : i32
        %dma_wait3A_49 = arith.constant 0 : i32
        %dma_wait3A_50 = tpu.memref_slice %arg5[%dma_wait3A_48, %dma_wait3A_49] : memref<10000x128xf32, #tpu.memory_space<hbm>> -> memref<16x128xf32, #tpu.memory_space<hbm>>
        %dma_wait3A_51 = arith.constant 0 : i32
        %dma_wait3A_52 = arith.constant 0 : i32
        %dma_wait3A_53 = tpu.memref_slice %arg10[%dma_wait3A_51, %dma_wait3A_52] : memref<128x128xf32, #tpu.memory_space<vmem>> -> memref<16x128xf32, #tpu.memory_space<vmem>>
        tpu.wait_dma2 semaphore(%run_scoped3A : memref<!tpu.dma_semaphore, #tpu.memory_space<semaphore_mem>>) src(%dma_wait3A_53 : memref<16x128xf32, #tpu.memory_space<vmem>>) dst(%dma_wait3A_50 : memref<16x128xf32, #tpu.memory_space<hbm>>)
        tpu.yield
      }) : () -> ()
    } else {
    }
    return
  }
}

#map = affine_map<(d0, d1) -> (0, 0)>
#map1 = affine_map<(d0, d1) -> (0)>
module attributes {stable_mosaic.version = 14 : i64} {
  func.func @gat(%arg0: i32, %arg1: i32, %arg2: memref<10000x128xf32, #tpu.memory_space<hbm>>, %arg3: memref<320000xi32, #tpu.memory_space<hbm>>, %arg4: memref<320000x128xf32, #tpu.memory_space<hbm>>, %arg5: memref<128xi32, #tpu.memory_space<vmem>>, %arg6: memref<128x128xf32, #tpu.memory_space<vmem>>, %arg7: memref<!tpu.dma_semaphore, #tpu.memory_space<semaphore_mem>>) attributes {dimension_semantics = [#tpu.dimension_semantics<core_parallel>, #tpu.dimension_semantics<subcore_parallel>], iteration_bounds = array<i64: 2, 16>, scalar_prefetch = 0 : i64, scratch_operands = 3 : i64, tpu.core_type = #tpu.core_type<sc_vector_subcore>, window_params = [{transform_indices = #map}, {transform_indices = #map1}, {transform_indices = #map}]} {
    %mul3A = arith.constant 2 : i32
    %mul3A_0 = arith.muli %arg1, %mul3A : i32
    %add3A = arith.addi %mul3A_0, %arg0 : i32
    %scan3A = arith.constant 0 : i32
    %scan3A_1 = arith.constant 0 : i32
    %scan3A_2 = arith.constant 79 : i32
    %scan3A_3 = arith.addi %scan3A_1, %scan3A_2 : i32
    %scan3A_4 = arith.constant 1 : i32
    scf.for %scan3A_6 = %scan3A_1 to %scan3A_3 step %scan3A_4  : i32 {
      %mul3A_7 = arith.constant 32 : i32
      %mul3A_8 = arith.muli %scan3A_6, %mul3A_7 : i32
      %add3A_9 = arith.addi %mul3A_8, %add3A : i32
      %lt3A = arith.constant 2500 : i32
      %lt3A_10 = arith.cmpi slt, %add3A_9, %lt3A : i32
      %convert_element_type3A = arith.extui %lt3A_10 : i1 to i32
      %cond3A = arith.constant 0 : i32
      %cond3A_11 = arith.cmpi ne, %convert_element_type3A, %cond3A : i32
      scf.if %cond3A_11 {
        %mul3A_12 = arith.constant 128 : i32
        %mul3A_13 = arith.muli %add3A_9, %mul3A_12 : i32
        "tpu.region"() ({
          %run_scoped3A = tpu.sem_alloc : memref<!tpu.dma_semaphore, #tpu.memory_space<semaphore_mem>>
          %dma_start3A_18 = tpu.memref_slice %arg3[%mul3A_13] : memref<320000xi32, #tpu.memory_space<hbm>> -> memref<128xi32, #tpu.memory_space<hbm>>
          %dma_start3A_19 = tpu.memref_slice %arg3[%mul3A_13] : memref<320000xi32, #tpu.memory_space<hbm>> -> memref<128xi32, #tpu.memory_space<hbm>>
          tpu.enqueue_dma source(%dma_start3A_19 : memref<128xi32, #tpu.memory_space<hbm>>) target(%arg5 : memref<128xi32, #tpu.memory_space<vmem>>) target_semaphore(%run_scoped3A : memref<!tpu.dma_semaphore, #tpu.memory_space<semaphore_mem>>)
          %dma_wait3A_20 = tpu.memref_slice %arg3[%mul3A_13] : memref<320000xi32, #tpu.memory_space<hbm>> -> memref<128xi32, #tpu.memory_space<hbm>>
          %dma_wait3A_21 = tpu.memref_slice %arg3[%mul3A_13] : memref<320000xi32, #tpu.memory_space<hbm>> -> memref<128xi32, #tpu.memory_space<hbm>>
          tpu.wait_dma2 semaphore(%run_scoped3A : memref<!tpu.dma_semaphore, #tpu.memory_space<semaphore_mem>>) src(%dma_wait3A_21 : memref<128xi32, #tpu.memory_space<hbm>>) dst(%arg5 : memref<128xi32, #tpu.memory_space<vmem>>)
          tpu.yield
        }) : () -> ()
        %dma_start3A = arith.constant 0 : i32
        %dma_start3A_14 = arith.constant 0 : i32
        %dma_start3A_15 = tpu.memref_slice %arg2[%dma_start3A, %dma_start3A_14] : memref<10000x128xf32, #tpu.memory_space<hbm>> -> memref<10000x128xf32, #tpu.memory_space<hbm>>
        tpu.enqueue_indirect_dma source(%dma_start3A_15 : memref<10000x128xf32, #tpu.memory_space<hbm>>) target(%arg6 : memref<128x128xf32, #tpu.memory_space<vmem>>) offsets(%arg5 : memref<128xi32, #tpu.memory_space<vmem>>) semaphore(%arg7 : memref<!tpu.dma_semaphore, #tpu.memory_space<semaphore_mem>>)
        %dma_wait3A = arith.constant 0 : i32
        %dma_wait3A_16 = arith.constant 0 : i32
        %dma_wait3A_17 = tpu.memref_slice %arg2[%dma_wait3A, %dma_wait3A_16] : memref<10000x128xf32, #tpu.memory_space<hbm>> -> memref<10000x128xf32, #tpu.memory_space<hbm>>
        tpu.wait_indirect_dma semaphore(%arg7 : memref<!tpu.dma_semaphore, #tpu.memory_space<semaphore_mem>>) src(%dma_wait3A_17 : memref<10000x128xf32, #tpu.memory_space<hbm>>) dst(%arg6 : memref<128x128xf32, #tpu.memory_space<vmem>>)
        "tpu.region"() ({
          %run_scoped3A = tpu.sem_alloc : memref<!tpu.dma_semaphore, #tpu.memory_space<semaphore_mem>>
          %dma_start3A_18 = arith.constant 0 : i32
          %dma_start3A_19 = tpu.memref_slice %arg4[%mul3A_13, %dma_start3A_18] : memref<320000x128xf32, #tpu.memory_space<hbm>> -> memref<128x128xf32, #tpu.memory_space<hbm>>
          %dma_start3A_20 = arith.constant 0 : i32
          %dma_start3A_21 = tpu.memref_slice %arg4[%mul3A_13, %dma_start3A_20] : memref<320000x128xf32, #tpu.memory_space<hbm>> -> memref<128x128xf32, #tpu.memory_space<hbm>>
          tpu.enqueue_dma source(%arg6 : memref<128x128xf32, #tpu.memory_space<vmem>>) target(%dma_start3A_21 : memref<128x128xf32, #tpu.memory_space<hbm>>) target_semaphore(%run_scoped3A : memref<!tpu.dma_semaphore, #tpu.memory_space<semaphore_mem>>)
          %dma_wait3A_22 = arith.constant 0 : i32
          %dma_wait3A_23 = tpu.memref_slice %arg4[%mul3A_13, %dma_wait3A_22] : memref<320000x128xf32, #tpu.memory_space<hbm>> -> memref<128x128xf32, #tpu.memory_space<hbm>>
          %dma_wait3A_24 = arith.constant 0 : i32
          %dma_wait3A_25 = tpu.memref_slice %arg4[%mul3A_13, %dma_wait3A_24] : memref<320000x128xf32, #tpu.memory_space<hbm>> -> memref<128x128xf32, #tpu.memory_space<hbm>>
          tpu.wait_dma2 semaphore(%run_scoped3A : memref<!tpu.dma_semaphore, #tpu.memory_space<semaphore_mem>>) src(%arg6 : memref<128x128xf32, #tpu.memory_space<vmem>>) dst(%dma_wait3A_25 : memref<128x128xf32, #tpu.memory_space<hbm>>)
          tpu.yield
        }) : () -> ()
      } else {
      }
    }
    %scan3A_5 = arith.constant 79 : i32
    return
  }
}

#map = affine_map<(d0, d1) -> (0, 0)>
#map1 = affine_map<(d0, d1) -> (0)>
module attributes {stable_mosaic.version = 14 : i64} {
  func.func @gat(%arg0: i32, %arg1: i32, %arg2: memref<10000x128xf32, #tpu.memory_space<hbm>>, %arg3: memref<320000xi32, #tpu.memory_space<hbm>>, %arg4: memref<320000x128xf32, #tpu.memory_space<hbm>>, %arg5: memref<128xi32, #tpu.memory_space<vmem>>, %arg6: memref<128x128xf32, #tpu.memory_space<vmem>>, %arg7: memref<!tpu.dma_semaphore, #tpu.memory_space<semaphore_mem>>) attributes {dimension_semantics = [#tpu.dimension_semantics<core_parallel>, #tpu.dimension_semantics<subcore_parallel>], iteration_bounds = array<i64: 2, 16>, scalar_prefetch = 0 : i64, scratch_operands = 3 : i64, tpu.core_type = #tpu.core_type<sc_vector_subcore>, window_params = [{transform_indices = #map}, {transform_indices = #map1}, {transform_indices = #map}]} {
    %mul3A = arith.constant 2 : i32
    %mul3A_0 = arith.muli %arg1, %mul3A : i32
    %add3A = arith.addi %mul3A_0, %arg0 : i32
    %scan3A = arith.constant 0 : i32
    %scan3A_1 = arith.constant 0 : i32
    %scan3A_2 = arith.constant 79 : i32
    %scan3A_3 = arith.addi %scan3A_1, %scan3A_2 : i32
    %scan3A_4 = arith.constant 1 : i32
    scf.for %scan3A_6 = %scan3A_1 to %scan3A_3 step %scan3A_4  : i32 {
      %mul3A_7 = arith.constant 32 : i32
      %mul3A_8 = arith.muli %scan3A_6, %mul3A_7 : i32
      %add3A_9 = arith.addi %mul3A_8, %add3A : i32
      %lt3A = arith.constant 2500 : i32
      %lt3A_10 = arith.cmpi slt, %add3A_9, %lt3A : i32
      %convert_element_type3A = arith.extui %lt3A_10 : i1 to i32
      %cond3A = arith.constant 0 : i32
      %cond3A_11 = arith.cmpi ne, %convert_element_type3A, %cond3A : i32
      scf.if %cond3A_11 {
        %mul3A_12 = arith.constant 128 : i32
        %mul3A_13 = arith.muli %add3A_9, %mul3A_12 : i32
        "tpu.region"() ({
          %run_scoped3A = tpu.sem_alloc : memref<!tpu.dma_semaphore, #tpu.memory_space<semaphore_mem>>
          %dma_start3A_18 = tpu.memref_slice %arg3[%mul3A_13] : memref<320000xi32, #tpu.memory_space<hbm>> -> memref<128xi32, #tpu.memory_space<hbm>>
          %dma_start3A_19 = tpu.memref_slice %arg3[%mul3A_13] : memref<320000xi32, #tpu.memory_space<hbm>> -> memref<128xi32, #tpu.memory_space<hbm>>
          tpu.enqueue_dma source(%dma_start3A_19 : memref<128xi32, #tpu.memory_space<hbm>>) target(%arg5 : memref<128xi32, #tpu.memory_space<vmem>>) target_semaphore(%run_scoped3A : memref<!tpu.dma_semaphore, #tpu.memory_space<semaphore_mem>>)
          %dma_wait3A_20 = tpu.memref_slice %arg3[%mul3A_13] : memref<320000xi32, #tpu.memory_space<hbm>> -> memref<128xi32, #tpu.memory_space<hbm>>
          %dma_wait3A_21 = tpu.memref_slice %arg3[%mul3A_13] : memref<320000xi32, #tpu.memory_space<hbm>> -> memref<128xi32, #tpu.memory_space<hbm>>
          tpu.wait_dma2 semaphore(%run_scoped3A : memref<!tpu.dma_semaphore, #tpu.memory_space<semaphore_mem>>) src(%dma_wait3A_21 : memref<128xi32, #tpu.memory_space<hbm>>) dst(%arg5 : memref<128xi32, #tpu.memory_space<vmem>>)
          tpu.yield
        }) : () -> ()
        %dma_start3A = arith.constant 0 : i32
        %dma_start3A_14 = arith.constant 0 : i32
        %dma_start3A_15 = tpu.memref_slice %arg2[%dma_start3A, %dma_start3A_14] : memref<10000x128xf32, #tpu.memory_space<hbm>> -> memref<10000x128xf32, #tpu.memory_space<hbm>>
        tpu.enqueue_indirect_dma source(%dma_start3A_15 : memref<10000x128xf32, #tpu.memory_space<hbm>>) target(%arg6 : memref<128x128xf32, #tpu.memory_space<vmem>>) offsets(%arg5 : memref<128xi32, #tpu.memory_space<vmem>>) semaphore(%arg7 : memref<!tpu.dma_semaphore, #tpu.memory_space<semaphore_mem>>)
        %dma_wait3A = arith.constant 0 : i32
        %dma_wait3A_16 = arith.constant 0 : i32
        %dma_wait3A_17 = tpu.memref_slice %arg2[%dma_wait3A, %dma_wait3A_16] : memref<10000x128xf32, #tpu.memory_space<hbm>> -> memref<10000x128xf32, #tpu.memory_space<hbm>>
        tpu.wait_indirect_dma semaphore(%arg7 : memref<!tpu.dma_semaphore, #tpu.memory_space<semaphore_mem>>) src(%dma_wait3A_17 : memref<10000x128xf32, #tpu.memory_space<hbm>>) dst(%arg6 : memref<128x128xf32, #tpu.memory_space<vmem>>)
        "tpu.region"() ({
          %run_scoped3A = tpu.sem_alloc : memref<!tpu.dma_semaphore, #tpu.memory_space<semaphore_mem>>
          %dma_start3A_18 = arith.constant 0 : i32
          %dma_start3A_19 = tpu.memref_slice %arg4[%mul3A_13, %dma_start3A_18] : memref<320000x128xf32, #tpu.memory_space<hbm>> -> memref<128x128xf32, #tpu.memory_space<hbm>>
          %dma_start3A_20 = arith.constant 0 : i32
          %dma_start3A_21 = tpu.memref_slice %arg4[%mul3A_13, %dma_start3A_20] : memref<320000x128xf32, #tpu.memory_space<hbm>> -> memref<128x128xf32, #tpu.memory_space<hbm>>
          tpu.enqueue_dma source(%arg6 : memref<128x128xf32, #tpu.memory_space<vmem>>) target(%dma_start3A_21 : memref<128x128xf32, #tpu.memory_space<hbm>>) target_semaphore(%run_scoped3A : memref<!tpu.dma_semaphore, #tpu.memory_space<semaphore_mem>>)
          %dma_wait3A_22 = arith.constant 0 : i32
          %dma_wait3A_23 = tpu.memref_slice %arg4[%mul3A_13, %dma_wait3A_22] : memref<320000x128xf32, #tpu.memory_space<hbm>> -> memref<128x128xf32, #tpu.memory_space<hbm>>
          %dma_wait3A_24 = arith.constant 0 : i32
          %dma_wait3A_25 = tpu.memref_slice %arg4[%mul3A_13, %dma_wait3A_24] : memref<320000x128xf32, #tpu.memory_space<hbm>> -> memref<128x128xf32, #tpu.memory_space<hbm>>
          tpu.wait_dma2 semaphore(%run_scoped3A : memref<!tpu.dma_semaphore, #tpu.memory_space<semaphore_mem>>) src(%arg6 : memref<128x128xf32, #tpu.memory_space<vmem>>) dst(%dma_wait3A_25 : memref<128x128xf32, #tpu.memory_space<hbm>>)
          tpu.yield
        }) : () -> ()
      } else {
      }
    }
    %scan3A_5 = arith.constant 79 : i32
    return
  }
}

#map = affine_map<(d0, d1) -> (0, 0)>
#map1 = affine_map<(d0, d1) -> (0)>
module attributes {stable_mosaic.version = 14 : i64} {
  func.func @gat(%arg0: i32, %arg1: i32, %arg2: memref<10000x128xf32, #tpu.memory_space<hbm>>, %arg3: memref<320000xi32, #tpu.memory_space<hbm>>, %arg4: memref<320000x128xf32, #tpu.memory_space<hbm>>, %arg5: memref<128xi32, #tpu.memory_space<vmem>>, %arg6: memref<128x128xf32, #tpu.memory_space<vmem>>, %arg7: memref<!tpu.dma_semaphore, #tpu.memory_space<semaphore_mem>>) attributes {dimension_semantics = [#tpu.dimension_semantics<core_parallel>, #tpu.dimension_semantics<subcore_parallel>], iteration_bounds = array<i64: 2, 16>, scalar_prefetch = 0 : i64, scratch_operands = 3 : i64, tpu.core_type = #tpu.core_type<sc_vector_subcore>, window_params = [{transform_indices = #map}, {transform_indices = #map1}, {transform_indices = #map}]} {
    %mul3A = arith.constant 2 : i32
    %mul3A_0 = arith.muli %arg1, %mul3A : i32
    %add3A = arith.addi %mul3A_0, %arg0 : i32
    %scan3A = arith.constant 0 : i32
    %scan3A_1 = arith.constant 0 : i32
    %scan3A_2 = arith.constant 79 : i32
    %scan3A_3 = arith.addi %scan3A_1, %scan3A_2 : i32
    %scan3A_4 = arith.constant 1 : i32
    scf.for %scan3A_6 = %scan3A_1 to %scan3A_3 step %scan3A_4  : i32 {
      %mul3A_7 = arith.constant 32 : i32
      %mul3A_8 = arith.muli %scan3A_6, %mul3A_7 : i32
      %add3A_9 = arith.addi %mul3A_8, %add3A : i32
      %lt3A = arith.constant 2500 : i32
      %lt3A_10 = arith.cmpi slt, %add3A_9, %lt3A : i32
      %convert_element_type3A = arith.extui %lt3A_10 : i1 to i32
      %cond3A = arith.constant 0 : i32
      %cond3A_11 = arith.cmpi ne, %convert_element_type3A, %cond3A : i32
      scf.if %cond3A_11 {
        %mul3A_12 = arith.constant 128 : i32
        %mul3A_13 = arith.muli %add3A_9, %mul3A_12 : i32
        "tpu.region"() ({
          %run_scoped3A = tpu.sem_alloc : memref<!tpu.dma_semaphore, #tpu.memory_space<semaphore_mem>>
          %dma_start3A_18 = tpu.memref_slice %arg3[%mul3A_13] : memref<320000xi32, #tpu.memory_space<hbm>> -> memref<128xi32, #tpu.memory_space<hbm>>
          %dma_start3A_19 = tpu.memref_slice %arg3[%mul3A_13] : memref<320000xi32, #tpu.memory_space<hbm>> -> memref<128xi32, #tpu.memory_space<hbm>>
          tpu.enqueue_dma source(%dma_start3A_19 : memref<128xi32, #tpu.memory_space<hbm>>) target(%arg5 : memref<128xi32, #tpu.memory_space<vmem>>) target_semaphore(%run_scoped3A : memref<!tpu.dma_semaphore, #tpu.memory_space<semaphore_mem>>)
          %dma_wait3A_20 = tpu.memref_slice %arg3[%mul3A_13] : memref<320000xi32, #tpu.memory_space<hbm>> -> memref<128xi32, #tpu.memory_space<hbm>>
          %dma_wait3A_21 = tpu.memref_slice %arg3[%mul3A_13] : memref<320000xi32, #tpu.memory_space<hbm>> -> memref<128xi32, #tpu.memory_space<hbm>>
          tpu.wait_dma2 semaphore(%run_scoped3A : memref<!tpu.dma_semaphore, #tpu.memory_space<semaphore_mem>>) src(%dma_wait3A_21 : memref<128xi32, #tpu.memory_space<hbm>>) dst(%arg5 : memref<128xi32, #tpu.memory_space<vmem>>)
          tpu.yield
        }) : () -> ()
        %dma_start3A = arith.constant 0 : i32
        %dma_start3A_14 = arith.constant 0 : i32
        %dma_start3A_15 = tpu.memref_slice %arg2[%dma_start3A, %dma_start3A_14] : memref<10000x128xf32, #tpu.memory_space<hbm>> -> memref<10000x128xf32, #tpu.memory_space<hbm>>
        tpu.enqueue_indirect_dma source(%dma_start3A_15 : memref<10000x128xf32, #tpu.memory_space<hbm>>) target(%arg6 : memref<128x128xf32, #tpu.memory_space<vmem>>) offsets(%arg5 : memref<128xi32, #tpu.memory_space<vmem>>) semaphore(%arg7 : memref<!tpu.dma_semaphore, #tpu.memory_space<semaphore_mem>>)
        %dma_wait3A = arith.constant 0 : i32
        %dma_wait3A_16 = arith.constant 0 : i32
        %dma_wait3A_17 = tpu.memref_slice %arg2[%dma_wait3A, %dma_wait3A_16] : memref<10000x128xf32, #tpu.memory_space<hbm>> -> memref<10000x128xf32, #tpu.memory_space<hbm>>
        tpu.wait_indirect_dma semaphore(%arg7 : memref<!tpu.dma_semaphore, #tpu.memory_space<semaphore_mem>>) src(%dma_wait3A_17 : memref<10000x128xf32, #tpu.memory_space<hbm>>) dst(%arg6 : memref<128x128xf32, #tpu.memory_space<vmem>>)
        "tpu.region"() ({
          %run_scoped3A = tpu.sem_alloc : memref<!tpu.dma_semaphore, #tpu.memory_space<semaphore_mem>>
          %dma_start3A_18 = arith.constant 0 : i32
          %dma_start3A_19 = tpu.memref_slice %arg4[%mul3A_13, %dma_start3A_18] : memref<320000x128xf32, #tpu.memory_space<hbm>> -> memref<128x128xf32, #tpu.memory_space<hbm>>
          %dma_start3A_20 = arith.constant 0 : i32
          %dma_start3A_21 = tpu.memref_slice %arg4[%mul3A_13, %dma_start3A_20] : memref<320000x128xf32, #tpu.memory_space<hbm>> -> memref<128x128xf32, #tpu.memory_space<hbm>>
          tpu.enqueue_dma source(%arg6 : memref<128x128xf32, #tpu.memory_space<vmem>>) target(%dma_start3A_21 : memref<128x128xf32, #tpu.memory_space<hbm>>) target_semaphore(%run_scoped3A : memref<!tpu.dma_semaphore, #tpu.memory_space<semaphore_mem>>)
          %dma_wait3A_22 = arith.constant 0 : i32
          %dma_wait3A_23 = tpu.memref_slice %arg4[%mul3A_13, %dma_wait3A_22] : memref<320000x128xf32, #tpu.memory_space<hbm>> -> memref<128x128xf32, #tpu.memory_space<hbm>>
          %dma_wait3A_24 = arith.constant 0 : i32
          %dma_wait3A_25 = tpu.memref_slice %arg4[%mul3A_13, %dma_wait3A_24] : memref<320000x128xf32, #tpu.memory_space<hbm>> -> memref<128x128xf32, #tpu.memory_space<hbm>>
          tpu.wait_dma2 semaphore(%run_scoped3A : memref<!tpu.dma_semaphore, #tpu.memory_space<semaphore_mem>>) src(%arg6 : memref<128x128xf32, #tpu.memory_space<vmem>>) dst(%dma_wait3A_25 : memref<128x128xf32, #tpu.memory_space<hbm>>)
          tpu.yield
        }) : () -> ()
      } else {
      }
    }
    %scan3A_5 = arith.constant 79 : i32
    return
  }
}

#map = affine_map<(d0, d1) -> (0, 0)>
#map1 = affine_map<(d0, d1) -> (0)>
module attributes {stable_mosaic.version = 14 : i64} {
  func.func @gat(%arg0: i32, %arg1: i32, %arg2: memref<10000x128xf32, #tpu.memory_space<hbm>>, %arg3: memref<320000xi32, #tpu.memory_space<hbm>>, %arg4: memref<320000x128xf32, #tpu.memory_space<hbm>>, %arg5: memref<128xi32, #tpu.memory_space<vmem>>, %arg6: memref<128x128xf32, #tpu.memory_space<vmem>>, %arg7: memref<!tpu.dma_semaphore, #tpu.memory_space<semaphore_mem>>) attributes {dimension_semantics = [#tpu.dimension_semantics<core_parallel>, #tpu.dimension_semantics<subcore_parallel>], iteration_bounds = array<i64: 2, 16>, scalar_prefetch = 0 : i64, scratch_operands = 3 : i64, tpu.core_type = #tpu.core_type<sc_vector_subcore>, window_params = [{transform_indices = #map}, {transform_indices = #map1}, {transform_indices = #map}]} {
    %mul3A = arith.constant 2 : i32
    %mul3A_0 = arith.muli %arg1, %mul3A : i32
    %add3A = arith.addi %mul3A_0, %arg0 : i32
    %scan3A = arith.constant 0 : i32
    %scan3A_1 = arith.constant 0 : i32
    %scan3A_2 = arith.constant 79 : i32
    %scan3A_3 = arith.addi %scan3A_1, %scan3A_2 : i32
    %scan3A_4 = arith.constant 1 : i32
    scf.for %scan3A_6 = %scan3A_1 to %scan3A_3 step %scan3A_4  : i32 {
      %mul3A_7 = arith.constant 32 : i32
      %mul3A_8 = arith.muli %scan3A_6, %mul3A_7 : i32
      %add3A_9 = arith.addi %mul3A_8, %add3A : i32
      %lt3A = arith.constant 2500 : i32
      %lt3A_10 = arith.cmpi slt, %add3A_9, %lt3A : i32
      %convert_element_type3A = arith.extui %lt3A_10 : i1 to i32
      %cond3A = arith.constant 0 : i32
      %cond3A_11 = arith.cmpi ne, %convert_element_type3A, %cond3A : i32
      scf.if %cond3A_11 {
        %mul3A_12 = arith.constant 128 : i32
        %mul3A_13 = arith.muli %add3A_9, %mul3A_12 : i32
        "tpu.region"() ({
          %run_scoped3A = tpu.sem_alloc : memref<!tpu.dma_semaphore, #tpu.memory_space<semaphore_mem>>
          %dma_start3A_18 = tpu.memref_slice %arg3[%mul3A_13] : memref<320000xi32, #tpu.memory_space<hbm>> -> memref<128xi32, #tpu.memory_space<hbm>>
          %dma_start3A_19 = tpu.memref_slice %arg3[%mul3A_13] : memref<320000xi32, #tpu.memory_space<hbm>> -> memref<128xi32, #tpu.memory_space<hbm>>
          tpu.enqueue_dma source(%dma_start3A_19 : memref<128xi32, #tpu.memory_space<hbm>>) target(%arg5 : memref<128xi32, #tpu.memory_space<vmem>>) target_semaphore(%run_scoped3A : memref<!tpu.dma_semaphore, #tpu.memory_space<semaphore_mem>>)
          %dma_wait3A_20 = tpu.memref_slice %arg3[%mul3A_13] : memref<320000xi32, #tpu.memory_space<hbm>> -> memref<128xi32, #tpu.memory_space<hbm>>
          %dma_wait3A_21 = tpu.memref_slice %arg3[%mul3A_13] : memref<320000xi32, #tpu.memory_space<hbm>> -> memref<128xi32, #tpu.memory_space<hbm>>
          tpu.wait_dma2 semaphore(%run_scoped3A : memref<!tpu.dma_semaphore, #tpu.memory_space<semaphore_mem>>) src(%dma_wait3A_21 : memref<128xi32, #tpu.memory_space<hbm>>) dst(%arg5 : memref<128xi32, #tpu.memory_space<vmem>>)
          tpu.yield
        }) : () -> ()
        %dma_start3A = arith.constant 0 : i32
        %dma_start3A_14 = arith.constant 0 : i32
        %dma_start3A_15 = tpu.memref_slice %arg2[%dma_start3A, %dma_start3A_14] : memref<10000x128xf32, #tpu.memory_space<hbm>> -> memref<10000x128xf32, #tpu.memory_space<hbm>>
        tpu.enqueue_indirect_dma source(%dma_start3A_15 : memref<10000x128xf32, #tpu.memory_space<hbm>>) target(%arg6 : memref<128x128xf32, #tpu.memory_space<vmem>>) offsets(%arg5 : memref<128xi32, #tpu.memory_space<vmem>>) semaphore(%arg7 : memref<!tpu.dma_semaphore, #tpu.memory_space<semaphore_mem>>)
        %dma_wait3A = arith.constant 0 : i32
        %dma_wait3A_16 = arith.constant 0 : i32
        %dma_wait3A_17 = tpu.memref_slice %arg2[%dma_wait3A, %dma_wait3A_16] : memref<10000x128xf32, #tpu.memory_space<hbm>> -> memref<10000x128xf32, #tpu.memory_space<hbm>>
        tpu.wait_indirect_dma semaphore(%arg7 : memref<!tpu.dma_semaphore, #tpu.memory_space<semaphore_mem>>) src(%dma_wait3A_17 : memref<10000x128xf32, #tpu.memory_space<hbm>>) dst(%arg6 : memref<128x128xf32, #tpu.memory_space<vmem>>)
        "tpu.region"() ({
          %run_scoped3A = tpu.sem_alloc : memref<!tpu.dma_semaphore, #tpu.memory_space<semaphore_mem>>
          %dma_start3A_18 = arith.constant 0 : i32
          %dma_start3A_19 = tpu.memref_slice %arg4[%mul3A_13, %dma_start3A_18] : memref<320000x128xf32, #tpu.memory_space<hbm>> -> memref<128x128xf32, #tpu.memory_space<hbm>>
          %dma_start3A_20 = arith.constant 0 : i32
          %dma_start3A_21 = tpu.memref_slice %arg4[%mul3A_13, %dma_start3A_20] : memref<320000x128xf32, #tpu.memory_space<hbm>> -> memref<128x128xf32, #tpu.memory_space<hbm>>
          tpu.enqueue_dma source(%arg6 : memref<128x128xf32, #tpu.memory_space<vmem>>) target(%dma_start3A_21 : memref<128x128xf32, #tpu.memory_space<hbm>>) target_semaphore(%run_scoped3A : memref<!tpu.dma_semaphore, #tpu.memory_space<semaphore_mem>>)
          %dma_wait3A_22 = arith.constant 0 : i32
          %dma_wait3A_23 = tpu.memref_slice %arg4[%mul3A_13, %dma_wait3A_22] : memref<320000x128xf32, #tpu.memory_space<hbm>> -> memref<128x128xf32, #tpu.memory_space<hbm>>
          %dma_wait3A_24 = arith.constant 0 : i32
          %dma_wait3A_25 = tpu.memref_slice %arg4[%mul3A_13, %dma_wait3A_24] : memref<320000x128xf32, #tpu.memory_space<hbm>> -> memref<128x128xf32, #tpu.memory_space<hbm>>
          tpu.wait_dma2 semaphore(%run_scoped3A : memref<!tpu.dma_semaphore, #tpu.memory_space<semaphore_mem>>) src(%arg6 : memref<128x128xf32, #tpu.memory_space<vmem>>) dst(%dma_wait3A_25 : memref<128x128xf32, #tpu.memory_space<hbm>>)
          tpu.yield
        }) : () -> ()
      } else {
      }
    }
    %scan3A_5 = arith.constant 79 : i32
    return
  }
}

#map = affine_map<(d0, d1) -> (0, 0)>
#map1 = affine_map<(d0, d1) -> (0)>
module attributes {stable_mosaic.version = 14 : i64} {
  func.func @gat(%arg0: i32, %arg1: i32, %arg2: memref<10000x128xf32, #tpu.memory_space<hbm>>, %arg3: memref<320000xi32, #tpu.memory_space<hbm>>, %arg4: memref<320000x128xf32, #tpu.memory_space<hbm>>, %arg5: memref<128xi32, #tpu.memory_space<vmem>>, %arg6: memref<128x128xf32, #tpu.memory_space<vmem>>, %arg7: memref<!tpu.dma_semaphore, #tpu.memory_space<semaphore_mem>>) attributes {dimension_semantics = [#tpu.dimension_semantics<core_parallel>, #tpu.dimension_semantics<subcore_parallel>], iteration_bounds = array<i64: 2, 16>, scalar_prefetch = 0 : i64, scratch_operands = 3 : i64, tpu.core_type = #tpu.core_type<sc_vector_subcore>, window_params = [{transform_indices = #map}, {transform_indices = #map1}, {transform_indices = #map}]} {
    %mul3A = arith.constant 2 : i32
    %mul3A_0 = arith.muli %arg1, %mul3A : i32
    %add3A = arith.addi %mul3A_0, %arg0 : i32
    %scan3A = arith.constant 0 : i32
    %scan3A_1 = arith.constant 0 : i32
    %scan3A_2 = arith.constant 79 : i32
    %scan3A_3 = arith.addi %scan3A_1, %scan3A_2 : i32
    %scan3A_4 = arith.constant 1 : i32
    scf.for %scan3A_6 = %scan3A_1 to %scan3A_3 step %scan3A_4  : i32 {
      %mul3A_7 = arith.constant 32 : i32
      %mul3A_8 = arith.muli %scan3A_6, %mul3A_7 : i32
      %add3A_9 = arith.addi %mul3A_8, %add3A : i32
      %lt3A = arith.constant 2500 : i32
      %lt3A_10 = arith.cmpi slt, %add3A_9, %lt3A : i32
      %convert_element_type3A = arith.extui %lt3A_10 : i1 to i32
      %cond3A = arith.constant 0 : i32
      %cond3A_11 = arith.cmpi ne, %convert_element_type3A, %cond3A : i32
      scf.if %cond3A_11 {
        %mul3A_12 = arith.constant 128 : i32
        %mul3A_13 = arith.muli %add3A_9, %mul3A_12 : i32
        "tpu.region"() ({
          %run_scoped3A = tpu.sem_alloc : memref<!tpu.dma_semaphore, #tpu.memory_space<semaphore_mem>>
          %dma_start3A_18 = tpu.memref_slice %arg3[%mul3A_13] : memref<320000xi32, #tpu.memory_space<hbm>> -> memref<128xi32, #tpu.memory_space<hbm>>
          %dma_start3A_19 = tpu.memref_slice %arg3[%mul3A_13] : memref<320000xi32, #tpu.memory_space<hbm>> -> memref<128xi32, #tpu.memory_space<hbm>>
          tpu.enqueue_dma source(%dma_start3A_19 : memref<128xi32, #tpu.memory_space<hbm>>) target(%arg5 : memref<128xi32, #tpu.memory_space<vmem>>) target_semaphore(%run_scoped3A : memref<!tpu.dma_semaphore, #tpu.memory_space<semaphore_mem>>)
          %dma_wait3A_20 = tpu.memref_slice %arg3[%mul3A_13] : memref<320000xi32, #tpu.memory_space<hbm>> -> memref<128xi32, #tpu.memory_space<hbm>>
          %dma_wait3A_21 = tpu.memref_slice %arg3[%mul3A_13] : memref<320000xi32, #tpu.memory_space<hbm>> -> memref<128xi32, #tpu.memory_space<hbm>>
          tpu.wait_dma2 semaphore(%run_scoped3A : memref<!tpu.dma_semaphore, #tpu.memory_space<semaphore_mem>>) src(%dma_wait3A_21 : memref<128xi32, #tpu.memory_space<hbm>>) dst(%arg5 : memref<128xi32, #tpu.memory_space<vmem>>)
          tpu.yield
        }) : () -> ()
        %dma_start3A = arith.constant 0 : i32
        %dma_start3A_14 = arith.constant 0 : i32
        %dma_start3A_15 = tpu.memref_slice %arg2[%dma_start3A, %dma_start3A_14] : memref<10000x128xf32, #tpu.memory_space<hbm>> -> memref<10000x128xf32, #tpu.memory_space<hbm>>
        tpu.enqueue_indirect_dma source(%dma_start3A_15 : memref<10000x128xf32, #tpu.memory_space<hbm>>) target(%arg6 : memref<128x128xf32, #tpu.memory_space<vmem>>) offsets(%arg5 : memref<128xi32, #tpu.memory_space<vmem>>) semaphore(%arg7 : memref<!tpu.dma_semaphore, #tpu.memory_space<semaphore_mem>>)
        %dma_wait3A = arith.constant 0 : i32
        %dma_wait3A_16 = arith.constant 0 : i32
        %dma_wait3A_17 = tpu.memref_slice %arg2[%dma_wait3A, %dma_wait3A_16] : memref<10000x128xf32, #tpu.memory_space<hbm>> -> memref<10000x128xf32, #tpu.memory_space<hbm>>
        tpu.wait_indirect_dma semaphore(%arg7 : memref<!tpu.dma_semaphore, #tpu.memory_space<semaphore_mem>>) src(%dma_wait3A_17 : memref<10000x128xf32, #tpu.memory_space<hbm>>) dst(%arg6 : memref<128x128xf32, #tpu.memory_space<vmem>>)
        "tpu.region"() ({
          %run_scoped3A = tpu.sem_alloc : memref<!tpu.dma_semaphore, #tpu.memory_space<semaphore_mem>>
          %dma_start3A_18 = arith.constant 0 : i32
          %dma_start3A_19 = tpu.memref_slice %arg4[%mul3A_13, %dma_start3A_18] : memref<320000x128xf32, #tpu.memory_space<hbm>> -> memref<128x128xf32, #tpu.memory_space<hbm>>
          %dma_start3A_20 = arith.constant 0 : i32
          %dma_start3A_21 = tpu.memref_slice %arg4[%mul3A_13, %dma_start3A_20] : memref<320000x128xf32, #tpu.memory_space<hbm>> -> memref<128x128xf32, #tpu.memory_space<hbm>>
          tpu.enqueue_dma source(%arg6 : memref<128x128xf32, #tpu.memory_space<vmem>>) target(%dma_start3A_21 : memref<128x128xf32, #tpu.memory_space<hbm>>) target_semaphore(%run_scoped3A : memref<!tpu.dma_semaphore, #tpu.memory_space<semaphore_mem>>)
          %dma_wait3A_22 = arith.constant 0 : i32
          %dma_wait3A_23 = tpu.memref_slice %arg4[%mul3A_13, %dma_wait3A_22] : memref<320000x128xf32, #tpu.memory_space<hbm>> -> memref<128x128xf32, #tpu.memory_space<hbm>>
          %dma_wait3A_24 = arith.constant 0 : i32
          %dma_wait3A_25 = tpu.memref_slice %arg4[%mul3A_13, %dma_wait3A_24] : memref<320000x128xf32, #tpu.memory_space<hbm>> -> memref<128x128xf32, #tpu.memory_space<hbm>>
          tpu.wait_dma2 semaphore(%run_scoped3A : memref<!tpu.dma_semaphore, #tpu.memory_space<semaphore_mem>>) src(%arg6 : memref<128x128xf32, #tpu.memory_space<vmem>>) dst(%dma_wait3A_25 : memref<128x128xf32, #tpu.memory_space<hbm>>)
          tpu.yield
        }) : () -> ()
      } else {
      }
    }
    %scan3A_5 = arith.constant 79 : i32
    return
  }
}

#map = affine_map<(d0, d1) -> (0, 0)>
#map1 = affine_map<(d0, d1) -> (0)>
module attributes {stable_mosaic.version = 14 : i64} {
  func.func @pool(%arg0: i32, %arg1: i32, %arg2: memref<10000x128xf32, #tpu.memory_space<hbm>>, %arg3: memref<10000xi32, #tpu.memory_space<hbm>>, %arg4: memref<16x128xf32, #tpu.memory_space<hbm>>, %arg5: memref<256xf32, #tpu.memory_space<hbm>>, %arg6: memref<256x128xf32, #tpu.memory_space<hbm>>, %arg7: memref<256xf32, #tpu.memory_space<hbm>>, %arg8: memref<128x128xf32, #tpu.memory_space<vmem>>, %arg9: memref<128xi32, #tpu.memory_space<vmem>>, %arg10: memref<16xi32, #tpu.memory_space<vmem>>, %arg11: memref<128xf32, #tpu.memory_space<vmem>>, %arg12: memref<256x128xf32, #tpu.memory_space<vmem_shared>>, %arg13: memref<256xf32, #tpu.memory_space<vmem_shared>>, %arg14: memref<!tpu.dma_semaphore, #tpu.memory_space<semaphore_mem>>) attributes {dimension_semantics = [#tpu.dimension_semantics<core_parallel>, #tpu.dimension_semantics<subcore_parallel>], iteration_bounds = array<i64: 2, 16>, scalar_prefetch = 0 : i64, scratch_operands = 7 : i64, tpu.core_type = #tpu.core_type<sc_vector_subcore>, window_params = [{transform_indices = #map}, {transform_indices = #map1}, {transform_indices = #map}, {transform_indices = #map1}, {transform_indices = #map}, {transform_indices = #map1}]} {
    %mul3A = arith.constant 16 : i32
    %mul3A_0 = arith.muli %arg1, %mul3A : i32
    "tpu.region"() ({
      %run_scoped3A = tpu.sem_alloc : memref<!tpu.dma_semaphore, #tpu.memory_space<semaphore_mem>>
      %dma_start3A = arith.constant 0 : i32
      %dma_start3A_60 = tpu.memref_slice %arg12[%mul3A_0, %dma_start3A] : memref<256x128xf32, #tpu.memory_space<vmem_shared>> -> memref<16x128xf32, #tpu.memory_space<vmem_shared>>
      tpu.enqueue_dma source(%arg4 : memref<16x128xf32, #tpu.memory_space<hbm>>) target(%dma_start3A_60 : memref<16x128xf32, #tpu.memory_space<vmem_shared>>) target_semaphore(%run_scoped3A : memref<!tpu.dma_semaphore, #tpu.memory_space<semaphore_mem>>)
      %dma_wait3A = arith.constant 0 : i32
      %dma_wait3A_61 = tpu.memref_slice %arg12[%mul3A_0, %dma_wait3A] : memref<256x128xf32, #tpu.memory_space<vmem_shared>> -> memref<16x128xf32, #tpu.memory_space<vmem_shared>>
      tpu.wait_dma2 semaphore(%run_scoped3A : memref<!tpu.dma_semaphore, #tpu.memory_space<semaphore_mem>>) src(%arg4 : memref<16x128xf32, #tpu.memory_space<hbm>>) dst(%dma_wait3A_61 : memref<16x128xf32, #tpu.memory_space<vmem_shared>>)
      tpu.yield
    }) : () -> ()
    %eq3A = arith.constant 0 : i32
    %eq3A_1 = arith.cmpi eq, %arg1, %eq3A : i32
    %convert_element_type3A = arith.extui %eq3A_1 : i1 to i32
    %cond3A = arith.constant 0 : i32
    %cond3A_2 = arith.cmpi ne, %convert_element_type3A, %cond3A : i32
    scf.if %cond3A_2 {
      "tpu.region"() ({
        %run_scoped3A = tpu.sem_alloc : memref<!tpu.dma_semaphore, #tpu.memory_space<semaphore_mem>>
        tpu.enqueue_dma source(%arg5 : memref<256xf32, #tpu.memory_space<hbm>>) target(%arg13 : memref<256xf32, #tpu.memory_space<vmem_shared>>) target_semaphore(%run_scoped3A : memref<!tpu.dma_semaphore, #tpu.memory_space<semaphore_mem>>)
        tpu.wait_dma2 semaphore(%run_scoped3A : memref<!tpu.dma_semaphore, #tpu.memory_space<semaphore_mem>>) src(%arg5 : memref<256xf32, #tpu.memory_space<hbm>>) dst(%arg13 : memref<256xf32, #tpu.memory_space<vmem_shared>>)
        tpu.yield
      }) : () -> ()
    } else {
    }
    %broadcast_in_dim3A = arith.constant 1.000000e+00 : f32
    %broadcast_in_dim3A_3 = vector.broadcast %broadcast_in_dim3A : f32 to vector<16xf32>
    %swap3A = arith.constant 0 : index
    %swap3A_4 = tpu.vector_load %arg11[%swap3A] {strides = array<i32>} : memref<128xf32, #tpu.memory_space<vmem>>, vector<16xf32>,
    %swap3A_5 = vector.shape_cast %swap3A_4 : vector<16xf32> to vector<16xf32>
    %swap3A_6 = vector.shape_cast %broadcast_in_dim3A_3 : vector<16xf32> to vector<16xf32>
    tpu.vector_store %arg11[%swap3A], %swap3A_6 {strides = array<i32>} : memref<128xf32, #tpu.memory_space<vmem>>, vector<16xf32>,
    %broadcast_in_dim3A_7 = arith.constant 1.000000e+00 : f32
    %broadcast_in_dim3A_8 = vector.broadcast %broadcast_in_dim3A_7 : f32 to vector<16xf32>
    %swap3A_9 = arith.constant 16 : index
    %swap3A_10 = tpu.vector_load %arg11[%swap3A_9] {strides = array<i32>} : memref<128xf32, #tpu.memory_space<vmem>>, vector<16xf32>,
    %swap3A_11 = vector.shape_cast %swap3A_10 : vector<16xf32> to vector<16xf32>
    %swap3A_12 = vector.shape_cast %broadcast_in_dim3A_8 : vector<16xf32> to vector<16xf32>
    tpu.vector_store %arg11[%swap3A_9], %swap3A_12 {strides = array<i32>} : memref<128xf32, #tpu.memory_space<vmem>>, vector<16xf32>,
    %broadcast_in_dim3A_13 = arith.constant 1.000000e+00 : f32
    %broadcast_in_dim3A_14 = vector.broadcast %broadcast_in_dim3A_13 : f32 to vector<16xf32>
    %swap3A_15 = arith.constant 32 : index
    %swap3A_16 = tpu.vector_load %arg11[%swap3A_15] {strides = array<i32>} : memref<128xf32, #tpu.memory_space<vmem>>, vector<16xf32>,
    %swap3A_17 = vector.shape_cast %swap3A_16 : vector<16xf32> to vector<16xf32>
    %swap3A_18 = vector.shape_cast %broadcast_in_dim3A_14 : vector<16xf32> to vector<16xf32>
    tpu.vector_store %arg11[%swap3A_15], %swap3A_18 {strides = array<i32>} : memref<128xf32, #tpu.memory_space<vmem>>, vector<16xf32>,
    %broadcast_in_dim3A_19 = arith.constant 1.000000e+00 : f32
    %broadcast_in_dim3A_20 = vector.broadcast %broadcast_in_dim3A_19 : f32 to vector<16xf32>
    %swap3A_21 = arith.constant 48 : index
    %swap3A_22 = tpu.vector_load %arg11[%swap3A_21] {strides = array<i32>} : memref<128xf32, #tpu.memory_space<vmem>>, vector<16xf32>,
    %swap3A_23 = vector.shape_cast %swap3A_22 : vector<16xf32> to vector<16xf32>
    %swap3A_24 = vector.shape_cast %broadcast_in_dim3A_20 : vector<16xf32> to vector<16xf32>
    tpu.vector_store %arg11[%swap3A_21], %swap3A_24 {strides = array<i32>} : memref<128xf32, #tpu.memory_space<vmem>>, vector<16xf32>,
    %broadcast_in_dim3A_25 = arith.constant 1.000000e+00 : f32
    %broadcast_in_dim3A_26 = vector.broadcast %broadcast_in_dim3A_25 : f32 to vector<16xf32>
    %swap3A_27 = arith.constant 64 : index
    %swap3A_28 = tpu.vector_load %arg11[%swap3A_27] {strides = array<i32>} : memref<128xf32, #tpu.memory_space<vmem>>, vector<16xf32>,
    %swap3A_29 = vector.shape_cast %swap3A_28 : vector<16xf32> to vector<16xf32>
    %swap3A_30 = vector.shape_cast %broadcast_in_dim3A_26 : vector<16xf32> to vector<16xf32>
    tpu.vector_store %arg11[%swap3A_27], %swap3A_30 {strides = array<i32>} : memref<128xf32, #tpu.memory_space<vmem>>, vector<16xf32>,
    %broadcast_in_dim3A_31 = arith.constant 1.000000e+00 : f32
    %broadcast_in_dim3A_32 = vector.broadcast %broadcast_in_dim3A_31 : f32 to vector<16xf32>
    %swap3A_33 = arith.constant 80 : index
    %swap3A_34 = tpu.vector_load %arg11[%swap3A_33] {strides = array<i32>} : memref<128xf32, #tpu.memory_space<vmem>>, vector<16xf32>,
    %swap3A_35 = vector.shape_cast %swap3A_34 : vector<16xf32> to vector<16xf32>
    %swap3A_36 = vector.shape_cast %broadcast_in_dim3A_32 : vector<16xf32> to vector<16xf32>
    tpu.vector_store %arg11[%swap3A_33], %swap3A_36 {strides = array<i32>} : memref<128xf32, #tpu.memory_space<vmem>>, vector<16xf32>,
    %broadcast_in_dim3A_37 = arith.constant 1.000000e+00 : f32
    %broadcast_in_dim3A_38 = vector.broadcast %broadcast_in_dim3A_37 : f32 to vector<16xf32>
    %swap3A_39 = arith.constant 96 : index
    %swap3A_40 = tpu.vector_load %arg11[%swap3A_39] {strides = array<i32>} : memref<128xf32, #tpu.memory_space<vmem>>, vector<16xf32>,
    %swap3A_41 = vector.shape_cast %swap3A_40 : vector<16xf32> to vector<16xf32>
    %swap3A_42 = vector.shape_cast %broadcast_in_dim3A_38 : vector<16xf32> to vector<16xf32>
    tpu.vector_store %arg11[%swap3A_39], %swap3A_42 {strides = array<i32>} : memref<128xf32, #tpu.memory_space<vmem>>, vector<16xf32>,
    %broadcast_in_dim3A_43 = arith.constant 1.000000e+00 : f32
    %broadcast_in_dim3A_44 = vector.broadcast %broadcast_in_dim3A_43 : f32 to vector<16xf32>
    %swap3A_45 = arith.constant 112 : index
    %swap3A_46 = tpu.vector_load %arg11[%swap3A_45] {strides = array<i32>} : memref<128xf32, #tpu.memory_space<vmem>>, vector<16xf32>,
    %swap3A_47 = vector.shape_cast %swap3A_46 : vector<16xf32> to vector<16xf32>
    %swap3A_48 = vector.shape_cast %broadcast_in_dim3A_44 : vector<16xf32> to vector<16xf32>
    tpu.vector_store %arg11[%swap3A_45], %swap3A_48 {strides = array<i32>} : memref<128xf32, #tpu.memory_space<vmem>>, vector<16xf32>,
    %barrier3A = arith.constant 0 : index
    tpu.barrier barrier_id(%barrier3A)
    %eq3A_49 = arith.constant 0 : i32
    %eq3A_50 = arith.cmpi eq, %arg0, %eq3A_49 : i32
    %convert_element_type3A_51 = arith.extui %eq3A_50 : i1 to i32
    %cond3A_52 = arith.constant 0 : i32
    %cond3A_53 = arith.cmpi ne, %convert_element_type3A_51, %cond3A_52 : i32
    scf.if %cond3A_53 {
      %scan3A = arith.constant 0 : i32
      %scan3A_60 = arith.constant 0 : i32
      %scan3A_61 = arith.constant 5 : i32
      %scan3A_62 = arith.addi %scan3A_60, %scan3A_61 : i32
      %scan3A_63 = arith.constant 1 : i32
      scf.for %scan3A_70 = %scan3A_60 to %scan3A_62 step %scan3A_63  : i32 {
        %mul3A_71 = arith.constant 16 : i32
        %mul3A_72 = arith.muli %scan3A_70, %mul3A_71 : i32
        %add3A = arith.addi %mul3A_72, %arg1 : i32
        %lt3A = arith.constant 78 : i32
        %lt3A_73 = arith.cmpi slt, %add3A, %lt3A : i32
        %convert_element_type3A_74 = arith.extui %lt3A_73 : i1 to i32
        %cond3A_75 = arith.constant 0 : i32
        %cond3A_76 = arith.cmpi ne, %convert_element_type3A_74, %cond3A_75 : i32
        scf.if %cond3A_76 {
          %mul3A_77 = arith.constant 128 : i32
          %mul3A_78 = arith.muli %add3A, %mul3A_77 : i32
          "tpu.region"() ({
            %run_scoped3A = tpu.sem_alloc : memref<!tpu.dma_semaphore, #tpu.memory_space<semaphore_mem>>
            %dma_start3A = arith.constant 0 : i32
            %dma_start3A_79 = tpu.memref_slice %arg2[%mul3A_78, %dma_start3A] : memref<10000x128xf32, #tpu.memory_space<hbm>> -> memref<128x128xf32, #tpu.memory_space<hbm>>
            %dma_start3A_80 = arith.constant 0 : i32
            %dma_start3A_81 = tpu.memref_slice %arg2[%mul3A_78, %dma_start3A_80] : memref<10000x128xf32, #tpu.memory_space<hbm>> -> memref<128x128xf32, #tpu.memory_space<hbm>>
            tpu.enqueue_dma source(%dma_start3A_81 : memref<128x128xf32, #tpu.memory_space<hbm>>) target(%arg8 : memref<128x128xf32, #tpu.memory_space<vmem>>) target_semaphore(%run_scoped3A : memref<!tpu.dma_semaphore, #tpu.memory_space<semaphore_mem>>)
            %dma_wait3A = arith.constant 0 : i32
            %dma_wait3A_82 = tpu.memref_slice %arg2[%mul3A_78, %dma_wait3A] : memref<10000x128xf32, #tpu.memory_space<hbm>> -> memref<128x128xf32, #tpu.memory_space<hbm>>
            %dma_wait3A_83 = arith.constant 0 : i32
            %dma_wait3A_84 = tpu.memref_slice %arg2[%mul3A_78, %dma_wait3A_83] : memref<10000x128xf32, #tpu.memory_space<hbm>> -> memref<128x128xf32, #tpu.memory_space<hbm>>
            tpu.wait_dma2 semaphore(%run_scoped3A : memref<!tpu.dma_semaphore, #tpu.memory_space<semaphore_mem>>) src(%dma_wait3A_84 : memref<128x128xf32, #tpu.memory_space<hbm>>) dst(%arg8 : memref<128x128xf32, #tpu.memory_space<vmem>>)
            tpu.yield
          }) : () -> ()
          "tpu.region"() ({
            %run_scoped3A = tpu.sem_alloc : memref<!tpu.dma_semaphore, #tpu.memory_space<semaphore_mem>>
            %dma_start3A = tpu.memref_slice %arg3[%mul3A_78] : memref<10000xi32, #tpu.memory_space<hbm>> -> memref<128xi32, #tpu.memory_space<hbm>>
            %dma_start3A_79 = tpu.memref_slice %arg3[%mul3A_78] : memref<10000xi32, #tpu.memory_space<hbm>> -> memref<128xi32, #tpu.memory_space<hbm>>
            tpu.enqueue_dma source(%dma_start3A_79 : memref<128xi32, #tpu.memory_space<hbm>>) target(%arg9 : memref<128xi32, #tpu.memory_space<vmem>>) target_semaphore(%run_scoped3A : memref<!tpu.dma_semaphore, #tpu.memory_space<semaphore_mem>>)
            %dma_wait3A = tpu.memref_slice %arg3[%mul3A_78] : memref<10000xi32, #tpu.memory_space<hbm>> -> memref<128xi32, #tpu.memory_space<hbm>>
            %dma_wait3A_80 = tpu.memref_slice %arg3[%mul3A_78] : memref<10000xi32, #tpu.memory_space<hbm>> -> memref<128xi32, #tpu.memory_space<hbm>>
            tpu.wait_dma2 semaphore(%run_scoped3A : memref<!tpu.dma_semaphore, #tpu.memory_space<semaphore_mem>>) src(%dma_wait3A_80 : memref<128xi32, #tpu.memory_space<hbm>>) dst(%arg9 : memref<128xi32, #tpu.memory_space<vmem>>)
            tpu.yield
          }) : () -> ()
          "tpu.region"() ({
            %run_scoped3A = tpu.sem_alloc : memref<!tpu.dma_semaphore, #tpu.memory_space<semaphore_mem>>
            %dma_start3A = arith.constant 0 : i32
            %dma_start3A_79 = arith.constant 0 : i32
            %dma_start3A_80 = tpu.memref_slice %arg12[%dma_start3A, %dma_start3A_79] : memref<256x128xf32, #tpu.memory_space<vmem_shared>> -> memref<256x128xf32, #tpu.memory_space<vmem_shared>>
            tpu.enqueue_indirect_dma source(%arg8 : memref<128x128xf32, #tpu.memory_space<vmem>>) target(%dma_start3A_80 : memref<256x128xf32, #tpu.memory_space<vmem_shared>>) offsets(%arg9 : memref<128xi32, #tpu.memory_space<vmem>>) semaphore(%run_scoped3A : memref<!tpu.dma_semaphore, #tpu.memory_space<semaphore_mem>>) {add = true}
            %dma_wait3A = arith.constant 0 : i32
            %dma_wait3A_81 = arith.constant 0 : i32
            %dma_wait3A_82 = tpu.memref_slice %arg12[%dma_wait3A, %dma_wait3A_81] : memref<256x128xf32, #tpu.memory_space<vmem_shared>> -> memref<256x128xf32, #tpu.memory_space<vmem_shared>>
            tpu.wait_indirect_dma semaphore(%run_scoped3A : memref<!tpu.dma_semaphore, #tpu.memory_space<semaphore_mem>>) src(%arg8 : memref<128x128xf32, #tpu.memory_space<vmem>>) dst(%dma_wait3A_82 : memref<256x128xf32, #tpu.memory_space<vmem_shared>>)
            tpu.yield
          }) : () -> ()
          "tpu.region"() ({
            %run_scoped3A = tpu.sem_alloc : memref<!tpu.dma_semaphore, #tpu.memory_space<semaphore_mem>>
            %dma_start3A = arith.constant 0 : i32
            %dma_start3A_79 = tpu.memref_slice %arg13[%dma_start3A] : memref<256xf32, #tpu.memory_space<vmem_shared>> -> memref<256xf32, #tpu.memory_space<vmem_shared>>
            tpu.enqueue_indirect_dma source(%arg11 : memref<128xf32, #tpu.memory_space<vmem>>) target(%dma_start3A_79 : memref<256xf32, #tpu.memory_space<vmem_shared>>) offsets(%arg9 : memref<128xi32, #tpu.memory_space<vmem>>) semaphore(%run_scoped3A : memref<!tpu.dma_semaphore, #tpu.memory_space<semaphore_mem>>) {add = true}
            %dma_wait3A = arith.constant 0 : i32
            %dma_wait3A_80 = tpu.memref_slice %arg13[%dma_wait3A] : memref<256xf32, #tpu.memory_space<vmem_shared>> -> memref<256xf32, #tpu.memory_space<vmem_shared>>
            tpu.wait_indirect_dma semaphore(%run_scoped3A : memref<!tpu.dma_semaphore, #tpu.memory_space<semaphore_mem>>) src(%arg11 : memref<128xf32, #tpu.memory_space<vmem>>) dst(%dma_wait3A_80 : memref<256xf32, #tpu.memory_space<vmem_shared>>)
            tpu.yield
          }) : () -> ()
        } else {
        }
      }
      %scan3A_64 = arith.constant 5 : i32
      %eq3A_65 = arith.constant 0 : i32
      %eq3A_66 = arith.cmpi eq, %arg1, %eq3A_65 : i32
      %convert_element_type3A_67 = arith.extui %eq3A_66 : i1 to i32
      %cond3A_68 = arith.constant 0 : i32
      %cond3A_69 = arith.cmpi ne, %convert_element_type3A_67, %cond3A_68 : i32
      scf.if %cond3A_69 {
        "tpu.region"() ({
          %run_scoped3A = tpu.sem_alloc : memref<!tpu.dma_semaphore, #tpu.memory_space<semaphore_mem>>
          %dma_start3A = arith.constant 0 : i32
          %dma_start3A_70 = arith.constant 0 : i32
          %dma_start3A_71 = tpu.memref_slice %arg8[%dma_start3A, %dma_start3A_70] : memref<128x128xf32, #tpu.memory_space<vmem>> -> memref<16x128xf32, #tpu.memory_space<vmem>>
          %dma_start3A_72 = arith.constant 9984 : i32
          %dma_start3A_73 = arith.constant 0 : i32
          %dma_start3A_74 = tpu.memref_slice %arg2[%dma_start3A_72, %dma_start3A_73] : memref<10000x128xf32, #tpu.memory_space<hbm>> -> memref<16x128xf32, #tpu.memory_space<hbm>>
          %dma_start3A_75 = arith.constant 0 : i32
          %dma_start3A_76 = arith.constant 0 : i32
          %dma_start3A_77 = tpu.memref_slice %arg8[%dma_start3A_75, %dma_start3A_76] : memref<128x128xf32, #tpu.memory_space<vmem>> -> memref<16x128xf32, #tpu.memory_space<vmem>>
          %dma_start3A_78 = arith.constant 9984 : i32
          %dma_start3A_79 = arith.constant 0 : i32
          %dma_start3A_80 = tpu.memref_slice %arg2[%dma_start3A_78, %dma_start3A_79] : memref<10000x128xf32, #tpu.memory_space<hbm>> -> memref<16x128xf32, #tpu.memory_space<hbm>>
          tpu.enqueue_dma source(%dma_start3A_80 : memref<16x128xf32, #tpu.memory_space<hbm>>) target(%dma_start3A_77 : memref<16x128xf32, #tpu.memory_space<vmem>>) target_semaphore(%run_scoped3A : memref<!tpu.dma_semaphore, #tpu.memory_space<semaphore_mem>>)
          %dma_wait3A = arith.constant 0 : i32
          %dma_wait3A_81 = arith.constant 0 : i32
          %dma_wait3A_82 = tpu.memref_slice %arg8[%dma_wait3A, %dma_wait3A_81] : memref<128x128xf32, #tpu.memory_space<vmem>> -> memref<16x128xf32, #tpu.memory_space<vmem>>
          %dma_wait3A_83 = arith.constant 9984 : i32
          %dma_wait3A_84 = arith.constant 0 : i32
          %dma_wait3A_85 = tpu.memref_slice %arg2[%dma_wait3A_83, %dma_wait3A_84] : memref<10000x128xf32, #tpu.memory_space<hbm>> -> memref<16x128xf32, #tpu.memory_space<hbm>>
          %dma_wait3A_86 = arith.constant 0 : i32
          %dma_wait3A_87 = arith.constant 0 : i32
          %dma_wait3A_88 = tpu.memref_slice %arg8[%dma_wait3A_86, %dma_wait3A_87] : memref<128x128xf32, #tpu.memory_space<vmem>> -> memref<16x128xf32, #tpu.memory_space<vmem>>
          %dma_wait3A_89 = arith.constant 9984 : i32
          %dma_wait3A_90 = arith.constant 0 : i32
          %dma_wait3A_91 = tpu.memref_slice %arg2[%dma_wait3A_89, %dma_wait3A_90] : memref<10000x128xf32, #tpu.memory_space<hbm>> -> memref<16x128xf32, #tpu.memory_space<hbm>>
          tpu.wait_dma2 semaphore(%run_scoped3A : memref<!tpu.dma_semaphore, #tpu.memory_space<semaphore_mem>>) src(%dma_wait3A_91 : memref<16x128xf32, #tpu.memory_space<hbm>>) dst(%dma_wait3A_88 : memref<16x128xf32, #tpu.memory_space<vmem>>)
          tpu.yield
        }) : () -> ()
        "tpu.region"() ({
          %run_scoped3A = tpu.sem_alloc : memref<!tpu.dma_semaphore, #tpu.memory_space<semaphore_mem>>
          %dma_start3A = arith.constant 9984 : i32
          %dma_start3A_70 = tpu.memref_slice %arg3[%dma_start3A] : memref<10000xi32, #tpu.memory_space<hbm>> -> memref<16xi32, #tpu.memory_space<hbm>>
          %dma_start3A_71 = arith.constant 9984 : i32
          %dma_start3A_72 = tpu.memref_slice %arg3[%dma_start3A_71] : memref<10000xi32, #tpu.memory_space<hbm>> -> memref<16xi32, #tpu.memory_space<hbm>>
          tpu.enqueue_dma source(%dma_start3A_72 : memref<16xi32, #tpu.memory_space<hbm>>) target(%arg10 : memref<16xi32, #tpu.memory_space<vmem>>) target_semaphore(%run_scoped3A : memref<!tpu.dma_semaphore, #tpu.memory_space<semaphore_mem>>)
          %dma_wait3A = arith.constant 9984 : i32
          %dma_wait3A_73 = tpu.memref_slice %arg3[%dma_wait3A] : memref<10000xi32, #tpu.memory_space<hbm>> -> memref<16xi32, #tpu.memory_space<hbm>>
          %dma_wait3A_74 = arith.constant 9984 : i32
          %dma_wait3A_75 = tpu.memref_slice %arg3[%dma_wait3A_74] : memref<10000xi32, #tpu.memory_space<hbm>> -> memref<16xi32, #tpu.memory_space<hbm>>
          tpu.wait_dma2 semaphore(%run_scoped3A : memref<!tpu.dma_semaphore, #tpu.memory_space<semaphore_mem>>) src(%dma_wait3A_75 : memref<16xi32, #tpu.memory_space<hbm>>) dst(%arg10 : memref<16xi32, #tpu.memory_space<vmem>>)
          tpu.yield
        }) : () -> ()
        "tpu.region"() ({
          %run_scoped3A = tpu.sem_alloc : memref<!tpu.dma_semaphore, #tpu.memory_space<semaphore_mem>>
          %dma_start3A = arith.constant 0 : i32
          %dma_start3A_70 = arith.constant 0 : i32
          %dma_start3A_71 = tpu.memref_slice %arg8[%dma_start3A, %dma_start3A_70] : memref<128x128xf32, #tpu.memory_space<vmem>> -> memref<16x128xf32, #tpu.memory_space<vmem>>
          %dma_start3A_72 = arith.constant 0 : i32
          %dma_start3A_73 = arith.constant 0 : i32
          %dma_start3A_74 = tpu.memref_slice %arg12[%dma_start3A_72, %dma_start3A_73] : memref<256x128xf32, #tpu.memory_space<vmem_shared>> -> memref<256x128xf32, #tpu.memory_space<vmem_shared>>
          tpu.enqueue_indirect_dma source(%dma_start3A_71 : memref<16x128xf32, #tpu.memory_space<vmem>>) target(%dma_start3A_74 : memref<256x128xf32, #tpu.memory_space<vmem_shared>>) offsets(%arg10 : memref<16xi32, #tpu.memory_space<vmem>>) semaphore(%run_scoped3A : memref<!tpu.dma_semaphore, #tpu.memory_space<semaphore_mem>>) {add = true}
          %dma_wait3A = arith.constant 0 : i32
          %dma_wait3A_75 = arith.constant 0 : i32
          %dma_wait3A_76 = tpu.memref_slice %arg8[%dma_wait3A, %dma_wait3A_75] : memref<128x128xf32, #tpu.memory_space<vmem>> -> memref<16x128xf32, #tpu.memory_space<vmem>>
          %dma_wait3A_77 = arith.constant 0 : i32
          %dma_wait3A_78 = arith.constant 0 : i32
          %dma_wait3A_79 = tpu.memref_slice %arg12[%dma_wait3A_77, %dma_wait3A_78] : memref<256x128xf32, #tpu.memory_space<vmem_shared>> -> memref<256x128xf32, #tpu.memory_space<vmem_shared>>
          tpu.wait_indirect_dma semaphore(%run_scoped3A : memref<!tpu.dma_semaphore, #tpu.memory_space<semaphore_mem>>) src(%dma_wait3A_76 : memref<16x128xf32, #tpu.memory_space<vmem>>) dst(%dma_wait3A_79 : memref<256x128xf32, #tpu.memory_space<vmem_shared>>)
          tpu.yield
        }) : () -> ()
        "tpu.region"() ({
          %run_scoped3A = tpu.sem_alloc : memref<!tpu.dma_semaphore, #tpu.memory_space<semaphore_mem>>
          %dma_start3A = arith.constant 0 : i32
          %dma_start3A_70 = tpu.memref_slice %arg11[%dma_start3A] : memref<128xf32, #tpu.memory_space<vmem>> -> memref<16xf32, #tpu.memory_space<vmem>>
          %dma_start3A_71 = arith.constant 0 : i32
          %dma_start3A_72 = tpu.memref_slice %arg13[%dma_start3A_71] : memref<256xf32, #tpu.memory_space<vmem_shared>> -> memref<256xf32, #tpu.memory_space<vmem_shared>>
          tpu.enqueue_indirect_dma source(%dma_start3A_70 : memref<16xf32, #tpu.memory_space<vmem>>) target(%dma_start3A_72 : memref<256xf32, #tpu.memory_space<vmem_shared>>) offsets(%arg10 : memref<16xi32, #tpu.memory_space<vmem>>) semaphore(%run_scoped3A : memref<!tpu.dma_semaphore, #tpu.memory_space<semaphore_mem>>) {add = true}
          %dma_wait3A = arith.constant 0 : i32
          %dma_wait3A_73 = tpu.memref_slice %arg11[%dma_wait3A] : memref<128xf32, #tpu.memory_space<vmem>> -> memref<16xf32, #tpu.memory_space<vmem>>
          %dma_wait3A_74 = arith.constant 0 : i32
          %dma_wait3A_75 = tpu.memref_slice %arg13[%dma_wait3A_74] : memref<256xf32, #tpu.memory_space<vmem_shared>> -> memref<256xf32, #tpu.memory_space<vmem_shared>>
          tpu.wait_indirect_dma semaphore(%run_scoped3A : memref<!tpu.dma_semaphore, #tpu.memory_space<semaphore_mem>>) src(%dma_wait3A_73 : memref<16xf32, #tpu.memory_space<vmem>>) dst(%dma_wait3A_75 : memref<256xf32, #tpu.memory_space<vmem_shared>>)
          tpu.yield
        }) : () -> ()
      } else {
      }
    } else {
    }
    %barrier3A_54 = arith.constant 0 : index
    tpu.barrier barrier_id(%barrier3A_54)
    %eq3A_55 = arith.constant 0 : i32
    %eq3A_56 = arith.cmpi eq, %arg0, %eq3A_55 : i32
    %convert_element_type3A_57 = arith.extui %eq3A_56 : i1 to i32
    %cond3A_58 = arith.constant 0 : i32
    %cond3A_59 = arith.cmpi ne, %convert_element_type3A_57, %cond3A_58 : i32
    scf.if %cond3A_59 {
      %mul3A_60 = arith.constant 16 : i32
      %mul3A_61 = arith.muli %arg1, %mul3A_60 : i32
      %mul3A_62 = arith.constant 16 : i32
      %mul3A_63 = arith.muli %arg1, %mul3A_62 : i32
      "tpu.region"() ({
        %run_scoped3A = tpu.sem_alloc : memref<!tpu.dma_semaphore, #tpu.memory_space<semaphore_mem>>
        %dma_start3A = arith.constant 0 : i32
        %dma_start3A_69 = tpu.memref_slice %arg6[%mul3A_63, %dma_start3A] : memref<256x128xf32, #tpu.memory_space<hbm>> -> memref<16x128xf32, #tpu.memory_space<hbm>>
        %dma_start3A_70 = arith.constant 0 : i32
        %dma_start3A_71 = tpu.memref_slice %arg12[%mul3A_61, %dma_start3A_70] : memref<256x128xf32, #tpu.memory_space<vmem_shared>> -> memref<16x128xf32, #tpu.memory_space<vmem_shared>>
        tpu.enqueue_dma source(%dma_start3A_71 : memref<16x128xf32, #tpu.memory_space<vmem_shared>>) target(%dma_start3A_69 : memref<16x128xf32, #tpu.memory_space<hbm>>) target_semaphore(%run_scoped3A : memref<!tpu.dma_semaphore, #tpu.memory_space<semaphore_mem>>)
        %dma_wait3A = arith.constant 0 : i32
        %dma_wait3A_72 = tpu.memref_slice %arg6[%mul3A_63, %dma_wait3A] : memref<256x128xf32, #tpu.memory_space<hbm>> -> memref<16x128xf32, #tpu.memory_space<hbm>>
        %dma_wait3A_73 = arith.constant 0 : i32
        %dma_wait3A_74 = tpu.memref_slice %arg12[%mul3A_61, %dma_wait3A_73] : memref<256x128xf32, #tpu.memory_space<vmem_shared>> -> memref<16x128xf32, #tpu.memory_space<vmem_shared>>
        tpu.wait_dma2 semaphore(%run_scoped3A : memref<!tpu.dma_semaphore, #tpu.memory_space<semaphore_mem>>) src(%dma_wait3A_74 : memref<16x128xf32, #tpu.memory_space<vmem_shared>>) dst(%dma_wait3A_72 : memref<16x128xf32, #tpu.memory_space<hbm>>)
        tpu.yield
      }) : () -> ()
      %eq3A_64 = arith.constant 0 : i32
      %eq3A_65 = arith.cmpi eq, %arg1, %eq3A_64 : i32
      %convert_element_type3A_66 = arith.extui %eq3A_65 : i1 to i32
      %cond3A_67 = arith.constant 0 : i32
      %cond3A_68 = arith.cmpi ne, %convert_element_type3A_66, %cond3A_67 : i32
      scf.if %cond3A_68 {
        "tpu.region"() ({
          %run_scoped3A = tpu.sem_alloc : memref<!tpu.dma_semaphore, #tpu.memory_space<semaphore_mem>>
          tpu.enqueue_dma source(%arg13 : memref<256xf32, #tpu.memory_space<vmem_shared>>) target(%arg7 : memref<256xf32, #tpu.memory_space<hbm>>) target_semaphore(%run_scoped3A : memref<!tpu.dma_semaphore, #tpu.memory_space<semaphore_mem>>)
          tpu.wait_dma2 semaphore(%run_scoped3A : memref<!tpu.dma_semaphore, #tpu.memory_space<semaphore_mem>>) src(%arg13 : memref<256xf32, #tpu.memory_space<vmem_shared>>) dst(%arg7 : memref<256xf32, #tpu.memory_space<hbm>>)
          tpu.yield
        }) : () -> ()
      } else {
      }
    } else {
    }
    return
  }
}

module attributes {stable_mosaic.version = 14 : i64} {
  func.func @_scat_body(%arg0: i32, %arg1: memref<2000x128xf32, #tpu.memory_space<vmem>>, %arg2: memref<2000x1xi32, #tpu.memory_space<vmem>>, %arg3: memref<1x1x2000xi32, #tpu.memory_space<smem>>, %arg4: memref<32x128xf32, #tpu.memory_space<vmem>>, %arg5: memref<10000x128xf32, #tpu.memory_space<vmem>>, %arg6: memref<10000x128xf32, #tpu.memory_space<vmem>>, %arg7: memref<2000x128xf32, #tpu.memory_space<vmem>>) attributes {dimension_semantics = [#tpu.dimension_semantics<arbitrary>], iteration_bounds = array<i64: 160>, scalar_prefetch = 0 : i64, scratch_operands = 2 : i64, tpu.core_type = #tpu.core_type<tc>, window_params = [{transform_indices = @transform_0, window_bounds = array<i64: 2000, 128>}, {transform_indices = @transform_1, window_bounds = array<i64: 2000, 1>}, {transform_indices = @transform_2, window_bounds = array<i64: 1, 1, 2000>}, {pipeline_mode = #tpu.pipeline_mode<synchronous>, transform_indices = @transform_3, window_bounds = array<i64: 32, 128>}, {pipeline_mode = #tpu.pipeline_mode<synchronous>, transform_indices = @transform_4, window_bounds = array<i64: 10000, 128>}]} {
    %eq3A = arith.constant 0 : i32
    %eq3A_0 = arith.cmpi eq, %arg0, %eq3A : i32
    %convert_element_type3A = arith.extui %eq3A_0 : i1 to i32
    %cond3A = arith.constant 0 : i32
    %cond3A_1 = arith.cmpi ne, %convert_element_type3A, %cond3A : i32
    scf.if %cond3A_1 {
      %broadcast_in_dim3A = arith.constant 0.000000e+00 : f32
      %broadcast_in_dim3A_26 = vector.broadcast %broadcast_in_dim3A : f32 to vector<10000x128xf32>
      %swap3A_27 = arith.constant 0 : index
      %swap3A_28 = arith.constant 0 : index
      %swap3A_29 = vector.load %arg6[%swap3A_27, %swap3A_28] : memref<10000x128xf32, #tpu.memory_space<vmem>>, vector<10000x128xf32>
      tpu.vector_store %arg6[%swap3A_27, %swap3A_28], %broadcast_in_dim3A_26 {strides = array<i32>} : memref<10000x128xf32, #tpu.memory_space<vmem>>, vector<10000x128xf32>,
    } else {
    }
    %iota3A = tpu.iota {dimensions = array<i32: 1>} : vector<2000x32xi32>
    %get3A = arith.constant 0 : index
    %get3A_2 = arith.constant 0 : index
    %get3A_3 = vector.load %arg2[%get3A, %get3A_2] : memref<2000x1xi32, #tpu.memory_space<vmem>>, vector<2000x1xi32>
    %eq3A_4 = vector.broadcast %get3A_3 : vector<2000x1xi32> to vector<2000x32xi32>
    %eq3A_5 = arith.cmpi eq, %iota3A, %eq3A_4 : vector<2000x32xi32>
    %convert_element_type3A_6 = arith.extui %eq3A_5 : vector<2000x32xi1> to vector<2000x32xi32>
    %convert_element_type3A_7 = arith.sitofp %convert_element_type3A_6 : vector<2000x32xi32> to vector<2000x32xf32>
    %get3A_8 = arith.constant 0 : index
    %get3A_9 = arith.constant 0 : index
    %get3A_10 = vector.load %arg4[%get3A_8, %get3A_9] : memref<32x128xf32, #tpu.memory_space<vmem>>, vector<32x128xf32>
    %dot_general3A = arith.constant dense<0.000000e+00> : vector<2000x128xf32>
    %dot_general3A_11 = tpu.matmul %convert_element_type3A_7, %get3A_10, %dot_general3A {dimension_numbers = #tpu.dot_dimension_numbers<[1], [0], [0], [1], [0, 0, 1, 1], [], []>, precision = #tpu.contract_precision<fp32>, transpose_lhs_hint = false} : vector<2000x32xf32>, vector<32x128xf32>, vector<2000x128xf32> -> vector<2000x128xf32>
    %get3A_12 = arith.constant 0 : index
    %get3A_13 = arith.constant 0 : index
    %get3A_14 = vector.load %arg1[%get3A_12, %get3A_13] : memref<2000x128xf32, #tpu.memory_space<vmem>>, vector<2000x128xf32>
    %add3A = arith.addf %get3A_14, %dot_general3A_11 : vector<2000x128xf32>
    %swap3A = arith.constant 0 : index
    %swap3A_15 = arith.constant 0 : index
    %swap3A_16 = vector.load %arg7[%swap3A, %swap3A_15] : memref<2000x128xf32, #tpu.memory_space<vmem>>, vector<2000x128xf32>
    tpu.vector_store %arg7[%swap3A, %swap3A_15], %add3A {strides = array<i32>} : memref<2000x128xf32, #tpu.memory_space<vmem>>, vector<2000x128xf32>,
    %scan3A = arith.constant 0 : i32
    %scan3A_17 = arith.constant 2000 : i32
    %scan3A_18 = arith.addi %scan3A, %scan3A_17 : i32
    %scan3A_19 = arith.constant 1 : i32
    scf.for %scan3A_26 = %scan3A to %scan3A_18 step %scan3A_19  : i32 {
      %get3A_27 = arith.constant 0 : index
      %get3A_28 = arith.constant 0 : index
      %get3A_29 = arith.index_cast %scan3A_26 : i32 to index
      %get3A_30 = memref.load %arg3[%get3A_27, %get3A_28, %get3A_29] : memref<1x1x2000xi32, #tpu.memory_space<smem>>
      %get3A_31 = arith.index_cast %get3A_30 : i32 to index
      %get3A_32 = arith.constant 0 : index
      %get3A_33 = vector.load %arg6[%get3A_31, %get3A_32] : memref<10000x128xf32, #tpu.memory_space<vmem>>, vector<1x128xf32>
      %get3A_34 = arith.index_cast %scan3A_26 : i32 to index
      %get3A_35 = arith.constant 0 : index
      %get3A_36 = vector.load %arg7[%get3A_34, %get3A_35] : memref<2000x128xf32, #tpu.memory_space<vmem>>, vector<1x128xf32>
      %add3A_37 = arith.addf %get3A_33, %get3A_36 : vector<1x128xf32>
      %swap3A_38 = arith.index_cast %get3A_30 : i32 to index
      %swap3A_39 = arith.constant 0 : index
      %swap3A_40 = vector.load %arg6[%swap3A_38, %swap3A_39] : memref<10000x128xf32, #tpu.memory_space<vmem>>, vector<1x128xf32>
      tpu.vector_store %arg6[%swap3A_38, %swap3A_39], %add3A_37 {strides = array<i32>} : memref<10000x128xf32, #tpu.memory_space<vmem>>, vector<1x128xf32>,
    }
    %scan3A_20 = arith.constant 2000 : i32
    %eq3A_21 = arith.constant 159 : i32
    %eq3A_22 = arith.cmpi eq, %arg0, %eq3A_21 : i32
    %convert_element_type3A_23 = arith.extui %eq3A_22 : i1 to i32
    %cond3A_24 = arith.constant 0 : i32
    %cond3A_25 = arith.cmpi ne, %convert_element_type3A_23, %cond3A_24 : i32
    scf.if %cond3A_25 {
      %get3A_26 = arith.constant 0 : index
      %get3A_27 = arith.constant 0 : index
      %get3A_28 = vector.load %arg6[%get3A_26, %get3A_27] : memref<10000x128xf32, #tpu.memory_space<vmem>>, vector<10000x128xf32>
      %swap3A_29 = arith.constant 0 : index
      %swap3A_30 = arith.constant 0 : index
      %swap3A_31 = vector.load %arg5[%swap3A_29, %swap3A_30] : memref<10000x128xf32, #tpu.memory_space<vmem>>, vector<10000x128xf32>
      tpu.vector_store %arg5[%swap3A_29, %swap3A_30], %get3A_28 {strides = array<i32>} : memref<10000x128xf32, #tpu.memory_space<vmem>>, vector<10000x128xf32>,
    } else {
    }
    return
  }
  func.func @transform_0(%arg0: i32) -> (i32, i32) {
    %c0_i32 = arith.constant 0 : i32
    %c0_i32_0 = arith.constant 0 : i32
    return %arg0, %c0_i32 : i32, i32
  }
  func.func @transform_1(%arg0: i32) -> (i32, i32) {
    %c0_i32 = arith.constant 0 : i32
    %c0_i32_0 = arith.constant 0 : i32
    return %arg0, %c0_i32 : i32, i32
  }
  func.func @transform_2(%arg0: i32) -> (i32, i32, i32) {
    %c0_i32 = arith.constant 0 : i32
    %c0_i32_0 = arith.constant 0 : i32
    %c0_i32_1 = arith.constant 0 : i32
    return %arg0, %c0_i32, %c0_i32_0 : i32, i32, i32
  }
  func.func @transform_3(%arg0: i32) -> (i32, i32) {
    %c0_i32 = arith.constant 0 : i32
    %c0_i32_0 = arith.constant 0 : i32
    %c0_i32_1 = arith.constant 0 : i32
    return %c0_i32, %c0_i32_0 : i32, i32
  }
  func.func @transform_4(%arg0: i32) -> (i32, i32) {
    %c0_i32 = arith.constant 0 : i32
    %c0_i32_0 = arith.constant 0 : i32
    %c0_i32_1 = arith.constant 0 : i32
    return %c0_i32, %c0_i32_0 : i32, i32
  }
}

module attributes {stable_mosaic.version = 14 : i64} {
  func.func @_tc1_body(%arg0: i32, %arg1: memref<2000x128xf32, #tpu.memory_space<vmem>>, %arg2: memref<2000x128xf32, #tpu.memory_space<vmem>>, %arg3: memref<1x128xf32, #tpu.memory_space<vmem>>, %arg4: memref<128x256xf32, #tpu.memory_space<vmem>>, %arg5: memref<1x256xf32, #tpu.memory_space<vmem>>, %arg6: memref<256x128xf32, #tpu.memory_space<vmem>>, %arg7: memref<1x128xf32, #tpu.memory_space<vmem>>, %arg8: memref<2000x128xf32, #tpu.memory_space<vmem>>, %arg9: memref<1x128xf32, #tpu.memory_space<vmem>>, %arg10: memref<8x128xf32, #tpu.memory_space<vmem>>) attributes {dimension_semantics = [#tpu.dimension_semantics<arbitrary>], iteration_bounds = array<i64: 5>, scalar_prefetch = 0 : i64, scratch_operands = 1 : i64, tpu.core_type = #tpu.core_type<tc>, window_params = [{transform_indices = @transform_0, window_bounds = array<i64: 2000, 128>}, {transform_indices = @transform_1, window_bounds = array<i64: 2000, 128>}, {pipeline_mode = #tpu.pipeline_mode<synchronous>, transform_indices = @transform_2, window_bounds = array<i64: 1, 128>}, {pipeline_mode = #tpu.pipeline_mode<synchronous>, transform_indices = @transform_3, window_bounds = array<i64: 128, 256>}, {pipeline_mode = #tpu.pipeline_mode<synchronous>, transform_indices = @transform_4, window_bounds = array<i64: 1, 256>}, {pipeline_mode = #tpu.pipeline_mode<synchronous>, transform_indices = @transform_5, window_bounds = array<i64: 256, 128>}, {pipeline_mode = #tpu.pipeline_mode<synchronous>, transform_indices = @transform_6, window_bounds = array<i64: 1, 128>}, {transform_indices = @transform_7, window_bounds = array<i64: 2000, 128>}, {pipeline_mode = #tpu.pipeline_mode<synchronous>, transform_indices = @transform_8, window_bounds = array<i64: 1, 128>}]} {
    %get3A = arith.constant 0 : index
    %get3A_0 = arith.constant 0 : index
    %get3A_1 = vector.load %arg1[%get3A, %get3A_0] : memref<2000x128xf32, #tpu.memory_space<vmem>>, vector<2000x128xf32>
    %get3A_2 = arith.constant 0 : index
    %get3A_3 = arith.constant 0 : index
    %get3A_4 = vector.load %arg2[%get3A_2, %get3A_3] : memref<2000x128xf32, #tpu.memory_space<vmem>>, vector<2000x128xf32>
    %get3A_5 = arith.constant 0 : index
    %get3A_6 = arith.constant 0 : index
    %get3A_7 = vector.load %arg3[%get3A_5, %get3A_6] : memref<1x128xf32, #tpu.memory_space<vmem>>, vector<1x128xf32>
    %add3A = vector.broadcast %get3A_7 : vector<1x128xf32> to vector<2000x128xf32>
    %add3A_8 = arith.addf %get3A_4, %add3A : vector<2000x128xf32>
    %add3A_9 = arith.addf %get3A_1, %add3A_8 : vector<2000x128xf32>
    %get3A_10 = arith.constant 0 : index
    %get3A_11 = arith.constant 0 : index
    %get3A_12 = vector.load %arg4[%get3A_10, %get3A_11] : memref<128x256xf32, #tpu.memory_space<vmem>>, vector<128x256xf32>
    %dot_general3A = arith.constant dense<0.000000e+00> : vector<2000x256xf32>
    %dot_general3A_13 = tpu.matmul %add3A_9, %get3A_12, %dot_general3A {dimension_numbers = #tpu.dot_dimension_numbers<[1], [0], [0], [1], [0, 0, 1, 1], [], []>, transpose_lhs_hint = false} : vector<2000x128xf32>, vector<128x256xf32>, vector<2000x256xf32> -> vector<2000x256xf32>
    %get3A_14 = arith.constant 0 : index
    %get3A_15 = arith.constant 0 : index
    %get3A_16 = vector.load %arg5[%get3A_14, %get3A_15] : memref<1x256xf32, #tpu.memory_space<vmem>>, vector<1x256xf32>
    %add3A_17 = vector.broadcast %get3A_16 : vector<1x256xf32> to vector<2000x256xf32>
    %add3A_18 = arith.addf %dot_general3A_13, %add3A_17 : vector<2000x256xf32>
    %max3A = arith.constant 0.000000e+00 : f32
    %max3A_19 = vector.broadcast %max3A : f32 to vector<2000x256xf32>
    %max3A_20 = arith.maximumf %add3A_18, %max3A_19 : vector<2000x256xf32>
    %get3A_21 = arith.constant 0 : index
    %get3A_22 = arith.constant 0 : index
    %get3A_23 = vector.load %arg6[%get3A_21, %get3A_22] : memref<256x128xf32, #tpu.memory_space<vmem>>, vector<256x128xf32>
    %dot_general3A_24 = arith.constant dense<0.000000e+00> : vector<2000x128xf32>
    %dot_general3A_25 = tpu.matmul %max3A_20, %get3A_23, %dot_general3A_24 {dimension_numbers = #tpu.dot_dimension_numbers<[1], [0], [0], [1], [0, 0, 1, 1], [], []>, transpose_lhs_hint = false} : vector<2000x256xf32>, vector<256x128xf32>, vector<2000x128xf32> -> vector<2000x128xf32>
    %get3A_26 = arith.constant 0 : index
    %get3A_27 = arith.constant 0 : index
    %get3A_28 = vector.load %arg7[%get3A_26, %get3A_27] : memref<1x128xf32, #tpu.memory_space<vmem>>, vector<1x128xf32>
    %add3A_29 = vector.broadcast %get3A_28 : vector<1x128xf32> to vector<2000x128xf32>
    %add3A_30 = arith.addf %dot_general3A_25, %add3A_29 : vector<2000x128xf32>
    %swap3A = arith.constant 0 : index
    %swap3A_31 = arith.constant 0 : index
    %swap3A_32 = vector.load %arg8[%swap3A, %swap3A_31] : memref<2000x128xf32, #tpu.memory_space<vmem>>, vector<2000x128xf32>
    tpu.vector_store %arg8[%swap3A, %swap3A_31], %add3A_30 {strides = array<i32>} : memref<2000x128xf32, #tpu.memory_space<vmem>>, vector<2000x128xf32>,
    %eq3A = arith.constant 0 : i32
    %eq3A_33 = arith.cmpi eq, %arg0, %eq3A : i32
    %convert_element_type3A = arith.extui %eq3A_33 : i1 to i32
    %cond3A = arith.constant 0 : i32
    %cond3A_34 = arith.cmpi ne, %convert_element_type3A, %cond3A : i32
    scf.if %cond3A_34 {
      %broadcast_in_dim3A = arith.constant 0.000000e+00 : f32
      %broadcast_in_dim3A_44 = vector.broadcast %broadcast_in_dim3A : f32 to vector<8x128xf32>
      %swap3A_45 = arith.constant 0 : index
      %swap3A_46 = arith.constant 0 : index
      %swap3A_47 = vector.load %arg10[%swap3A_45, %swap3A_46] : memref<8x128xf32, #tpu.memory_space<vmem>>, vector<8x128xf32>
      tpu.vector_store %arg10[%swap3A_45, %swap3A_46], %broadcast_in_dim3A_44 {strides = array<i32>} : memref<8x128xf32, #tpu.memory_space<vmem>>, vector<8x128xf32>,
    } else {
    }
    %scan3A = arith.constant 0 : i32
    %scan3A_35 = arith.constant 250 : i32
    %scan3A_36 = arith.addi %scan3A, %scan3A_35 : i32
    %scan3A_37 = arith.constant 1 : i32
    scf.for %scan3A_44 = %scan3A to %scan3A_36 step %scan3A_37  : i32 {
      %get3A_45 = arith.constant 0 : index
      %get3A_46 = arith.constant 0 : index
      %get3A_47 = vector.load %arg10[%get3A_45, %get3A_46] : memref<8x128xf32, #tpu.memory_space<vmem>>, vector<8x128xf32>
      %mul3A = arith.constant 8 : i32
      %mul3A_48 = arith.muli %scan3A_44, %mul3A : i32
      %get3A_49 = arith.index_cast %mul3A_48 : i32 to index
      %get3A_50 = arith.constant 0 : index
      %get3A_51 = vector.load %arg8[%get3A_49, %get3A_50] : memref<2000x128xf32, #tpu.memory_space<vmem>>, vector<8x128xf32>
      %add3A_52 = arith.addf %get3A_47, %get3A_51 : vector<8x128xf32>
      %swap3A_53 = arith.constant 0 : index
      %swap3A_54 = arith.constant 0 : index
      %swap3A_55 = vector.load %arg10[%swap3A_53, %swap3A_54] : memref<8x128xf32, #tpu.memory_space<vmem>>, vector<8x128xf32>
      tpu.vector_store %arg10[%swap3A_53, %swap3A_54], %add3A_52 {strides = array<i32>} : memref<8x128xf32, #tpu.memory_space<vmem>>, vector<8x128xf32>,
    }
    %scan3A_38 = arith.constant 250 : i32
    %eq3A_39 = arith.constant 4 : i32
    %eq3A_40 = arith.cmpi eq, %arg0, %eq3A_39 : i32
    %convert_element_type3A_41 = arith.extui %eq3A_40 : i1 to i32
    %cond3A_42 = arith.constant 0 : i32
    %cond3A_43 = arith.cmpi ne, %convert_element_type3A_41, %cond3A_42 : i32
    scf.if %cond3A_43 {
      %get3A_44 = arith.constant 0 : index
      %get3A_45 = arith.constant 0 : index
      %get3A_46 = vector.load %arg10[%get3A_44, %get3A_45] : memref<8x128xf32, #tpu.memory_space<vmem>>, vector<8x128xf32>
      %slice3A = vector.extract_strided_slice %get3A_46 {offsets = [0, 0], sizes = [4, 128], strides = [1, 1]} : vector<8x128xf32> to vector<4x128xf32>
      %slice3A_47 = vector.extract_strided_slice %get3A_46 {offsets = [4, 0], sizes = [4, 128], strides = [1, 1]} : vector<8x128xf32> to vector<4x128xf32>
      %add3A_48 = arith.addf %slice3A, %slice3A_47 : vector<4x128xf32>
      %slice3A_49 = vector.extract_strided_slice %add3A_48 {offsets = [0, 0], sizes = [2, 128], strides = [1, 1]} : vector<4x128xf32> to vector<2x128xf32>
      %slice3A_50 = vector.extract_strided_slice %add3A_48 {offsets = [2, 0], sizes = [2, 128], strides = [1, 1]} : vector<4x128xf32> to vector<2x128xf32>
      %add3A_51 = arith.addf %slice3A_49, %slice3A_50 : vector<2x128xf32>
      %slice3A_52 = vector.extract_strided_slice %add3A_51 {offsets = [0, 0], sizes = [1, 128], strides = [1, 1]} : vector<2x128xf32> to vector<1x128xf32>
      %slice3A_53 = vector.extract_strided_slice %add3A_51 {offsets = [1, 0], sizes = [1, 128], strides = [1, 1]} : vector<2x128xf32> to vector<1x128xf32>
      %add3A_54 = arith.addf %slice3A_52, %slice3A_53 : vector<1x128xf32>
      %swap3A_55 = arith.constant 0 : index
      %swap3A_56 = arith.constant 0 : index
      %swap3A_57 = vector.load %arg9[%swap3A_55, %swap3A_56] : memref<1x128xf32, #tpu.memory_space<vmem>>, vector<1x128xf32>
      tpu.vector_store %arg9[%swap3A_55, %swap3A_56], %add3A_54 {strides = array<i32>} : memref<1x128xf32, #tpu.memory_space<vmem>>, vector<1x128xf32>,
    } else {
    }
    return
  }
  func.func @transform_0(%arg0: i32) -> (i32, i32) {
    %c0_i32 = arith.constant 0 : i32
    %c0_i32_0 = arith.constant 0 : i32
    return %arg0, %c0_i32 : i32, i32
  }
  func.func @transform_1(%arg0: i32) -> (i32, i32) {
    %c0_i32 = arith.constant 0 : i32
    %c0_i32_0 = arith.constant 0 : i32
    return %arg0, %c0_i32 : i32, i32
  }
  func.func @transform_2(%arg0: i32) -> (i32, i32) {
    %c0_i32 = arith.constant 0 : i32
    %c0_i32_0 = arith.constant 0 : i32
    %c0_i32_1 = arith.constant 0 : i32
    return %c0_i32, %c0_i32_0 : i32, i32
  }
  func.func @transform_3(%arg0: i32) -> (i32, i32) {
    %c0_i32 = arith.constant 0 : i32
    %c0_i32_0 = arith.constant 0 : i32
    %c0_i32_1 = arith.constant 0 : i32
    return %c0_i32, %c0_i32_0 : i32, i32
  }
  func.func @transform_4(%arg0: i32) -> (i32, i32) {
    %c0_i32 = arith.constant 0 : i32
    %c0_i32_0 = arith.constant 0 : i32
    %c0_i32_1 = arith.constant 0 : i32
    return %c0_i32, %c0_i32_0 : i32, i32
  }
  func.func @transform_5(%arg0: i32) -> (i32, i32) {
    %c0_i32 = arith.constant 0 : i32
    %c0_i32_0 = arith.constant 0 : i32
    %c0_i32_1 = arith.constant 0 : i32
    return %c0_i32, %c0_i32_0 : i32, i32
  }
  func.func @transform_6(%arg0: i32) -> (i32, i32) {
    %c0_i32 = arith.constant 0 : i32
    %c0_i32_0 = arith.constant 0 : i32
    %c0_i32_1 = arith.constant 0 : i32
    return %c0_i32, %c0_i32_0 : i32, i32
  }
  func.func @transform_7(%arg0: i32) -> (i32, i32) {
    %c0_i32 = arith.constant 0 : i32
    %c0_i32_0 = arith.constant 0 : i32
    return %arg0, %c0_i32 : i32, i32
  }
  func.func @transform_8(%arg0: i32) -> (i32, i32) {
    %c0_i32 = arith.constant 0 : i32
    %c0_i32_0 = arith.constant 0 : i32
    %c0_i32_1 = arith.constant 0 : i32
    return %c0_i32, %c0_i32_0 : i32, i32
  }
}

module attributes {stable_mosaic.version = 14 : i64} {
  func.func @_tcv_body(%arg0: i32, %arg1: memref<2000x128xf32, #tpu.memory_space<vmem>>, %arg2: memref<1x128xf32, #tpu.memory_space<vmem>>, %arg3: memref<1x128xf32, #tpu.memory_space<vmem>>, %arg4: memref<8x128xf32, #tpu.memory_space<vmem>>) attributes {dimension_semantics = [#tpu.dimension_semantics<arbitrary>], iteration_bounds = array<i64: 5>, scalar_prefetch = 0 : i64, scratch_operands = 1 : i64, tpu.core_type = #tpu.core_type<tc>, window_params = [{transform_indices = @transform_0, window_bounds = array<i64: 2000, 128>}, {pipeline_mode = #tpu.pipeline_mode<synchronous>, transform_indices = @transform_1, window_bounds = array<i64: 1, 128>}, {pipeline_mode = #tpu.pipeline_mode<synchronous>, transform_indices = @transform_2, window_bounds = array<i64: 1, 128>}]} {
    %eq3A = arith.constant 0 : i32
    %eq3A_0 = arith.cmpi eq, %arg0, %eq3A : i32
    %convert_element_type3A = arith.extui %eq3A_0 : i1 to i32
    %cond3A = arith.constant 0 : i32
    %cond3A_1 = arith.cmpi ne, %convert_element_type3A, %cond3A : i32
    scf.if %cond3A_1 {
      %broadcast_in_dim3A = arith.constant 0.000000e+00 : f32
      %broadcast_in_dim3A_11 = vector.broadcast %broadcast_in_dim3A : f32 to vector<8x128xf32>
      %swap3A = arith.constant 0 : index
      %swap3A_12 = arith.constant 0 : index
      %swap3A_13 = vector.load %arg4[%swap3A, %swap3A_12] : memref<8x128xf32, #tpu.memory_space<vmem>>, vector<8x128xf32>
      tpu.vector_store %arg4[%swap3A, %swap3A_12], %broadcast_in_dim3A_11 {strides = array<i32>} : memref<8x128xf32, #tpu.memory_space<vmem>>, vector<8x128xf32>,
    } else {
    }
    %scan3A = arith.constant 0 : i32
    %scan3A_2 = arith.constant 250 : i32
    %scan3A_3 = arith.addi %scan3A, %scan3A_2 : i32
    %scan3A_4 = arith.constant 1 : i32
    scf.for %scan3A_11 = %scan3A to %scan3A_3 step %scan3A_4  : i32 {
      %mul3A = arith.constant 8 : i32
      %mul3A_12 = arith.muli %scan3A_11, %mul3A : i32
      %get3A = arith.index_cast %mul3A_12 : i32 to index
      %get3A_13 = arith.constant 0 : index
      %get3A_14 = vector.load %arg1[%get3A, %get3A_13] : memref<2000x128xf32, #tpu.memory_space<vmem>>, vector<8x128xf32>
      %get3A_15 = arith.constant 0 : index
      %get3A_16 = arith.constant 0 : index
      %get3A_17 = vector.load %arg2[%get3A_15, %get3A_16] : memref<1x128xf32, #tpu.memory_space<vmem>>, vector<1x128xf32>
      %sub3A = vector.broadcast %get3A_17 : vector<1x128xf32> to vector<8x128xf32>
      %sub3A_18 = arith.subf %get3A_14, %sub3A : vector<8x128xf32>
      %get3A_19 = arith.constant 0 : index
      %get3A_20 = arith.constant 0 : index
      %get3A_21 = vector.load %arg4[%get3A_19, %get3A_20] : memref<8x128xf32, #tpu.memory_space<vmem>>, vector<8x128xf32>
      %mul3A_22 = arith.mulf %sub3A_18, %sub3A_18 : vector<8x128xf32>
      %add3A = arith.addf %get3A_21, %mul3A_22 : vector<8x128xf32>
      %swap3A = arith.constant 0 : index
      %swap3A_23 = arith.constant 0 : index
      %swap3A_24 = vector.load %arg4[%swap3A, %swap3A_23] : memref<8x128xf32, #tpu.memory_space<vmem>>, vector<8x128xf32>
      tpu.vector_store %arg4[%swap3A, %swap3A_23], %add3A {strides = array<i32>} : memref<8x128xf32, #tpu.memory_space<vmem>>, vector<8x128xf32>,
    }
    %scan3A_5 = arith.constant 250 : i32
    %eq3A_6 = arith.constant 4 : i32
    %eq3A_7 = arith.cmpi eq, %arg0, %eq3A_6 : i32
    %convert_element_type3A_8 = arith.extui %eq3A_7 : i1 to i32
    %cond3A_9 = arith.constant 0 : i32
    %cond3A_10 = arith.cmpi ne, %convert_element_type3A_8, %cond3A_9 : i32
    scf.if %cond3A_10 {
      %get3A = arith.constant 0 : index
      %get3A_11 = arith.constant 0 : index
      %get3A_12 = vector.load %arg4[%get3A, %get3A_11] : memref<8x128xf32, #tpu.memory_space<vmem>>, vector<8x128xf32>
      %slice3A = vector.extract_strided_slice %get3A_12 {offsets = [0, 0], sizes = [4, 128], strides = [1, 1]} : vector<8x128xf32> to vector<4x128xf32>
      %slice3A_13 = vector.extract_strided_slice %get3A_12 {offsets = [4, 0], sizes = [4, 128], strides = [1, 1]} : vector<8x128xf32> to vector<4x128xf32>
      %add3A = arith.addf %slice3A, %slice3A_13 : vector<4x128xf32>
      %slice3A_14 = vector.extract_strided_slice %add3A {offsets = [0, 0], sizes = [2, 128], strides = [1, 1]} : vector<4x128xf32> to vector<2x128xf32>
      %slice3A_15 = vector.extract_strided_slice %add3A {offsets = [2, 0], sizes = [2, 128], strides = [1, 1]} : vector<4x128xf32> to vector<2x128xf32>
      %add3A_16 = arith.addf %slice3A_14, %slice3A_15 : vector<2x128xf32>
      %slice3A_17 = vector.extract_strided_slice %add3A_16 {offsets = [0, 0], sizes = [1, 128], strides = [1, 1]} : vector<2x128xf32> to vector<1x128xf32>
      %slice3A_18 = vector.extract_strided_slice %add3A_16 {offsets = [1, 0], sizes = [1, 128], strides = [1, 1]} : vector<2x128xf32> to vector<1x128xf32>
      %add3A_19 = arith.addf %slice3A_17, %slice3A_18 : vector<1x128xf32>
      %swap3A = arith.constant 0 : index
      %swap3A_20 = arith.constant 0 : index
      %swap3A_21 = vector.load %arg3[%swap3A, %swap3A_20] : memref<1x128xf32, #tpu.memory_space<vmem>>, vector<1x128xf32>
      tpu.vector_store %arg3[%swap3A, %swap3A_20], %add3A_19 {strides = array<i32>} : memref<1x128xf32, #tpu.memory_space<vmem>>, vector<1x128xf32>,
    } else {
    }
    return
  }
  func.func @transform_0(%arg0: i32) -> (i32, i32) {
    %c0_i32 = arith.constant 0 : i32
    %c0_i32_0 = arith.constant 0 : i32
    return %arg0, %c0_i32 : i32, i32
  }
  func.func @transform_1(%arg0: i32) -> (i32, i32) {
    %c0_i32 = arith.constant 0 : i32
    %c0_i32_0 = arith.constant 0 : i32
    %c0_i32_1 = arith.constant 0 : i32
    return %c0_i32, %c0_i32_0 : i32, i32
  }
  func.func @transform_2(%arg0: i32) -> (i32, i32) {
    %c0_i32 = arith.constant 0 : i32
    %c0_i32_0 = arith.constant 0 : i32
    %c0_i32_1 = arith.constant 0 : i32
    return %c0_i32, %c0_i32_0 : i32, i32
  }
}

module attributes {stable_mosaic.version = 14 : i64} {
  func.func @_tc2_body(%arg0: i32, %arg1: memref<2000x128xf32, #tpu.memory_space<vmem>>, %arg2: memref<1x128xf32, #tpu.memory_space<vmem>>, %arg3: memref<1x128xf32, #tpu.memory_space<vmem>>, %arg4: memref<1x128xf32, #tpu.memory_space<vmem>>, %arg5: memref<1x128xf32, #tpu.memory_space<vmem>>, %arg6: memref<2000x128xf32, #tpu.memory_space<vmem>>) attributes {dimension_semantics = [#tpu.dimension_semantics<arbitrary>], iteration_bounds = array<i64: 5>, scalar_prefetch = 0 : i64, scratch_operands = 0 : i64, tpu.core_type = #tpu.core_type<tc>, window_params = [{transform_indices = @transform_0, window_bounds = array<i64: 2000, 128>}, {pipeline_mode = #tpu.pipeline_mode<synchronous>, transform_indices = @transform_1, window_bounds = array<i64: 1, 128>}, {pipeline_mode = #tpu.pipeline_mode<synchronous>, transform_indices = @transform_2, window_bounds = array<i64: 1, 128>}, {pipeline_mode = #tpu.pipeline_mode<synchronous>, transform_indices = @transform_3, window_bounds = array<i64: 1, 128>}, {pipeline_mode = #tpu.pipeline_mode<synchronous>, transform_indices = @transform_4, window_bounds = array<i64: 1, 128>}, {transform_indices = @transform_5, window_bounds = array<i64: 2000, 128>}]} {
    %get3A = arith.constant 0 : index
    %get3A_0 = arith.constant 0 : index
    %get3A_1 = vector.load %arg1[%get3A, %get3A_0] : memref<2000x128xf32, #tpu.memory_space<vmem>>, vector<2000x128xf32>
    %get3A_2 = arith.constant 0 : index
    %get3A_3 = arith.constant 0 : index
    %get3A_4 = vector.load %arg2[%get3A_2, %get3A_3] : memref<1x128xf32, #tpu.memory_space<vmem>>, vector<1x128xf32>
    %sub3A = vector.broadcast %get3A_4 : vector<1x128xf32> to vector<2000x128xf32>
    %sub3A_5 = arith.subf %get3A_1, %sub3A : vector<2000x128xf32>
    %get3A_6 = arith.constant 0 : index
    %get3A_7 = arith.constant 0 : index
    %get3A_8 = vector.load %arg3[%get3A_6, %get3A_7] : memref<1x128xf32, #tpu.memory_space<vmem>>, vector<1x128xf32>
    %add3A = arith.constant 9.99999974E-6 : f32
    %add3A_9 = vector.broadcast %add3A : f32 to vector<1x128xf32>
    %add3A_10 = arith.addf %get3A_8, %add3A_9 : vector<1x128xf32>
    %sqrt3A = math.sqrt %add3A_10 : vector<1x128xf32>
    %div3A = vector.broadcast %sqrt3A : vector<1x128xf32> to vector<2000x128xf32>
    %div3A_11 = arith.divf %sub3A_5, %div3A : vector<2000x128xf32>
    %get3A_12 = arith.constant 0 : index
    %get3A_13 = arith.constant 0 : index
    %get3A_14 = vector.load %arg4[%get3A_12, %get3A_13] : memref<1x128xf32, #tpu.memory_space<vmem>>, vector<1x128xf32>
    %mul3A = vector.broadcast %get3A_14 : vector<1x128xf32> to vector<2000x128xf32>
    %mul3A_15 = arith.mulf %div3A_11, %mul3A : vector<2000x128xf32>
    %get3A_16 = arith.constant 0 : index
    %get3A_17 = arith.constant 0 : index
    %get3A_18 = vector.load %arg5[%get3A_16, %get3A_17] : memref<1x128xf32, #tpu.memory_space<vmem>>, vector<1x128xf32>
    %add3A_19 = vector.broadcast %get3A_18 : vector<1x128xf32> to vector<2000x128xf32>
    %add3A_20 = arith.addf %mul3A_15, %add3A_19 : vector<2000x128xf32>
    %max3A = arith.constant 0.000000e+00 : f32
    %max3A_21 = vector.broadcast %max3A : f32 to vector<2000x128xf32>
    %max3A_22 = arith.maximumf %add3A_20, %max3A_21 : vector<2000x128xf32>
    %swap3A = arith.constant 0 : index
    %swap3A_23 = arith.constant 0 : index
    %swap3A_24 = vector.load %arg6[%swap3A, %swap3A_23] : memref<2000x128xf32, #tpu.memory_space<vmem>>, vector<2000x128xf32>
    tpu.vector_store %arg6[%swap3A, %swap3A_23], %max3A_22 {strides = array<i32>} : memref<2000x128xf32, #tpu.memory_space<vmem>>, vector<2000x128xf32>,
    return
  }
  func.func @transform_0(%arg0: i32) -> (i32, i32) {
    %c0_i32 = arith.constant 0 : i32
    %c0_i32_0 = arith.constant 0 : i32
    return %arg0, %c0_i32 : i32, i32
  }
  func.func @transform_1(%arg0: i32) -> (i32, i32) {
    %c0_i32 = arith.constant 0 : i32
    %c0_i32_0 = arith.constant 0 : i32
    %c0_i32_1 = arith.constant 0 : i32
    return %c0_i32, %c0_i32_0 : i32, i32
  }
  func.func @transform_2(%arg0: i32) -> (i32, i32) {
    %c0_i32 = arith.constant 0 : i32
    %c0_i32_0 = arith.constant 0 : i32
    %c0_i32_1 = arith.constant 0 : i32
    return %c0_i32, %c0_i32_0 : i32, i32
  }
  func.func @transform_3(%arg0: i32) -> (i32, i32) {
    %c0_i32 = arith.constant 0 : i32
    %c0_i32_0 = arith.constant 0 : i32
    %c0_i32_1 = arith.constant 0 : i32
    return %c0_i32, %c0_i32_0 : i32, i32
  }
  func.func @transform_4(%arg0: i32) -> (i32, i32) {
    %c0_i32 = arith.constant 0 : i32
    %c0_i32_0 = arith.constant 0 : i32
    %c0_i32_1 = arith.constant 0 : i32
    return %c0_i32, %c0_i32_0 : i32, i32
  }
  func.func @transform_5(%arg0: i32) -> (i32, i32) {
    %c0_i32 = arith.constant 0 : i32
    %c0_i32_0 = arith.constant 0 : i32
    return %arg0, %c0_i32 : i32, i32
  }
}

module attributes {stable_mosaic.version = 14 : i64} {
  func.func @_tc2_body(%arg0: i32, %arg1: memref<2000x128xf32, #tpu.memory_space<vmem>>, %arg2: memref<1x128xf32, #tpu.memory_space<vmem>>, %arg3: memref<1x128xf32, #tpu.memory_space<vmem>>, %arg4: memref<1x128xf32, #tpu.memory_space<vmem>>, %arg5: memref<1x128xf32, #tpu.memory_space<vmem>>, %arg6: memref<2000x128xf32, #tpu.memory_space<vmem>>) attributes {dimension_semantics = [#tpu.dimension_semantics<arbitrary>], iteration_bounds = array<i64: 5>, scalar_prefetch = 0 : i64, scratch_operands = 0 : i64, tpu.core_type = #tpu.core_type<tc>, window_params = [{transform_indices = @transform_0, window_bounds = array<i64: 2000, 128>}, {pipeline_mode = #tpu.pipeline_mode<synchronous>, transform_indices = @transform_1, window_bounds = array<i64: 1, 128>}, {pipeline_mode = #tpu.pipeline_mode<synchronous>, transform_indices = @transform_2, window_bounds = array<i64: 1, 128>}, {pipeline_mode = #tpu.pipeline_mode<synchronous>, transform_indices = @transform_3, window_bounds = array<i64: 1, 128>}, {pipeline_mode = #tpu.pipeline_mode<synchronous>, transform_indices = @transform_4, window_bounds = array<i64: 1, 128>}, {transform_indices = @transform_5, window_bounds = array<i64: 2000, 128>}]} {
    %get3A = arith.constant 0 : index
    %get3A_0 = arith.constant 0 : index
    %get3A_1 = vector.load %arg1[%get3A, %get3A_0] : memref<2000x128xf32, #tpu.memory_space<vmem>>, vector<2000x128xf32>
    %get3A_2 = arith.constant 0 : index
    %get3A_3 = arith.constant 0 : index
    %get3A_4 = vector.load %arg2[%get3A_2, %get3A_3] : memref<1x128xf32, #tpu.memory_space<vmem>>, vector<1x128xf32>
    %sub3A = vector.broadcast %get3A_4 : vector<1x128xf32> to vector<2000x128xf32>
    %sub3A_5 = arith.subf %get3A_1, %sub3A : vector<2000x128xf32>
    %get3A_6 = arith.constant 0 : index
    %get3A_7 = arith.constant 0 : index
    %get3A_8 = vector.load %arg3[%get3A_6, %get3A_7] : memref<1x128xf32, #tpu.memory_space<vmem>>, vector<1x128xf32>
    %add3A = arith.constant 9.99999974E-6 : f32
    %add3A_9 = vector.broadcast %add3A : f32 to vector<1x128xf32>
    %add3A_10 = arith.addf %get3A_8, %add3A_9 : vector<1x128xf32>
    %sqrt3A = math.sqrt %add3A_10 : vector<1x128xf32>
    %div3A = vector.broadcast %sqrt3A : vector<1x128xf32> to vector<2000x128xf32>
    %div3A_11 = arith.divf %sub3A_5, %div3A : vector<2000x128xf32>
    %get3A_12 = arith.constant 0 : index
    %get3A_13 = arith.constant 0 : index
    %get3A_14 = vector.load %arg4[%get3A_12, %get3A_13] : memref<1x128xf32, #tpu.memory_space<vmem>>, vector<1x128xf32>
    %mul3A = vector.broadcast %get3A_14 : vector<1x128xf32> to vector<2000x128xf32>
    %mul3A_15 = arith.mulf %div3A_11, %mul3A : vector<2000x128xf32>
    %get3A_16 = arith.constant 0 : index
    %get3A_17 = arith.constant 0 : index
    %get3A_18 = vector.load %arg5[%get3A_16, %get3A_17] : memref<1x128xf32, #tpu.memory_space<vmem>>, vector<1x128xf32>
    %add3A_19 = vector.broadcast %get3A_18 : vector<1x128xf32> to vector<2000x128xf32>
    %add3A_20 = arith.addf %mul3A_15, %add3A_19 : vector<2000x128xf32>
    %swap3A = arith.constant 0 : index
    %swap3A_21 = arith.constant 0 : index
    %swap3A_22 = vector.load %arg6[%swap3A, %swap3A_21] : memref<2000x128xf32, #tpu.memory_space<vmem>>, vector<2000x128xf32>
    tpu.vector_store %arg6[%swap3A, %swap3A_21], %add3A_20 {strides = array<i32>} : memref<2000x128xf32, #tpu.memory_space<vmem>>, vector<2000x128xf32>,
    return
  }
  func.func @transform_0(%arg0: i32) -> (i32, i32) {
    %c0_i32 = arith.constant 0 : i32
    %c0_i32_0 = arith.constant 0 : i32
    return %arg0, %c0_i32 : i32, i32
  }
  func.func @transform_1(%arg0: i32) -> (i32, i32) {
    %c0_i32 = arith.constant 0 : i32
    %c0_i32_0 = arith.constant 0 : i32
    %c0_i32_1 = arith.constant 0 : i32
    return %c0_i32, %c0_i32_0 : i32, i32
  }
  func.func @transform_2(%arg0: i32) -> (i32, i32) {
    %c0_i32 = arith.constant 0 : i32
    %c0_i32_0 = arith.constant 0 : i32
    %c0_i32_1 = arith.constant 0 : i32
    return %c0_i32, %c0_i32_0 : i32, i32
  }
  func.func @transform_3(%arg0: i32) -> (i32, i32) {
    %c0_i32 = arith.constant 0 : i32
    %c0_i32_0 = arith.constant 0 : i32
    %c0_i32_1 = arith.constant 0 : i32
    return %c0_i32, %c0_i32_0 : i32, i32
  }
  func.func @transform_4(%arg0: i32) -> (i32, i32) {
    %c0_i32 = arith.constant 0 : i32
    %c0_i32_0 = arith.constant 0 : i32
    %c0_i32_1 = arith.constant 0 : i32
    return %c0_i32, %c0_i32_0 : i32, i32
  }
  func.func @transform_5(%arg0: i32) -> (i32, i32) {
    %c0_i32 = arith.constant 0 : i32
    %c0_i32_0 = arith.constant 0 : i32
    return %arg0, %c0_i32 : i32, i32
  }
}

module attributes {stable_mosaic.version = 14 : i64} {
  func.func @_tc3_body(%arg0: memref<256x128xf32, #tpu.memory_space<vmem>>, %arg1: memref<256x1xf32, #tpu.memory_space<vmem>>, %arg2: memref<256x128xf32, #tpu.memory_space<vmem>>) attributes {dimension_semantics = [], scalar_prefetch = 0 : i64, scratch_operands = 0 : i64, tpu.core_type = #tpu.core_type<tc>} {
    %get3A = arith.constant 0 : index
    %get3A_0 = arith.constant 0 : index
    %get3A_1 = vector.load %arg0[%get3A, %get3A_0] : memref<256x128xf32, #tpu.memory_space<vmem>>, vector<256x128xf32>
    %get3A_2 = arith.constant 0 : index
    %get3A_3 = arith.constant 0 : index
    %get3A_4 = vector.load %arg1[%get3A_2, %get3A_3] : memref<256x1xf32, #tpu.memory_space<vmem>>, vector<256x1xf32>
    %jit3A = arith.constant 1.000000e+00 : f32
    %max3A = vector.broadcast %jit3A : f32 to vector<256x1xf32>
    %max3A_5 = arith.maximumf %max3A, %get3A_4 : vector<256x1xf32>
    %div3A = vector.broadcast %max3A_5 : vector<256x1xf32> to vector<256x128xf32>
    %div3A_6 = arith.divf %get3A_1, %div3A : vector<256x128xf32>
    %swap3A = arith.constant 0 : index
    %swap3A_7 = arith.constant 0 : index
    %swap3A_8 = vector.load %arg2[%swap3A, %swap3A_7] : memref<256x128xf32, #tpu.memory_space<vmem>>, vector<256x128xf32>
    tpu.vector_store %arg2[%swap3A, %swap3A_7], %div3A_6 {strides = array<i32>} : memref<256x128xf32, #tpu.memory_space<vmem>>, vector<256x128xf32>,
    return
  }
}

</mosaic_0001>

<sc_bundles>
// kernel: kernel.30.cloned.1.call-start
scs
__scs_entry_jumppad:
0x0: {  	(pc) =	sbr.rel $0x88, $3  }
0x1: {  	(tag) =	ssettag $0x0;
	lr =	simm.s32 $0x1  }
0x2: {  	[smem:$0x3F93] =	sst lr;
	_ =	strace $0xD0000000  }
0x3: {  	_ = 	snop  }
0x4: {  	_ = 	snop  }
0x5: {  	_ = 	snop  }
0x6: {  	_ = 	snop  }
0x7: {  	_ = 	snop  }
__scs_overlays_trampoline_lowered:
0x8: {  	[smem:$0x3FA2] =	sst s0  }
0x9: {  	[smem:$0x3FA3] =	sst s1  }
0xa: {  	[smem:$0x3FA4] =	sst s2  }
0xb: {  	[smem:$0x3FA5] =	sst s3  }
0xc: {  	[smem:$0x3FA6] =	sst s4  }
0xd: {  	[smem:$0x3FA7] =	sst s5  }
0xe: {  	[smem:$0x3FA8] =	sst s6  }
0xf: {  	[smem:$0x3FA9] =	sst s7  }
0x10: {  	[smem:$0x3FAA] =	sst s8  }
0x11: {  	[smem:$0x3FAB] =	sst s9;
	s0 =	simm.s32 @!p0 $0x0  }
0x12: {  	s1 =	sld [smem:$0x3F91];
	s0 =	simm.s32 @p0 $0x1  }
0x13: {  	[smem:$0x3FAC] =	sst s0;
	s0 =	simm.s32 @!p1 $0x0  }
0x14: {  	s2 =	sld [smem:$0x3F90];
	s0 =	simm.s32 @p1 $0x1  }
0x15: {  	[smem:$0x3FAD] =	sst s0;
	s0 =	simm.s32 @!p2 $0x0  }
0x16: {  	s3 =	sld [smem:$0x3FDB];
	s0 =	simm.s32 @p2 $0x1  }
0x17: {  	s4 =	simm.s32 $0x1BF5;
	[smem:$0x3FAF] =	sst s0  }
0x18: {  	s0 =	sld [smem:$0x3F92];
	_ =	swait.ge [sflag:s4], $0x0  }
0x19: {  	s7 =	sld [smem:$0x3F93]  }
0x1a: {  	s8 =	sadd.s32 $0xFFFFE003, lr  }
0x1b: {  	s9 =	sadd.s32 $0xFFFFFEF7, lr;
	s5 =	simm.s32 $0xFFFFFFFF;
	p2 =	slt.u32 s8, $0xFFFFF086  }
0x1c: {  	p1 =	slt.u32 s9, $0xF7A;
	s5 =	simm.s32 @!p2 $0x0  }
0x1d: {  	s5 =	simm.s32 @p1 $0x1;
	p0 =	seq.s32 s7, s2  }
0x1e: {  	s7 =	smul.u32 @!p0 $0xF7A, s2;
	p2 =	seq.s32 @!p0 s5, $0x0  }
0x1f: {  	s9 =	smul.u32 $0xF7A, s1;
	s8 =	simm.s32 @!p0 $0x1BF5;
	p2 =	por !p2, p0  }
0x20: {  	[sflag:s8] =	ssyncset.s32 @!p0 $0xFFFFF086;
	s6 =	sadd.s32 @!p0 s3, s7;
	s7 =	simm.s32 @!p0 $0x108  }
0x21: {  	s3 =	sadd.s32 s3, s9;
	s6 =	sadd.s32 @!p0 $0x88, s6;
	s7 =	simm.s32 @p2 $0x1082  }
0x22: {  	[simem:s7], [sflag:s8] =	dma.local @!p0 [hbm:s6], $0xF7A  }
0x23: {  	s9 =	sor.u32 $0xD0000000, s2;
	s6 =	simm.s32 $0x108;
	_ =	swait.ge @!p0 [sflag:s8], $0x0  }
0x24: {  	s3 =	sadd.s32 $0x88, s3;
	s6 =	simm.s32 @!p1 $0x1082;
	[sflag:s4] =	ssyncset.s32 $0xFFFFF086  }
0x25: {  	[simem:s6], [sflag:s4] =	dma.local [hbm:s3], $0xF7A  }
0x26: {  	[smem:$0x3F93] =	sst s1;
	(tag) =	ssettag s2;
	_ =	strace s9  }
0x27: {  	s1 =	sld [smem:$0x3FA3]  }
0x28: {  	s2 =	sld [smem:$0x3FA4]  }
0x29: {  	s4 =	sld [smem:$0x3FA6]  }
0x2a: {  	p0 =	seq.s32 s5, $0x0;
	s5 =	sld [smem:$0x3FA7]  }
0x2b: {  	s6 =	sld [smem:$0x3FA8]  }
0x2c: {  	s7 =	sld [smem:$0x3FA9]  }
0x2d: {  	s3 =	simm.s32 $0x108;
	s8 =	sld [smem:$0x3FAA]  }
0x2e: {  	s3 =	simm.s32 @!p0 $0x1082;
	s9 =	sld [smem:$0x3FAB]  }
0x2f: {  	lr =	sadd.s32 s0, s3;
	s0 =	sld [smem:$0x3FA2]  }
0x30: {  	s3 =	sld [smem:$0x3FA5]  }
0x31: {  	[smem:$0x3FAE] =	sst s10  }
0x32: {  	s10 =	sld [smem:$0x3FAC];
	_ =	sdelay $0x3  }
0x33: {  	p0 =	seq.s32 s10, $0x1;
	s10 =	sld [smem:$0x3FAE];
	_ =	sdelay $0x3  }
0x34: {  	[smem:$0x3FAE] =	sst s10  }
0x35: {  	s10 =	sld [smem:$0x3FAD];
	_ =	sdelay $0x3  }
0x36: {  	p1 =	seq.s32 s10, $0x1;
	s10 =	sld [smem:$0x3FAE];
	_ =	sdelay $0x3  }
0x37: {  	[smem:$0x3FAE] =	sst s10  }
0x38: {  	s10 =	sld [smem:$0x3FAF]  }
0x39: {  	_ = 	snop;
	(pc) =	sbr.ind lr, $3  }
0x3a: {  	_ = 	snop  }
0x3b: {  	_ = 	snop  }
0x3c: {  	p2 =	seq.s32 s10, $0x1;
	s10 =	sld [smem:$0x3FAE]  }
0x3d: {  	_ =	shalt  }
0x3e: {  	_ =	shalt  }
0x3f: {  	_ =	shalt  }
0x40: {  	_ =	shalt  }
0x41: {  	_ =	shalt  }
0x42: {  	_ =	shalt  }
0x43: {  	_ =	shalt  }
0x44: {  	_ =	shalt  }
0x45: {  	_ =	shalt  }
0x46: {  	_ =	shalt  }
0x47: {  	_ =	shalt  }
0x48: {  	_ =	shalt  }
0x49: {  	_ =	shalt  }
0x4a: {  	_ =	shalt  }
0x4b: {  	_ =	shalt  }
0x4c: {  	_ =	shalt  }
0x4d: {  	_ =	shalt  }
0x4e: {  	_ =	shalt  }
0x4f: {  	_ =	shalt  }
0x50: {  	_ =	shalt  }
0x51: {  	_ =	shalt  }
0x52: {  	_ =	shalt  }
0x53: {  	_ =	shalt  }
0x54: {  	_ =	shalt  }
0x55: {  	_ =	shalt  }
0x56: {  	_ =	shalt  }
0x57: {  	_ =	shalt  }
0x58: {  	_ =	shalt  }
0x59: {  	_ =	shalt  }
0x5a: {  	_ =	shalt  }
0x5b: {  	_ =	shalt  }
0x5c: {  	_ =	shalt  }
0x5d: {  	_ =	shalt  }
0x5e: {  	_ =	shalt  }
0x5f: {  	_ =	shalt  }
0x60: {  	_ =	shalt  }
0x61: {  	_ =	shalt  }
0x62: {  	_ =	shalt  }
0x63: {  	_ =	shalt  }
0x64: {  	_ =	shalt  }
0x65: {  	_ =	shalt  }
0x66: {  	_ =	shalt  }
0x67: {  	_ =	shalt  }
0x68: {  	_ =	shalt  }
0x69: {  	_ =	shalt  }
0x6a: {  	_ =	shalt  }
0x6b: {  	_ =	shalt  }
0x6c: {  	_ =	shalt  }
0x6d: {  	_ =	shalt  }
0x6e: {  	_ =	shalt  }
0x6f: {  	_ =	shalt  }
0x70: {  	_ =	shalt  }
0x71: {  	_ =	shalt  }
0x72: {  	_ =	shalt  }
0x73: {  	_ =	shalt  }
0x74: {  	_ =	shalt  }
0x75: {  	_ =	shalt  }
0x76: {  	_ =	shalt  }
0x77: {  	_ =	shalt  }
0x78: {  	_ =	shalt  }
0x79: {  	_ =	shalt  }
0x7a: {  	_ =	shalt  }
0x7b: {  	_ =	shalt  }
0x7c: {  	_ =	shalt  }
0x7d: {  	_ =	shalt  }
0x7e: {  	_ =	shalt  }
0x7f: {  	_ =	shalt  }
0x80: {  	_ =	shalt  }
0x81: {  	_ =	shalt  }
0x82: {  	_ =	shalt  }
0x83: {  	_ =	shalt  }
0x84: {  	_ =	shalt  }
0x85: {  	_ =	shalt  }
0x86: {  	_ =	shalt  }
0x87: {  	_ =	shalt  }
.Lfunc_end0:
.L_simem_size_0:
called_computation_lowered:
.L_overlay_start_0:
0x88: {  	s2 =	sld [smem:$0x3FD9]  }
0x89: {  	s3 =	sld [smem:$0x3FFE];
	_ =	sdelay $0x1  }
0x8a: {  	s1 =	srdreg.scid  }
0x8b: {  	s0 =	sand.u32 $0x1, s1  }
0x8c: {  	s14 =	sshll.u32 s0, $0xA;
	s2 =	sadd.s32 s3, s2  }
0x8d: {  	s2 =	sadd.s32 s2, s14  }
0x8e: {  	[smem:$0x3FBA] =	sst s2  }
0x8f: {  	_ = 	snop  }
0x90: {  	s2 =	sld [smem:$0x3FD0];
	_ =	sdelay $0x2  }
0x91: {  	s15 =	simm.s32 $0xA;
	s4 =	simm.s32 $0x10  }
0x92: {  	[smem:s4], [sflag:s15] =	dma.local [hbm:s2], $0x1  }
0x93: {  	_ =	swait.eq [sflag:s15], $0x1  }
0x94: {  	[sflag:s15] =	ssyncset.done $0x0  }
0x95: {  	s16 =	sld [smem:$0x10];
	[sflag:s15] =	ssyncadd.s32 $0xFFFFFFFF  }
0x96: {  	s17 =	sld [smem:$0x11];
	(tm) =	ssettm $0x1  }
0x97: {  	s18 =	sld [smem:$0x3FFB];
	_ =	sdelay $0x3  }
0x98: {  	_ =	strace s18  }
0x99: {  	s4 =	sld [smem:$0x3FFC];
	_ =	sdelay $0x3  }
0x9a: {  	_ =	strace s4  }
0x9b: {  	s4 =	sld [smem:$0x3FFD];
	_ =	sdelay $0x3  }
0x9c: {  	_ =	strace s4  }
0x9d: {  	_ =	strace $0x8FFFFFFF  }
0x9e: {  	s19 =	sld [smem:$0x3FDB];
	_ =	sdelay $0x1  }
0x9f: {  	s5 =	simm.s32 $_scs_section_size  }
0xa0: {  	s6 =	simm.s32 $_size__tile_overlayer_lowered;
	s7 =	simm.s32 $_tile_overlayer_lowered  }
0xa1: {  	s22 =	simm.s32 $0x1BFF;
	s21 =	sshll.u32 s7, $0x1;
	s4 =	sadd.s32 s5, s19  }
0xa2: {  	s8 =	simm.s32 $0x0;
	s20 =	sshll.u32 s6, $0x1;
	s6 =	sadd.s32 s21, s4  }
0xa3: {  	[timem:s8], [sflag:s22] =	dma.local [hbm:s6], s20  }
0xa4: {  	_ =	swait.ge [sflag:s22], s20  }
0xa5: {  	s5 =	ssub.s32 $0x0, s20;
	[sflag:s22] =	ssyncset.done $0x0  }
0xa6: {  	[sflag:s22] =	ssyncadd.s32 s5;
	_ =	sdelay $0x1  }
0xa7: {  	s23 =	simm.s32 $0x1B8B  }
0xa8: {  	_ =	swait.ge [sflag:s23], $0x1  }
0xa9: {  	[sflag:s23] =	ssyncset.done $0x0  }
0xaa: {  	s25 =	simm.s32 $0x1B8E;
	s24 =	sld [smem:$0x3FFE];
	[sflag:s23] =	ssyncadd.s32 $0xFFFFFFFF  }
0xab: {  	s26 =	simm.s32 $execute0_lowered;
	[smem:$0x3FD2] =	sst s25  }
0xac: {  	s6 =	sshll.u32 s26, $0x1;
	_ =	strace $0x80000046;
	[dreg:$0x1] =	wrdreg $0xFFFFFFFF  }
0xad: {  	s28 =	simm.s32 $_size_execute0_lowered;
	s4 =	sadd.s32 s4, s6;
	[dreg:$0x0] =	wrdreg $0x0  }
0xae: {  	s6 =	sshll.u32 s28, $0x1;
	[dreg:$0x2] =	wrdreg s4  }
0xaf: {  	[dreg:$0x3] =	wrdreg s6  }
0xb0: {  	[dreg:$0x4] =	wrdreg $0xC0  }
0xb1: {  	_ =	task [dreg:s8], $0x5FFFF  }
0xb2: {  	[dreg:$0x1] =	wrdreg $0xFFFFFFFF  }
0xb3: {  	[dreg:$0x0] =	wrdreg $0x60  }
0xb4: {  	[dreg:$0x2] =	wrdreg s24  }
0xb5: {  	[dreg:$0x3] =	wrdreg s16  }
0xb6: {  	[dreg:$0x4] =	wrdreg s17  }
0xb7: {  	[dreg:$0x5] =	wrdreg $0x9  }
0xb8: {  	_ =	task.clear_ibuf [dreg:s8], $0x6FFFF;
	_ =	strace $0x90000046  }
0xb9: {  	s29 =	simm.s32 $0x9;
	_ =	strace $0x80000048  }
0xba: {  	_ =	swait.ge [sflag:s29], $0x1  }
0xbb: {  	[sflag:s29] =	ssyncadd.s32 $0xFFFFFFFF  }
0xbc: {  	_ =	strace $0x90000048  }
0xbd: {  	_ =	sfence  }
0xbe: {  	s30 =	sld [smem:$0x0];
	_ =	sdelay $0x2  }
0xbf: {  	s31 =	sshll.u32 s1, $0xD;
	s1 =	sshrl.u32 s1, $0x2  }
0xc0: {  	s3 =	sand.u32 $0x4000, s31;
	s1 =	sadd.s32 s1, s30  }
0xc1: {  	s0 =	sor.u32 s3, s0;
	s1 =	sshll.u32 s1, $0x11  }
0xc2: {  	s0 =	sor.u32 s1, s0  }
0xc3: {  	s0 =	sadd.s32 $0x8F2B, s0  }
0xc4: {  	[sflag:s0] =	ssyncadd.remote.s32 $0x1  }
0xc5: {  	_ =	sfence.sel $0xFFFF  }
0xc6: {  	[dreg:$0x0] =	wrdreg $0xFFFFFFFF;
	(pc) =	sbr.abs _section_cstart, $3  }
0xc7: {  	[dreg:$0x1] =	wrdreg $0xFFFFFFFF  }
0xc8: {  	_ =	task.clear_ibuf [dreg:s8], $0x2FFFF;
	_ =	strace $0x9FFFFFFF  }
0xc9: {  	(tm) =	ssettm $0x7FFFFFFF  }
tec
execute0_lowered:
.L_overlay_start_1:
0x0: {  	(tag) =	ssettag $0x1  }
0x1: {  	s5 =	rddreg [dreg:$0x0]  }
0x2: {  	s9 =	rddreg [dreg:$0x1]  }
0x3: {  	s11 =	rddreg [dreg:$0x2]  }
0x4: {  	s0 =	rddreg [dreg:$0x3]  }
0x5: {  	s1 =	simm.s32 $0x0;
	s2 =	srdreg.scid;
	s14 =	simm.s32 $0x100  }
0x6: {  	s15 =	simm.s32 $0x200;
	s16 =	simm.s32 $0x1;
	s17 =	simm.s32 $0x2  }
0x7: {  	s18 =	simm.s32 $0x0;
	[smem:$0x7FF] =	sst s1;
	s12 =	sand.u32 $0x1, s2  }
0x8: {  	s3 =	sadd.s32 $0xD400, s5;
	s2 =	stileid.u32;
	_ =	strace $0x80000047  }
0x9: {  	s4 =	ssub.s32 $0x2, s12;
	s10 =	sshll.u32 s2, $0x5;
	s7 =	sshll.u32 s2, $0x1  }
0xa: {  	s30 =	sshll.u32 s12, $0x4;
	s31 =	sshll.u32 s2, $0xC;
	s6 =	sshrl.u32 s4, $0x1  }
0xb: {  	s13 =	sadd.s32 s10, s5;
	s5 =	sadd.s32 $0xD2E0, s5;
	s8 =	ssub.s32 s4, s6  }
.Ltmp0:
0xc: {  	s4 =	sor.u32 s12, s7;
	s6 =	sadd.s32 $0x4E0, s9;
	(pc) =	sbr.rel .LBB2_1-.Ltmp0, $4  }
0xd: {  	s7 =	sadd.s32 $0x27000, s11;
	s9 =	sadd.s32 s10, s9;
	s10 =	sadd.s32 s30, s13  }
0xe: {  	s11 =	sadd.s32 s31, s11;
	s12 =	sshll.u32 s12, $0xB;
	s13 =	simm.s32 $0x80  }
0xf: {  	s8 =	smax.u32 s8, $0x1;
	s9 =	sadd.s32 s30, s9;
	s10 =	sadd.s32 $0xCE00, s10  }
0x10: {  	s11 =	sadd.s32 s12, s11;
	s12 =	simm.s32 $0x3;
	p0 =	sne.s32 s4, $0x0  }
.LBB2_5:
0x11: {  	s19 =	simm.s32 @!p0 $0x0;
	s20 =	simm.s32 @!p0 $0x2  }
0x12: {  	[tilespmem:s19], [sflag:$0x2] =	stream.linear.gather @!p0 [hbm4b:s5+s19], $0x10, $0x38;
	[tilespmem:$0x4200] =	vst v63  }
0x13: {  	_ =	swait.ge @!p0 [sflag:s20], $0x10  }
0x14: {  	[sflag:s20] =	ssyncset.done @!p0 $0x0  }
0x15: {  	s21 =	simm.s32 @!p0 $0x80;
	[sflag:s20] =	ssyncadd.s32 @!p0 $0xFFFFFFF0  }
0x16: {  	[tilespmem:s21], [sflag:$0x2] =	stream.linear.gather @!p0 [hbm4b:s6+s19], $0x10, $0x38;
	[tilespmem:$0x4200] =	vst v63  }
0x17: {  	_ =	swait.ge @!p0 [sflag:s20], $0x10  }
0x18: {  	[sflag:s20] =	ssyncset.done @!p0 $0x0  }
0x19: {  	[sflag:s20] =	ssyncadd.s32 @!p0 $0xFFFFFFF0  }
0x1a: {  	v0 =	vld @!p0 [tilespmem:$0x0];
	_ =	sdelay $0x1  }
0x1b: {  	v1 =	vld @!p0 [tilespmem:$0x80];
	_ =	sdelay $0x2  }
0x1c: {  	v0 =	vmul.u32 @!p0 $0xB, v0;
	_ =	sdelay $0x1  }
0x1d: {  	v0 =	vadd.s32 @!p0 v1, v0  }
0x1e: {  	s22 =	simm.s32 @!p0 $0x180;
	s23 =	simm.s32 @!p0 $0x200;
	s21 =	simm.s32 @!p0 $0x10;
	[tilespmem:$0x180] =	vst @!p0 v0  }
0x1f: {  	[tilespmem:s23], [sflag:$0x1] =	stream.indirect.gather @!p0 [hbm4b:s3+s21], $0x80, s22, s21, $0xb8;
	[tilespmem:$0x4200] =	vst v63  }
0x20: {  	s21 =	simm.s32 @!p0 $0x1  }
0x21: {  	s18 =	sadd.s32 $0x1, s18;
	_ =	swait.ge @!p0 [sflag:s21], $0x800  }
0x22: {  	p1 =	sne.s32 s18, s8;
	[sflag:s21] =	ssyncset.done @!p0 $0x0  }
.Ltmp1:
0x23: {  	[sflag:s21] =	ssyncadd.s32 @!p0 $0xFFFFF800;
	(pc) =	sbr.rel @!p1 .LBB2_6-.Ltmp1, $4  }
0x24: {  	[hbm4b:s7+s19] =	stream.linear.scatter @!p0 [tilespmem:s23], [sflag:$0x2], $0x800, $0x38;
	[tilespmem:$0x4200] =	vst v63  }
0x25: {  	_ =	swait.ge @!p0 [sflag:s20], $0x800  }
0x26: {  	[sflag:s20] =	ssyncset.done @!p0 $0x0  }
0x27: {  	[sflag:s20] =	ssyncadd.s32 @!p0 $0xFFFFF800  }
.LBB2_1:
.Ltmp2:
0x28: {  	(pc) =	sbr.rel .LBB2_2-.Ltmp2, $2  }
0x29: {  	_ =	sdelay $0x2  }
0x2a: {  	s19 =	smov.u32 s4;
	s20 =	smov.u32 s11;
	s21 =	simm.s32 $0x0  }
.LBB2_4:
0x2b: {  	s21 =	sadd.s32 $0x200, s21  }
0x2c: {  	p1 =	sne.s32 s21, $0x600  }
.Ltmp3:
0x2d: {  	_ = 	snop;
	(pc) =	sbr.rel @!p1 .LBB2_5-.Ltmp3, $2  }
0x2e: {  	_ =	sdelay $0x2  }
0x2f: {  	s20 =	sadd.s32 $0x10000, s20;
	s19 =	sadd.s32 $0x20, s19  }
.LBB2_2:
0x30: {  	p1 =	sgt.u32 s19, $0x4D  }
.Ltmp4:
0x31: {  	_ = 	snop;
	(pc) =	sbr.rel @p1 .LBB2_4-.Ltmp4, $1  }
0x32: {  	_ =	sdelay $0x3  }
0x33: {  	s22 =	sadd.s32 s21, s10  }
0x34: {  	[tilespmem:s1], [sflag:$0x3] =	stream.linear.gather [hbm4b:s22+s1], $0x80, $0x38;
	[tilespmem:$0x4200] =	vst v63  }
0x35: {  	_ =	swait.ge [sflag:s12], $0x80  }
0x36: {  	[sflag:s12] =	ssyncset.done $0x0  }
0x37: {  	s31 =	sadd.s32 s21, s9;
	[sflag:s12] =	ssyncadd.s32 $0xFFFFFF80  }
0x38: {  	[tilespmem:s13], [sflag:$0x3] =	stream.linear.gather [hbm4b:s31+s1], $0x80, $0x38;
	[tilespmem:$0x4200] =	vst v63  }
0x39: {  	_ =	swait.ge [sflag:s12], $0x80  }
0x3a: {  	[sflag:s12] =	ssyncset.done $0x0  }
0x3b: {  	[sflag:s12] =	ssyncadd.s32 $0xFFFFFF80  }
0x3c: {  	v0 =	vld [tilespmem:$0x0]  }
0x3d: {  	v1 =	vld [tilespmem:$0x80]  }
0x3e: {  	v2 =	vld [tilespmem:$0x10]  }
0x3f: {  	v3 =	vld [tilespmem:$0x90]  }
0x40: {  	v4 =	vld [tilespmem:$0x20]  }
0x41: {  	v5 =	vld [tilespmem:$0xA0]  }
0x42: {  	v6 =	vld [tilespmem:$0x30]  }
0x43: {  	v7 =	vld [tilespmem:$0xB0]  }
0x44: {  	v8 =	vld [tilespmem:$0x40]  }
0x45: {  	v9 =	vld [tilespmem:$0xC0]  }
0x46: {  	v10 =	vld [tilespmem:$0x50]  }
0x47: {  	v11 =	vld [tilespmem:$0xD0];
	v0 =	vmul.u32 $0xB, v0  }
0x48: {  	v12 =	vld [tilespmem:$0x60];
	v2 =	vmul.u32 $0xB, v2  }
0x49: {  	v49 =	vld [tilespmem:$0x70];
	v48 =	vmul.u32 $0xB, v4;
	v0 =	vadd.s32 v1, v0  }
0x4a: {  	v52 =	vld [tilespmem:$0xE0];
	v51 =	vmul.u32 $0xB, v6;
	v50 =	vadd.s32 v3, v2;
	[tilespmem:$0x100] =	vst v0  }
0x4b: {  	v55 =	vld [tilespmem:$0xF0];
	v54 =	vmul.u32 $0xB, v8;
	v53 =	vadd.s32 v5, v48;
	[tilespmem:$0x110] =	vst v50  }
0x4c: {  	v57 =	vmul.u32 $0xB, v10;
	v56 =	vadd.s32 v7, v51;
	[tilespmem:$0x120] =	vst v53  }
0x4d: {  	v59 =	vmul.u32 $0xB, v12;
	v58 =	vadd.s32 v9, v54;
	[tilespmem:$0x130] =	vst v56  }
0x4e: {  	v61 =	vmul.u32 $0xB, v49;
	v60 =	vadd.s32 v11, v57;
	[tilespmem:$0x140] =	vst v58  }
0x4f: {  	v62 =	vadd.s32 v52, v59;
	[tilespmem:$0x150] =	vst v60  }
0x50: {  	v63 =	vadd.s32 v55, v61;
	[tilespmem:$0x160] =	vst v62  }
0x51: {  	[tilespmem:$0x170] =	vst v63  }
0x52: {  	[tilespmem:s15], [sflag:$0x1] =	stream.indirect.gather [hbm4b:s3+s13], $0x80, s14, s13, $0xb8;
	[tilespmem:$0x4200] =	vst v63  }
0x53: {  	_ =	swait.ge [sflag:s16], $0x4000  }
0x54: {  	[sflag:s16] =	ssyncset.done $0x0  }
.Ltmp5:
0x55: {  	[sflag:s16] =	ssyncadd.s32 $0xFFFFC000;
	(pc) =	sbr.rel .LBB2_4-.Ltmp5, $4  }
0x56: {  	[hbm4b:s20+s1] =	stream.linear.scatter [tilespmem:s15], [sflag:$0x2], $0x4000, $0x38;
	[tilespmem:$0x4200] =	vst v63  }
0x57: {  	_ =	swait.ge [sflag:s17], $0x4000  }
0x58: {  	[sflag:s17] =	ssyncset.done $0x0  }
0x59: {  	[sflag:s17] =	ssyncadd.s32 $0xFFFFC000  }
.LBB2_6:
0x5a: {  	_ =	sfence.sel $0x180000  }
0x5b: {  	[bflag:$0x0] =	sbarrier.arrive $0xFFFF  }
0x5c: {  	p0 =	sne.s32 s2, $0x0;
	_ =	strace $0x90000047  }
0x5d: {  	s0 =	sadd.s32 @!p0 $0x100000, s0;
	[bflag:$0x2] =	sbarrier.arrive $0xFFFF  }
0x5e: {  	[sflag:s0] =	ssyncadd.tile.s32 @!p0 $0x1;
	_ =	shalt  }
.Lfunc_end2:
_tile_overlayer_lowered:
.L_overlay_start_2:
0x5f: {  	(tag) =	ssettag $0x2  }
0x60: {  	s0 =	rddreg [dreg:$0x0];
	s2 =	stileid.u32  }
0x61: {  	s1 =	rddreg [dreg:$0x1];
	p0 =	sne.s32 s2, $0x0  }
0x62: {  	s3 =	rddreg [dreg:$0x2];
	[bflag:$0x3] =	sbarrier.arrive $0xFFFF;
	s2 =	simm.s32 @!p0 $0x1C02  }
0x63: {  	[timem:s3], [sflag:s2] =	dma.local @!p0 [hbm:s0], s1  }
0x64: {  	s0 =	simm.s32 @!p0 $0x2  }
0x65: {  	_ =	swait.ge @!p0 [sflag:s0], s1  }
0x66: {  	s1 =	ssub.s32 @!p0 $0x0, s1;
	[sflag:s0] =	ssyncset.done @!p0 $0x0  }
0x67: {  	[sflag:s0] =	ssyncadd.s32 @!p0 s1  }
0x68: {  	[bflag:$0x3] =	sbarrier.arrive $0xFFFF  }
0x69: {  	_ =	shalt  }

// kernel: kernel.33.cloned.1.call-start
scs
__scs_entry_jumppad:
0x0: {  	(pc) =	sbr.rel $0x88, $3  }
0x1: {  	(tag) =	ssettag $0x0;
	lr =	simm.s32 $0x1  }
0x2: {  	[smem:$0x3F93] =	sst lr;
	_ =	strace $0xD0000000  }
0x3: {  	_ = 	snop  }
0x4: {  	_ = 	snop  }
0x5: {  	_ = 	snop  }
0x6: {  	_ = 	snop  }
0x7: {  	_ = 	snop  }
__scs_overlays_trampoline_lowered:
0x8: {  	[smem:$0x3FA2] =	sst s0  }
0x9: {  	[smem:$0x3FA3] =	sst s1  }
0xa: {  	[smem:$0x3FA4] =	sst s2  }
0xb: {  	[smem:$0x3FA5] =	sst s3  }
0xc: {  	[smem:$0x3FA6] =	sst s4  }
0xd: {  	[smem:$0x3FA7] =	sst s5  }
0xe: {  	[smem:$0x3FA8] =	sst s6  }
0xf: {  	[smem:$0x3FA9] =	sst s7  }
0x10: {  	[smem:$0x3FAA] =	sst s8  }
0x11: {  	[smem:$0x3FAB] =	sst s9;
	s0 =	simm.s32 @!p0 $0x0  }
0x12: {  	s1 =	sld [smem:$0x3F91];
	s0 =	simm.s32 @p0 $0x1  }
0x13: {  	[smem:$0x3FAC] =	sst s0;
	s0 =	simm.s32 @!p1 $0x0  }
0x14: {  	s2 =	sld [smem:$0x3F90];
	s0 =	simm.s32 @p1 $0x1  }
0x15: {  	[smem:$0x3FAD] =	sst s0;
	s0 =	simm.s32 @!p2 $0x0  }
0x16: {  	s3 =	sld [smem:$0x3FDB];
	s0 =	simm.s32 @p2 $0x1  }
0x17: {  	s4 =	simm.s32 $0x1BF5;
	[smem:$0x3FAF] =	sst s0  }
0x18: {  	s0 =	sld [smem:$0x3F92];
	_ =	swait.ge [sflag:s4], $0x0  }
0x19: {  	s7 =	sld [smem:$0x3F93]  }
0x1a: {  	s8 =	sadd.s32 $0xFFFFE003, lr  }
0x1b: {  	s9 =	sadd.s32 $0xFFFFFEF7, lr;
	s5 =	simm.s32 $0xFFFFFFFF;
	p2 =	slt.u32 s8, $0xFFFFF086  }
0x1c: {  	p1 =	slt.u32 s9, $0xF7A;
	s5 =	simm.s32 @!p2 $0x0  }
0x1d: {  	s5 =	simm.s32 @p1 $0x1;
	p0 =	seq.s32 s7, s2  }
0x1e: {  	s7 =	smul.u32 @!p0 $0xF7A, s2;
	p2 =	seq.s32 @!p0 s5, $0x0  }
0x1f: {  	s9 =	smul.u32 $0xF7A, s1;
	s8 =	simm.s32 @!p0 $0x1BF5;
	p2 =	por !p2, p0  }
0x20: {  	[sflag:s8] =	ssyncset.s32 @!p0 $0xFFFFF086;
	s6 =	sadd.s32 @!p0 s3, s7;
	s7 =	simm.s32 @!p0 $0x108  }
0x21: {  	s3 =	sadd.s32 s3, s9;
	s6 =	sadd.s32 @!p0 $0x88, s6;
	s7 =	simm.s32 @p2 $0x1082  }
0x22: {  	[simem:s7], [sflag:s8] =	dma.local @!p0 [hbm:s6], $0xF7A  }
0x23: {  	s9 =	sor.u32 $0xD0000000, s2;
	s6 =	simm.s32 $0x108;
	_ =	swait.ge @!p0 [sflag:s8], $0x0  }
0x24: {  	s3 =	sadd.s32 $0x88, s3;
	s6 =	simm.s32 @!p1 $0x1082;
	[sflag:s4] =	ssyncset.s32 $0xFFFFF086  }
0x25: {  	[simem:s6], [sflag:s4] =	dma.local [hbm:s3], $0xF7A  }
0x26: {  	[smem:$0x3F93] =	sst s1;
	(tag) =	ssettag s2;
	_ =	strace s9  }
0x27: {  	s1 =	sld [smem:$0x3FA3]  }
0x28: {  	s2 =	sld [smem:$0x3FA4]  }
0x29: {  	s4 =	sld [smem:$0x3FA6]  }
0x2a: {  	p0 =	seq.s32 s5, $0x0;
	s5 =	sld [smem:$0x3FA7]  }
0x2b: {  	s6 =	sld [smem:$0x3FA8]  }
0x2c: {  	s7 =	sld [smem:$0x3FA9]  }
0x2d: {  	s3 =	simm.s32 $0x108;
	s8 =	sld [smem:$0x3FAA]  }
0x2e: {  	s3 =	simm.s32 @!p0 $0x1082;
	s9 =	sld [smem:$0x3FAB]  }
0x2f: {  	lr =	sadd.s32 s0, s3;
	s0 =	sld [smem:$0x3FA2]  }
0x30: {  	s3 =	sld [smem:$0x3FA5]  }
0x31: {  	[smem:$0x3FAE] =	sst s10  }
0x32: {  	s10 =	sld [smem:$0x3FAC];
	_ =	sdelay $0x3  }
0x33: {  	p0 =	seq.s32 s10, $0x1;
	s10 =	sld [smem:$0x3FAE];
	_ =	sdelay $0x3  }
0x34: {  	[smem:$0x3FAE] =	sst s10  }
0x35: {  	s10 =	sld [smem:$0x3FAD];
	_ =	sdelay $0x3  }
0x36: {  	p1 =	seq.s32 s10, $0x1;
	s10 =	sld [smem:$0x3FAE];
	_ =	sdelay $0x3  }
0x37: {  	[smem:$0x3FAE] =	sst s10  }
0x38: {  	s10 =	sld [smem:$0x3FAF]  }
0x39: {  	_ = 	snop;
	(pc) =	sbr.ind lr, $3  }
0x3a: {  	_ = 	snop  }
0x3b: {  	_ = 	snop  }
0x3c: {  	p2 =	seq.s32 s10, $0x1;
	s10 =	sld [smem:$0x3FAE]  }
0x3d: {  	_ =	shalt  }
0x3e: {  	_ =	shalt  }
0x3f: {  	_ =	shalt  }
0x40: {  	_ =	shalt  }
0x41: {  	_ =	shalt  }
0x42: {  	_ =	shalt  }
0x43: {  	_ =	shalt  }
0x44: {  	_ =	shalt  }
0x45: {  	_ =	shalt  }
0x46: {  	_ =	shalt  }
0x47: {  	_ =	shalt  }
0x48: {  	_ =	shalt  }
0x49: {  	_ =	shalt  }
0x4a: {  	_ =	shalt  }
0x4b: {  	_ =	shalt  }
0x4c: {  	_ =	shalt  }
0x4d: {  	_ =	shalt  }
0x4e: {  	_ =	shalt  }
0x4f: {  	_ =	shalt  }
0x50: {  	_ =	shalt  }
0x51: {  	_ =	shalt  }
0x52: {  	_ =	shalt  }
0x53: {  	_ =	shalt  }
0x54: {  	_ =	shalt  }
0x55: {  	_ =	shalt  }
0x56: {  	_ =	shalt  }
0x57: {  	_ =	shalt  }
0x58: {  	_ =	shalt  }
0x59: {  	_ =	shalt  }
0x5a: {  	_ =	shalt  }
0x5b: {  	_ =	shalt  }
0x5c: {  	_ =	shalt  }
0x5d: {  	_ =	shalt  }
0x5e: {  	_ =	shalt  }
0x5f: {  	_ =	shalt  }
0x60: {  	_ =	shalt  }
0x61: {  	_ =	shalt  }
0x62: {  	_ =	shalt  }
0x63: {  	_ =	shalt  }
0x64: {  	_ =	shalt  }
0x65: {  	_ =	shalt  }
0x66: {  	_ =	shalt  }
0x67: {  	_ =	shalt  }
0x68: {  	_ =	shalt  }
0x69: {  	_ =	shalt  }
0x6a: {  	_ =	shalt  }
0x6b: {  	_ =	shalt  }
0x6c: {  	_ =	shalt  }
0x6d: {  	_ =	shalt  }
0x6e: {  	_ =	shalt  }
0x6f: {  	_ =	shalt  }
0x70: {  	_ =	shalt  }
0x71: {  	_ =	shalt  }
0x72: {  	_ =	shalt  }
0x73: {  	_ =	shalt  }
0x74: {  	_ =	shalt  }
0x75: {  	_ =	shalt  }
0x76: {  	_ =	shalt  }
0x77: {  	_ =	shalt  }
0x78: {  	_ =	shalt  }
0x79: {  	_ =	shalt  }
0x7a: {  	_ =	shalt  }
0x7b: {  	_ =	shalt  }
0x7c: {  	_ =	shalt  }
0x7d: {  	_ =	shalt  }
0x7e: {  	_ =	shalt  }
0x7f: {  	_ =	shalt  }
0x80: {  	_ =	shalt  }
0x81: {  	_ =	shalt  }
0x82: {  	_ =	shalt  }
0x83: {  	_ =	shalt  }
0x84: {  	_ =	shalt  }
0x85: {  	_ =	shalt  }
0x86: {  	_ =	shalt  }
0x87: {  	_ =	shalt  }
.Lfunc_end0:
.L_simem_size_0:
called_computation.1_lowered:
.L_overlay_start_0:
0x88: {  	s2 =	sld [smem:$0x3FD9]  }
0x89: {  	s3 =	sld [smem:$0x3FFE];
	_ =	sdelay $0x1  }
0x8a: {  	s1 =	srdreg.scid  }
0x8b: {  	s0 =	sand.u32 $0x1, s1  }
0x8c: {  	s14 =	sshll.u32 s0, $0xA;
	s2 =	sadd.s32 s3, s2  }
0x8d: {  	s2 =	sadd.s32 s2, s14  }
0x8e: {  	[smem:$0x3FBA] =	sst s2  }
0x8f: {  	_ = 	snop  }
0x90: {  	s2 =	sld [smem:$0x3FD0];
	_ =	sdelay $0x2  }
0x91: {  	s15 =	simm.s32 $0xA;
	s4 =	simm.s32 $0x10  }
0x92: {  	[smem:s4], [sflag:s15] =	dma.local [hbm:s2], $0x1  }
0x93: {  	_ =	swait.eq [sflag:s15], $0x1  }
0x94: {  	[sflag:s15] =	ssyncset.done $0x0  }
0x95: {  	[sflag:s15] =	ssyncadd.s32 $0xFFFFFFFF  }
0x96: {  	s16 =	sld [smem:$0x11];
	(tm) =	ssettm $0x1  }
0x97: {  	s17 =	sld [smem:$0x3FFB];
	_ =	sdelay $0x3  }
0x98: {  	_ =	strace s17  }
0x99: {  	s3 =	sld [smem:$0x3FFC];
	_ =	sdelay $0x3  }
0x9a: {  	_ =	strace s3  }
0x9b: {  	s3 =	sld [smem:$0x3FFD];
	_ =	sdelay $0x3  }
0x9c: {  	_ =	strace s3  }
0x9d: {  	_ =	strace $0x8FFFFFFF  }
0x9e: {  	s18 =	sld [smem:$0x3FDB];
	_ =	sdelay $0x1  }
0x9f: {  	s19 =	simm.s32 $_scs_section_size  }
0xa0: {  	s5 =	simm.s32 $_size__tile_overlayer_lowered;
	s6 =	simm.s32 $_tile_overlayer_lowered  }
0xa1: {  	s22 =	simm.s32 $0x1BFF;
	s21 =	sshll.u32 s6, $0x1;
	s3 =	sadd.s32 s19, s18  }
0xa2: {  	s7 =	simm.s32 $0x0;
	s20 =	sshll.u32 s5, $0x1;
	s5 =	sadd.s32 s21, s3  }
0xa3: {  	[timem:s7], [sflag:s22] =	dma.local [hbm:s5], s20  }
0xa4: {  	_ =	swait.ge [sflag:s22], s20  }
0xa5: {  	s4 =	ssub.s32 $0x0, s20;
	[sflag:s22] =	ssyncset.done $0x0  }
0xa6: {  	[sflag:s22] =	ssyncadd.s32 s4;
	_ =	sdelay $0x1  }
0xa7: {  	s23 =	simm.s32 $0x1B8B  }
0xa8: {  	_ =	swait.ge [sflag:s23], $0x1  }
0xa9: {  	[sflag:s23] =	ssyncset.done $0x0  }
0xaa: {  	s25 =	simm.s32 $0x1B8E;
	s24 =	sld [smem:$0x3FFE];
	[sflag:s23] =	ssyncadd.s32 $0xFFFFFFFF  }
0xab: {  	s26 =	simm.s32 $execute0_lowered;
	[smem:$0x3FD2] =	sst s25  }
0xac: {  	s5 =	sshll.u32 s26, $0x1;
	_ =	strace $0x80000049;
	[dreg:$0x1] =	wrdreg $0xFFFFFFFF  }
0xad: {  	s28 =	simm.s32 $_size_execute0_lowered;
	s3 =	sadd.s32 s3, s5;
	[dreg:$0x0] =	wrdreg $0x0  }
0xae: {  	s5 =	sshll.u32 s28, $0x1;
	[dreg:$0x2] =	wrdreg s3  }
0xaf: {  	[dreg:$0x3] =	wrdreg s5  }
0xb0: {  	[dreg:$0x4] =	wrdreg $0xC0  }
0xb1: {  	_ =	task [dreg:s7], $0x5FFFF  }
0xb2: {  	[dreg:$0x1] =	wrdreg $0xFFFFFFFF  }
0xb3: {  	[dreg:$0x0] =	wrdreg $0x60  }
0xb4: {  	[dreg:$0x2] =	wrdreg s16  }
0xb5: {  	[dreg:$0x3] =	wrdreg s24  }
0xb6: {  	[dreg:$0x4] =	wrdreg $0x9  }
0xb7: {  	_ =	task.clear_ibuf [dreg:s7], $0x5FFFF;
	_ =	strace $0x90000049  }
0xb8: {  	s29 =	simm.s32 $0x9;
	_ =	strace $0x8000004B  }
0xb9: {  	_ =	swait.ge [sflag:s29], $0x1  }
0xba: {  	[sflag:s29] =	ssyncadd.s32 $0xFFFFFFFF  }
0xbb: {  	_ =	strace $0x9000004B  }
0xbc: {  	_ =	sfence  }
0xbd: {  	s30 =	sld [smem:$0x0];
	_ =	sdelay $0x2  }
0xbe: {  	s31 =	sshll.u32 s1, $0xD;
	s1 =	sshrl.u32 s1, $0x2  }
0xbf: {  	s3 =	sand.u32 $0x4000, s31;
	s1 =	sadd.s32 s1, s30  }
0xc0: {  	s0 =	sor.u32 s3, s0;
	s1 =	sshll.u32 s1, $0x11  }
0xc1: {  	s0 =	sor.u32 s1, s0  }
0xc2: {  	s0 =	sadd.s32 $0x8F2B, s0  }
0xc3: {  	[sflag:s0] =	ssyncadd.remote.s32 $0x1  }
0xc4: {  	_ =	sfence.sel $0xFFFF  }
0xc5: {  	[dreg:$0x0] =	wrdreg $0xFFFFFFFF;
	(pc) =	sbr.abs _section_cstart, $3  }
0xc6: {  	[dreg:$0x1] =	wrdreg $0xFFFFFFFF  }
0xc7: {  	_ =	task.clear_ibuf [dreg:s7], $0x2FFFF;
	_ =	strace $0x9FFFFFFF  }
0xc8: {  	(tm) =	ssettm $0x7FFFFFFF  }
0xc9: {  	_ =	shalt  }
tec
execute0_lowered:
.L_overlay_start_1:
0x0: {  	(tag) =	ssettag $0x1  }
0x1: {  	s1 =	rddreg [dreg:$0x0]  }
0x2: {  	s4 =	rddreg [dreg:$0x1]  }
0x3: {  	s0 =	rddreg [dreg:$0x2]  }
0x4: {  	s3 =	simm.s32 $0x0;
	s5 =	srdreg.scid;
	s2 =	stileid.u32  }
0x5: {  	[smem:$0x7FF] =	sst s3;
	s5 =	sand.u32 $0x1, s5;
	s6 =	sshll.u32 s2, $0x5  }
0x6: {  	s7 =	sshll.u32 s2, $0xC;
	_ =	strace $0x8000004A;
	s8 =	ssub.s32 $0x2, s5  }
0x7: {  	s6 =	sadd.s32 s6, s4;
	s7 =	sadd.s32 s7, s4;
	s9 =	sshll.u32 s5, $0xB  }
0x8: {  	s5 =	sshll.u32 s5, $0x4;
	s4 =	sshll.u32 s2, $0x1;
	s30 =	sshrl.u32 s8, $0x1  }
0x9: {  	s7 =	sadd.s32 s9, s7;
	s31 =	sadd.s32 s5, s6;
	s8 =	ssub.s32 s8, s30  }
0xa: {  	s6 =	sadd.s32 $0x26400, s7;
	s7 =	sadd.s32 $0x1C600, s31;
	s5 =	smax.u32 s8, $0x1  }
.LBB2_1:
0xb: {  	s8 =	sadd.s32 $0x0, s4  }
0xc: {  	p0 =	sgt.u32 s8, $0x9C3  }
0xd: {  	s8 =	simm.s32 @!p0 $0x0;
	s9 =	simm.s32 @!p0 $0x3  }
0xe: {  	[tilespmem:s8], [sflag:$0x3] =	stream.linear.gather @!p0 [hbm4b:s7+s8], $0x80, $0x38;
	[tilespmem:$0x4080] =	vst v63  }
0xf: {  	_ =	swait.ge @!p0 [sflag:s9], $0x80  }
0x10: {  	[sflag:s9] =	ssyncset.done @!p0 $0x0;
	p0 =	por p0, p0  }
0x11: {  	[sflag:s9] =	ssyncadd.s32 @!p0 $0xFFFFFF80;
	s10 =	simm.s32 @!p0 $0x80;
	s11 =	simm.s32 @!p0 $0x1  }
0x12: {  	[tilespmem:s10], [sflag:$0x1] =	stream.indirect.gather @!p0 [hbm4b:s1+s10], $0x80, s8, s10, $0xb8;
	[tilespmem:$0x4080] =	vst v63  }
0x13: {  	_ =	swait.ge @!p0 [sflag:s11], $0x4000  }
0x14: {  	[sflag:s11] =	ssyncset.done @!p0 $0x0  }
0x15: {  	s31 =	sadd.s32 $0x20, s4;
	[sflag:s11] =	ssyncadd.s32 @!p0 $0xFFFFC000;
	s11 =	simm.s32 @!p0 $0x2  }
0x16: {  	[hbm4b:s6+s8] =	stream.linear.scatter @!p0 [tilespmem:s10], [sflag:$0x2], $0x4000, $0x38;
	[tilespmem:$0x4080] =	vst v63  }
0x17: {  	p1 =	sgt.u32 s31, $0x9C3;
	s9 =	simm.s32 $0x40;
	_ =	swait.ge @!p0 [sflag:s11], $0x4000  }
0x18: {  	s10 =	sadd.s32 $0x200, s7;
	s8 =	sadd.s32 $0x10000, s6;
	[sflag:s11] =	ssyncset.done @!p0 $0x0  }
.LBB2_2:
0x19: {  	s12 =	simm.s32 @!p1 $0x0;
	s13 =	simm.s32 @!p1 $0x3;
	[sflag:s11] =	ssyncadd.s32 @!p0 $0xFFFFC000  }
0x1a: {  	[tilespmem:s12], [sflag:$0x3] =	stream.linear.gather @!p1 [hbm4b:s10+s12], $0x80, $0x38;
	[tilespmem:$0x4080] =	vst v63  }
0x1b: {  	s14 =	smov.u32 s9;
	s9 =	sadd.s32 $0x20, s9;
	_ =	swait.ge @!p1 [sflag:s13], $0x80  }
0x1c: {  	p0 =	por p1, p1;
	p2 =	sne.s32 s9, $0x9E0;
	[sflag:s13] =	ssyncset.done @!p1 $0x0  }
0x1d: {  	s11 =	simm.s32 @!p0 $0x1;
	[sflag:s13] =	ssyncadd.s32 @!p0 $0xFFFFFF80;
	s13 =	simm.s32 @!p0 $0x80  }
0x1e: {  	[tilespmem:s13], [sflag:$0x1] =	stream.indirect.gather @!p0 [hbm4b:s1+s13], $0x80, s12, s13, $0xb8;
	[tilespmem:$0x4080] =	vst v63  }
0x1f: {  	_ =	swait.ge @!p0 [sflag:s11], $0x4000  }
.Ltmp0:
0x20: {  	[sflag:s11] =	ssyncset.done @!p0 $0x0;
	(pc) =	sbr.rel @p2 .LBB2_2-.Ltmp0, $4  }
0x21: {  	[sflag:s11] =	ssyncadd.s32 @!p0 $0xFFFFC000;
	s11 =	simm.s32 @!p0 $0x2  }
0x22: {  	[hbm4b:s8+s12] =	stream.linear.scatter @!p0 [tilespmem:s13], [sflag:$0x2], $0x4000, $0x38;
	[tilespmem:$0x4080] =	vst v63  }
0x23: {  	s10 =	sadd.s32 $0x200, s10;
	s12 =	sadd.s32 s14, s4;
	_ =	swait.ge @!p0 [sflag:s11], $0x4000  }
0x24: {  	s8 =	sadd.s32 $0x10000, s8;
	p1 =	sgt.u32 s12, $0x9C3;
	[sflag:s11] =	ssyncset.done @!p0 $0x0  }
0x25: {  	s9 =	simm.s32 @!p1 $0x0;
	s12 =	simm.s32 @!p1 $0x3;
	[sflag:s11] =	ssyncadd.s32 @!p0 $0xFFFFC000  }
0x26: {  	[tilespmem:s9], [sflag:$0x3] =	stream.linear.gather @!p1 [hbm4b:s10+s9], $0x80, $0x38;
	[tilespmem:$0x4080] =	vst v63  }
0x27: {  	_ =	swait.ge @!p1 [sflag:s12], $0x80  }
0x28: {  	p0 =	por p1, p1;
	[sflag:s12] =	ssyncset.done @!p1 $0x0  }
0x29: {  	s10 =	simm.s32 @!p0 $0x80;
	s11 =	simm.s32 @!p0 $0x1;
	[sflag:s12] =	ssyncadd.s32 @!p0 $0xFFFFFF80  }
0x2a: {  	[tilespmem:s10], [sflag:$0x1] =	stream.indirect.gather @!p0 [hbm4b:s1+s10], $0x80, s9, s10, $0xb8;
	[tilespmem:$0x4080] =	vst v63  }
0x2b: {  	s3 =	sadd.s32 $0x1, s3;
	_ =	swait.ge @!p0 [sflag:s11], $0x4000  }
0x2c: {  	p1 =	sne.s32 s3, s5;
	[sflag:s11] =	ssyncset.done @!p0 $0x0  }
.Ltmp1:
0x2d: {  	[sflag:s11] =	ssyncadd.s32 @!p0 $0xFFFFC000;
	s11 =	simm.s32 @!p0 $0x2;
	(pc) =	sbr.rel @p1 .LBB2_1-.Ltmp1, $4  }
0x2e: {  	[hbm4b:s8+s9] =	stream.linear.scatter @!p0 [tilespmem:s10], [sflag:$0x2], $0x4000, $0x38;
	[tilespmem:$0x4080] =	vst v63  }
0x2f: {  	_ =	swait.ge @!p0 [sflag:s11], $0x4000  }
0x30: {  	[sflag:s11] =	ssyncset.done @!p0 $0x0  }
0x31: {  	[sflag:s11] =	ssyncadd.s32 @!p0 $0xFFFFC000  }
0x32: {  	_ =	sfence.sel $0x180000  }
0x33: {  	[bflag:$0x0] =	sbarrier.arrive $0xFFFF  }
0x34: {  	p0 =	sne.s32 s2, $0x0;
	_ =	strace $0x9000004A  }
0x35: {  	s0 =	sadd.s32 @!p0 $0x100000, s0;
	[bflag:$0x2] =	sbarrier.arrive $0xFFFF  }
0x36: {  	[sflag:s0] =	ssyncadd.tile.s32 @!p0 $0x1;
	_ =	shalt  }
.Lfunc_end2:
_tile_overlayer_lowered:
.L_overlay_start_2:
0x37: {  	(tag) =	ssettag $0x2  }
0x38: {  	s0 =	rddreg [dreg:$0x0];
	s2 =	stileid.u32  }
0x39: {  	s1 =	rddreg [dreg:$0x1];
	p0 =	sne.s32 s2, $0x0  }
0x3a: {  	s3 =	rddreg [dreg:$0x2];
	[bflag:$0x3] =	sbarrier.arrive $0xFFFF;
	s2 =	simm.s32 @!p0 $0x1C02  }
0x3b: {  	[timem:s3], [sflag:s2] =	dma.local @!p0 [hbm:s0], s1  }
0x3c: {  	s0 =	simm.s32 @!p0 $0x2  }
0x3d: {  	_ =	swait.ge @!p0 [sflag:s0], s1  }
0x3e: {  	s1 =	ssub.s32 @!p0 $0x0, s1;
	[sflag:s0] =	ssyncset.done @!p0 $0x0  }
0x3f: {  	[sflag:s0] =	ssyncadd.s32 @!p0 s1  }
0x40: {  	[bflag:$0x3] =	sbarrier.arrive $0xFFFF  }
0x41: {  	_ =	shalt  }

// kernel: kernel.36.cloned.1.call-start
scs
__scs_entry_jumppad:
0x0: {  	(pc) =	sbr.rel $0x88, $3  }
0x1: {  	(tag) =	ssettag $0x0;
	lr =	simm.s32 $0x1  }
0x2: {  	[smem:$0x3F93] =	sst lr;
	_ =	strace $0xD0000000  }
0x3: {  	_ = 	snop  }
0x4: {  	_ = 	snop  }
0x5: {  	_ = 	snop  }
0x6: {  	_ = 	snop  }
0x7: {  	_ = 	snop  }
__scs_overlays_trampoline_lowered:
0x8: {  	[smem:$0x3FA2] =	sst s0  }
0x9: {  	[smem:$0x3FA3] =	sst s1  }
0xa: {  	[smem:$0x3FA4] =	sst s2  }
0xb: {  	[smem:$0x3FA5] =	sst s3  }
0xc: {  	[smem:$0x3FA6] =	sst s4  }
0xd: {  	[smem:$0x3FA7] =	sst s5  }
0xe: {  	[smem:$0x3FA8] =	sst s6  }
0xf: {  	[smem:$0x3FA9] =	sst s7  }
0x10: {  	[smem:$0x3FAA] =	sst s8  }
0x11: {  	[smem:$0x3FAB] =	sst s9;
	s0 =	simm.s32 @!p0 $0x0  }
0x12: {  	s1 =	sld [smem:$0x3F91];
	s0 =	simm.s32 @p0 $0x1  }
0x13: {  	[smem:$0x3FAC] =	sst s0;
	s0 =	simm.s32 @!p1 $0x0  }
0x14: {  	s2 =	sld [smem:$0x3F90];
	s0 =	simm.s32 @p1 $0x1  }
0x15: {  	[smem:$0x3FAD] =	sst s0;
	s0 =	simm.s32 @!p2 $0x0  }
0x16: {  	s3 =	sld [smem:$0x3FDB];
	s0 =	simm.s32 @p2 $0x1  }
0x17: {  	s4 =	simm.s32 $0x1BF5;
	[smem:$0x3FAF] =	sst s0  }
0x18: {  	s0 =	sld [smem:$0x3F92];
	_ =	swait.ge [sflag:s4], $0x0  }
0x19: {  	s7 =	sld [smem:$0x3F93]  }
0x1a: {  	s8 =	sadd.s32 $0xFFFFE003, lr  }
0x1b: {  	s9 =	sadd.s32 $0xFFFFFEF7, lr;
	s5 =	simm.s32 $0xFFFFFFFF;
	p2 =	slt.u32 s8, $0xFFFFF086  }
0x1c: {  	p1 =	slt.u32 s9, $0xF7A;
	s5 =	simm.s32 @!p2 $0x0  }
0x1d: {  	s5 =	simm.s32 @p1 $0x1;
	p0 =	seq.s32 s7, s2  }
0x1e: {  	s7 =	smul.u32 @!p0 $0xF7A, s2;
	p2 =	seq.s32 @!p0 s5, $0x0  }
0x1f: {  	s9 =	smul.u32 $0xF7A, s1;
	s8 =	simm.s32 @!p0 $0x1BF5;
	p2 =	por !p2, p0  }
0x20: {  	[sflag:s8] =	ssyncset.s32 @!p0 $0xFFFFF086;
	s6 =	sadd.s32 @!p0 s3, s7;
	s7 =	simm.s32 @!p0 $0x108  }
0x21: {  	s3 =	sadd.s32 s3, s9;
	s6 =	sadd.s32 @!p0 $0x88, s6;
	s7 =	simm.s32 @p2 $0x1082  }
0x22: {  	[simem:s7], [sflag:s8] =	dma.local @!p0 [hbm:s6], $0xF7A  }
0x23: {  	s9 =	sor.u32 $0xD0000000, s2;
	s6 =	simm.s32 $0x108;
	_ =	swait.ge @!p0 [sflag:s8], $0x0  }
0x24: {  	s3 =	sadd.s32 $0x88, s3;
	s6 =	simm.s32 @!p1 $0x1082;
	[sflag:s4] =	ssyncset.s32 $0xFFFFF086  }
0x25: {  	[simem:s6], [sflag:s4] =	dma.local [hbm:s3], $0xF7A  }
0x26: {  	[smem:$0x3F93] =	sst s1;
	(tag) =	ssettag s2;
	_ =	strace s9  }
0x27: {  	s1 =	sld [smem:$0x3FA3]  }
0x28: {  	s2 =	sld [smem:$0x3FA4]  }
0x29: {  	s4 =	sld [smem:$0x3FA6]  }
0x2a: {  	p0 =	seq.s32 s5, $0x0;
	s5 =	sld [smem:$0x3FA7]  }
0x2b: {  	s6 =	sld [smem:$0x3FA8]  }
0x2c: {  	s7 =	sld [smem:$0x3FA9]  }
0x2d: {  	s3 =	simm.s32 $0x108;
	s8 =	sld [smem:$0x3FAA]  }
0x2e: {  	s3 =	simm.s32 @!p0 $0x1082;
	s9 =	sld [smem:$0x3FAB]  }
0x2f: {  	lr =	sadd.s32 s0, s3;
	s0 =	sld [smem:$0x3FA2]  }
0x30: {  	s3 =	sld [smem:$0x3FA5]  }
0x31: {  	[smem:$0x3FAE] =	sst s10  }
0x32: {  	s10 =	sld [smem:$0x3FAC];
	_ =	sdelay $0x3  }
0x33: {  	p0 =	seq.s32 s10, $0x1;
	s10 =	sld [smem:$0x3FAE];
	_ =	sdelay $0x3  }
0x34: {  	[smem:$0x3FAE] =	sst s10  }
0x35: {  	s10 =	sld [smem:$0x3FAD];
	_ =	sdelay $0x3  }
0x36: {  	p1 =	seq.s32 s10, $0x1;
	s10 =	sld [smem:$0x3FAE];
	_ =	sdelay $0x3  }
0x37: {  	[smem:$0x3FAE] =	sst s10  }
0x38: {  	s10 =	sld [smem:$0x3FAF]  }
0x39: {  	_ = 	snop;
	(pc) =	sbr.ind lr, $3  }
0x3a: {  	_ = 	snop  }
0x3b: {  	_ = 	snop  }
0x3c: {  	p2 =	seq.s32 s10, $0x1;
	s10 =	sld [smem:$0x3FAE]  }
0x3d: {  	_ =	shalt  }
0x3e: {  	_ =	shalt  }
0x3f: {  	_ =	shalt  }
0x40: {  	_ =	shalt  }
0x41: {  	_ =	shalt  }
0x42: {  	_ =	shalt  }
0x43: {  	_ =	shalt  }
0x44: {  	_ =	shalt  }
0x45: {  	_ =	shalt  }
0x46: {  	_ =	shalt  }
0x47: {  	_ =	shalt  }
0x48: {  	_ =	shalt  }
0x49: {  	_ =	shalt  }
0x4a: {  	_ =	shalt  }
0x4b: {  	_ =	shalt  }
0x4c: {  	_ =	shalt  }
0x4d: {  	_ =	shalt  }
0x4e: {  	_ =	shalt  }
0x4f: {  	_ =	shalt  }
0x50: {  	_ =	shalt  }
0x51: {  	_ =	shalt  }
0x52: {  	_ =	shalt  }
0x53: {  	_ =	shalt  }
0x54: {  	_ =	shalt  }
0x55: {  	_ =	shalt  }
0x56: {  	_ =	shalt  }
0x57: {  	_ =	shalt  }
0x58: {  	_ =	shalt  }
0x59: {  	_ =	shalt  }
0x5a: {  	_ =	shalt  }
0x5b: {  	_ =	shalt  }
0x5c: {  	_ =	shalt  }
0x5d: {  	_ =	shalt  }
0x5e: {  	_ =	shalt  }
0x5f: {  	_ =	shalt  }
0x60: {  	_ =	shalt  }
0x61: {  	_ =	shalt  }
0x62: {  	_ =	shalt  }
0x63: {  	_ =	shalt  }
0x64: {  	_ =	shalt  }
0x65: {  	_ =	shalt  }
0x66: {  	_ =	shalt  }
0x67: {  	_ =	shalt  }
0x68: {  	_ =	shalt  }
0x69: {  	_ =	shalt  }
0x6a: {  	_ =	shalt  }
0x6b: {  	_ =	shalt  }
0x6c: {  	_ =	shalt  }
0x6d: {  	_ =	shalt  }
0x6e: {  	_ =	shalt  }
0x6f: {  	_ =	shalt  }
0x70: {  	_ =	shalt  }
0x71: {  	_ =	shalt  }
0x72: {  	_ =	shalt  }
0x73: {  	_ =	shalt  }
0x74: {  	_ =	shalt  }
0x75: {  	_ =	shalt  }
0x76: {  	_ =	shalt  }
0x77: {  	_ =	shalt  }
0x78: {  	_ =	shalt  }
0x79: {  	_ =	shalt  }
0x7a: {  	_ =	shalt  }
0x7b: {  	_ =	shalt  }
0x7c: {  	_ =	shalt  }
0x7d: {  	_ =	shalt  }
0x7e: {  	_ =	shalt  }
0x7f: {  	_ =	shalt  }
0x80: {  	_ =	shalt  }
0x81: {  	_ =	shalt  }
0x82: {  	_ =	shalt  }
0x83: {  	_ =	shalt  }
0x84: {  	_ =	shalt  }
0x85: {  	_ =	shalt  }
0x86: {  	_ =	shalt  }
0x87: {  	_ =	shalt  }
.Lfunc_end0:
.L_simem_size_0:
called_computation.2_lowered:
.L_overlay_start_0:
0x88: {  	s2 =	sld [smem:$0x3FD9]  }
0x89: {  	s3 =	sld [smem:$0x3FFE];
	_ =	sdelay $0x1  }
0x8a: {  	s1 =	srdreg.scid  }
0x8b: {  	s0 =	sand.u32 $0x1, s1  }
0x8c: {  	s14 =	sshll.u32 s0, $0xA;
	s2 =	sadd.s32 s3, s2  }
0x8d: {  	s2 =	sadd.s32 s2, s14  }
0x8e: {  	[smem:$0x3FBA] =	sst s2  }
0x8f: {  	_ = 	snop  }
0x90: {  	s2 =	sld [smem:$0x3FD0];
	_ =	sdelay $0x2  }
0x91: {  	s15 =	simm.s32 $0xA;
	s4 =	simm.s32 $0x10  }
0x92: {  	[smem:s4], [sflag:s15] =	dma.local [hbm:s2], $0x1  }
0x93: {  	_ =	swait.eq [sflag:s15], $0x1  }
0x94: {  	[sflag:s15] =	ssyncset.done $0x0  }
0x95: {  	[sflag:s15] =	ssyncadd.s32 $0xFFFFFFFF  }
0x96: {  	s16 =	sld [smem:$0x11];
	(tm) =	ssettm $0x1  }
0x97: {  	s17 =	sld [smem:$0x3FFB];
	_ =	sdelay $0x3  }
0x98: {  	_ =	strace s17  }
0x99: {  	s3 =	sld [smem:$0x3FFC];
	_ =	sdelay $0x3  }
0x9a: {  	_ =	strace s3  }
0x9b: {  	s3 =	sld [smem:$0x3FFD];
	_ =	sdelay $0x3  }
0x9c: {  	_ =	strace s3  }
0x9d: {  	_ =	strace $0x8FFFFFFF  }
0x9e: {  	s18 =	sld [smem:$0x3FDB];
	_ =	sdelay $0x1  }
0x9f: {  	s19 =	simm.s32 $_scs_section_size  }
0xa0: {  	s5 =	simm.s32 $_size__tile_overlayer_lowered;
	s6 =	simm.s32 $_tile_overlayer_lowered  }
0xa1: {  	s22 =	simm.s32 $0x1BFF;
	s21 =	sshll.u32 s6, $0x1;
	s3 =	sadd.s32 s19, s18  }
0xa2: {  	s7 =	simm.s32 $0x0;
	s20 =	sshll.u32 s5, $0x1;
	s5 =	sadd.s32 s21, s3  }
0xa3: {  	[timem:s7], [sflag:s22] =	dma.local [hbm:s5], s20  }
0xa4: {  	_ =	swait.ge [sflag:s22], s20  }
0xa5: {  	s4 =	ssub.s32 $0x0, s20;
	[sflag:s22] =	ssyncset.done $0x0  }
0xa6: {  	[sflag:s22] =	ssyncadd.s32 s4;
	_ =	sdelay $0x1  }
0xa7: {  	s23 =	simm.s32 $0x1B8B  }
0xa8: {  	_ =	swait.ge [sflag:s23], $0x1  }
0xa9: {  	[sflag:s23] =	ssyncset.done $0x0  }
0xaa: {  	s25 =	simm.s32 $0x1B8E;
	s24 =	sld [smem:$0x3FFE];
	[sflag:s23] =	ssyncadd.s32 $0xFFFFFFFF  }
0xab: {  	s26 =	simm.s32 $execute0_lowered;
	[smem:$0x3FD2] =	sst s25  }
0xac: {  	s5 =	sshll.u32 s26, $0x1;
	_ =	strace $0x8000004C;
	[dreg:$0x1] =	wrdreg $0xFFFFFFFF  }
0xad: {  	s28 =	simm.s32 $_size_execute0_lowered;
	s3 =	sadd.s32 s3, s5;
	[dreg:$0x0] =	wrdreg $0x0  }
0xae: {  	s5 =	sshll.u32 s28, $0x1;
	[dreg:$0x2] =	wrdreg s3  }
0xaf: {  	[dreg:$0x3] =	wrdreg s5  }
0xb0: {  	[dreg:$0x4] =	wrdreg $0xC0  }
0xb1: {  	_ =	task [dreg:s7], $0x5FFFF  }
0xb2: {  	[dreg:$0x1] =	wrdreg $0xFFFFFFFF  }
0xb3: {  	[dreg:$0x0] =	wrdreg $0x60  }
0xb4: {  	[dreg:$0x2] =	wrdreg s16  }
0xb5: {  	[dreg:$0x3] =	wrdreg s24  }
0xb6: {  	[dreg:$0x4] =	wrdreg $0x9  }
0xb7: {  	_ =	task.clear_ibuf [dreg:s7], $0x5FFFF;
	_ =	strace $0x9000004C  }
0xb8: {  	s29 =	simm.s32 $0x9;
	_ =	strace $0x8000004E  }
0xb9: {  	_ =	swait.ge [sflag:s29], $0x1  }
0xba: {  	[sflag:s29] =	ssyncadd.s32 $0xFFFFFFFF  }
0xbb: {  	_ =	strace $0x9000004E  }
0xbc: {  	_ =	sfence  }
0xbd: {  	s30 =	sld [smem:$0x0];
	_ =	sdelay $0x2  }
0xbe: {  	s31 =	sshll.u32 s1, $0xD;
	s1 =	sshrl.u32 s1, $0x2  }
0xbf: {  	s3 =	sand.u32 $0x4000, s31;
	s1 =	sadd.s32 s1, s30  }
0xc0: {  	s0 =	sor.u32 s3, s0;
	s1 =	sshll.u32 s1, $0x11  }
0xc1: {  	s0 =	sor.u32 s1, s0  }
0xc2: {  	s0 =	sadd.s32 $0x8F2B, s0  }
0xc3: {  	[sflag:s0] =	ssyncadd.remote.s32 $0x1  }
0xc4: {  	_ =	sfence.sel $0xFFFF  }
0xc5: {  	[dreg:$0x0] =	wrdreg $0xFFFFFFFF;
	(pc) =	sbr.abs _section_cstart, $3  }
0xc6: {  	[dreg:$0x1] =	wrdreg $0xFFFFFFFF  }
0xc7: {  	_ =	task.clear_ibuf [dreg:s7], $0x2FFFF;
	_ =	strace $0x9FFFFFFF  }
0xc8: {  	(tm) =	ssettm $0x7FFFFFFF  }
0xc9: {  	_ =	shalt  }
tec
execute0_lowered:
.L_overlay_start_1:
0x0: {  	(tag) =	ssettag $0x1  }
0x1: {  	s1 =	rddreg [dreg:$0x0]  }
0x2: {  	s4 =	rddreg [dreg:$0x1]  }
0x3: {  	s0 =	rddreg [dreg:$0x2]  }
0x4: {  	s3 =	simm.s32 $0x0;
	s5 =	srdreg.scid;
	s2 =	stileid.u32  }
0x5: {  	[smem:$0x7FF] =	sst s3;
	s5 =	sand.u32 $0x1, s5;
	s6 =	sshll.u32 s2, $0x5  }
0x6: {  	s7 =	sshll.u32 s2, $0xC;
	_ =	strace $0x8000004D;
	s8 =	ssub.s32 $0x2, s5  }
0x7: {  	s6 =	sadd.s32 s6, s4;
	s7 =	sadd.s32 s7, s4;
	s9 =	sshll.u32 s5, $0xB  }
0x8: {  	s5 =	sshll.u32 s5, $0x4;
	s4 =	sshll.u32 s2, $0x1;
	s30 =	sshrl.u32 s8, $0x1  }
0x9: {  	s7 =	sadd.s32 s9, s7;
	s31 =	sadd.s32 s5, s6;
	s8 =	ssub.s32 s8, s30  }
0xa: {  	s6 =	sadd.s32 $0x26400, s7;
	s7 =	sadd.s32 $0x1C600, s31;
	s5 =	smax.u32 s8, $0x1  }
.LBB2_1:
0xb: {  	s8 =	sadd.s32 $0x0, s4  }
0xc: {  	p0 =	sgt.u32 s8, $0x9C3  }
0xd: {  	s8 =	simm.s32 @!p0 $0x0;
	s9 =	simm.s32 @!p0 $0x3  }
0xe: {  	[tilespmem:s8], [sflag:$0x3] =	stream.linear.gather @!p0 [hbm4b:s7+s8], $0x80, $0x38;
	[tilespmem:$0x4080] =	vst v63  }
0xf: {  	_ =	swait.ge @!p0 [sflag:s9], $0x80  }
0x10: {  	[sflag:s9] =	ssyncset.done @!p0 $0x0;
	p0 =	por p0, p0  }
0x11: {  	[sflag:s9] =	ssyncadd.s32 @!p0 $0xFFFFFF80;
	s10 =	simm.s32 @!p0 $0x80;
	s11 =	simm.s32 @!p0 $0x1  }
0x12: {  	[tilespmem:s10], [sflag:$0x1] =	stream.indirect.gather @!p0 [hbm4b:s1+s10], $0x80, s8, s10, $0xb8;
	[tilespmem:$0x4080] =	vst v63  }
0x13: {  	_ =	swait.ge @!p0 [sflag:s11], $0x4000  }
0x14: {  	[sflag:s11] =	ssyncset.done @!p0 $0x0  }
0x15: {  	s31 =	sadd.s32 $0x20, s4;
	[sflag:s11] =	ssyncadd.s32 @!p0 $0xFFFFC000;
	s11 =	simm.s32 @!p0 $0x2  }
0x16: {  	[hbm4b:s6+s8] =	stream.linear.scatter @!p0 [tilespmem:s10], [sflag:$0x2], $0x4000, $0x38;
	[tilespmem:$0x4080] =	vst v63  }
0x17: {  	p1 =	sgt.u32 s31, $0x9C3;
	s9 =	simm.s32 $0x40;
	_ =	swait.ge @!p0 [sflag:s11], $0x4000  }
0x18: {  	s10 =	sadd.s32 $0x200, s7;
	s8 =	sadd.s32 $0x10000, s6;
	[sflag:s11] =	ssyncset.done @!p0 $0x0  }
.LBB2_2:
0x19: {  	s12 =	simm.s32 @!p1 $0x0;
	s13 =	simm.s32 @!p1 $0x3;
	[sflag:s11] =	ssyncadd.s32 @!p0 $0xFFFFC000  }
0x1a: {  	[tilespmem:s12], [sflag:$0x3] =	stream.linear.gather @!p1 [hbm4b:s10+s12], $0x80, $0x38;
	[tilespmem:$0x4080] =	vst v63  }
0x1b: {  	s14 =	smov.u32 s9;
	s9 =	sadd.s32 $0x20, s9;
	_ =	swait.ge @!p1 [sflag:s13], $0x80  }
0x1c: {  	p0 =	por p1, p1;
	p2 =	sne.s32 s9, $0x9E0;
	[sflag:s13] =	ssyncset.done @!p1 $0x0  }
0x1d: {  	s11 =	simm.s32 @!p0 $0x1;
	[sflag:s13] =	ssyncadd.s32 @!p0 $0xFFFFFF80;
	s13 =	simm.s32 @!p0 $0x80  }
0x1e: {  	[tilespmem:s13], [sflag:$0x1] =	stream.indirect.gather @!p0 [hbm4b:s1+s13], $0x80, s12, s13, $0xb8;
	[tilespmem:$0x4080] =	vst v63  }
0x1f: {  	_ =	swait.ge @!p0 [sflag:s11], $0x4000  }
.Ltmp0:
0x20: {  	[sflag:s11] =	ssyncset.done @!p0 $0x0;
	(pc) =	sbr.rel @p2 .LBB2_2-.Ltmp0, $4  }
0x21: {  	[sflag:s11] =	ssyncadd.s32 @!p0 $0xFFFFC000;
	s11 =	simm.s32 @!p0 $0x2  }
0x22: {  	[hbm4b:s8+s12] =	stream.linear.scatter @!p0 [tilespmem:s13], [sflag:$0x2], $0x4000, $0x38;
	[tilespmem:$0x4080] =	vst v63  }
0x23: {  	s10 =	sadd.s32 $0x200, s10;
	s12 =	sadd.s32 s14, s4;
	_ =	swait.ge @!p0 [sflag:s11], $0x4000  }
0x24: {  	s8 =	sadd.s32 $0x10000, s8;
	p1 =	sgt.u32 s12, $0x9C3;
	[sflag:s11] =	ssyncset.done @!p0 $0x0  }
0x25: {  	s9 =	simm.s32 @!p1 $0x0;
	s12 =	simm.s32 @!p1 $0x3;
	[sflag:s11] =	ssyncadd.s32 @!p0 $0xFFFFC000  }
0x26: {  	[tilespmem:s9], [sflag:$0x3] =	stream.linear.gather @!p1 [hbm4b:s10+s9], $0x80, $0x38;
	[tilespmem:$0x4080] =	vst v63  }
0x27: {  	_ =	swait.ge @!p1 [sflag:s12], $0x80  }
0x28: {  	p0 =	por p1, p1;
	[sflag:s12] =	ssyncset.done @!p1 $0x0  }
0x29: {  	s10 =	simm.s32 @!p0 $0x80;
	s11 =	simm.s32 @!p0 $0x1;
	[sflag:s12] =	ssyncadd.s32 @!p0 $0xFFFFFF80  }
0x2a: {  	[tilespmem:s10], [sflag:$0x1] =	stream.indirect.gather @!p0 [hbm4b:s1+s10], $0x80, s9, s10, $0xb8;
	[tilespmem:$0x4080] =	vst v63  }
0x2b: {  	s3 =	sadd.s32 $0x1, s3;
	_ =	swait.ge @!p0 [sflag:s11], $0x4000  }
0x2c: {  	p1 =	sne.s32 s3, s5;
	[sflag:s11] =	ssyncset.done @!p0 $0x0  }
.Ltmp1:
0x2d: {  	[sflag:s11] =	ssyncadd.s32 @!p0 $0xFFFFC000;
	s11 =	simm.s32 @!p0 $0x2;
	(pc) =	sbr.rel @p1 .LBB2_1-.Ltmp1, $4  }
0x2e: {  	[hbm4b:s8+s9] =	stream.linear.scatter @!p0 [tilespmem:s10], [sflag:$0x2], $0x4000, $0x38;
	[tilespmem:$0x4080] =	vst v63  }
0x2f: {  	_ =	swait.ge @!p0 [sflag:s11], $0x4000  }
0x30: {  	[sflag:s11] =	ssyncset.done @!p0 $0x0  }
0x31: {  	[sflag:s11] =	ssyncadd.s32 @!p0 $0xFFFFC000  }
0x32: {  	_ =	sfence.sel $0x180000  }
0x33: {  	[bflag:$0x0] =	sbarrier.arrive $0xFFFF  }
0x34: {  	p0 =	sne.s32 s2, $0x0;
	_ =	strace $0x9000004D  }
0x35: {  	s0 =	sadd.s32 @!p0 $0x100000, s0;
	[bflag:$0x2] =	sbarrier.arrive $0xFFFF  }
0x36: {  	[sflag:s0] =	ssyncadd.tile.s32 @!p0 $0x1;
	_ =	shalt  }
.Lfunc_end2:
_tile_overlayer_lowered:
.L_overlay_start_2:
0x37: {  	(tag) =	ssettag $0x2  }
0x38: {  	s0 =	rddreg [dreg:$0x0];
	s2 =	stileid.u32  }
0x39: {  	s1 =	rddreg [dreg:$0x1];
	p0 =	sne.s32 s2, $0x0  }
0x3a: {  	s3 =	rddreg [dreg:$0x2];
	[bflag:$0x3] =	sbarrier.arrive $0xFFFF;
	s2 =	simm.s32 @!p0 $0x1C02  }
0x3b: {  	[timem:s3], [sflag:s2] =	dma.local @!p0 [hbm:s0], s1  }
0x3c: {  	s0 =	simm.s32 @!p0 $0x2  }
0x3d: {  	_ =	swait.ge @!p0 [sflag:s0], s1  }
0x3e: {  	s1 =	ssub.s32 @!p0 $0x0, s1;
	[sflag:s0] =	ssyncset.done @!p0 $0x0  }
0x3f: {  	[sflag:s0] =	ssyncadd.s32 @!p0 s1  }
0x40: {  	[bflag:$0x3] =	sbarrier.arrive $0xFFFF  }
0x41: {  	_ =	shalt  }

// kernel: kernel.39.cloned.1.call-start
scs
__scs_entry_jumppad:
0x0: {  	(pc) =	sbr.rel $0x88, $3  }
0x1: {  	(tag) =	ssettag $0x0;
	lr =	simm.s32 $0x1  }
0x2: {  	[smem:$0x3F93] =	sst lr;
	_ =	strace $0xD0000000  }
0x3: {  	_ = 	snop  }
0x4: {  	_ = 	snop  }
0x5: {  	_ = 	snop  }
0x6: {  	_ = 	snop  }
0x7: {  	_ = 	snop  }
__scs_overlays_trampoline_lowered:
0x8: {  	[smem:$0x3FA2] =	sst s0  }
0x9: {  	[smem:$0x3FA3] =	sst s1  }
0xa: {  	[smem:$0x3FA4] =	sst s2  }
0xb: {  	[smem:$0x3FA5] =	sst s3  }
0xc: {  	[smem:$0x3FA6] =	sst s4  }
0xd: {  	[smem:$0x3FA7] =	sst s5  }
0xe: {  	[smem:$0x3FA8] =	sst s6  }
0xf: {  	[smem:$0x3FA9] =	sst s7  }
0x10: {  	[smem:$0x3FAA] =	sst s8  }
0x11: {  	[smem:$0x3FAB] =	sst s9;
	s0 =	simm.s32 @!p0 $0x0  }
0x12: {  	s1 =	sld [smem:$0x3F91];
	s0 =	simm.s32 @p0 $0x1  }
0x13: {  	[smem:$0x3FAC] =	sst s0;
	s0 =	simm.s32 @!p1 $0x0  }
0x14: {  	s2 =	sld [smem:$0x3F90];
	s0 =	simm.s32 @p1 $0x1  }
0x15: {  	[smem:$0x3FAD] =	sst s0;
	s0 =	simm.s32 @!p2 $0x0  }
0x16: {  	s3 =	sld [smem:$0x3FDB];
	s0 =	simm.s32 @p2 $0x1  }
0x17: {  	s4 =	simm.s32 $0x1BF5;
	[smem:$0x3FAF] =	sst s0  }
0x18: {  	s0 =	sld [smem:$0x3F92];
	_ =	swait.ge [sflag:s4], $0x0  }
0x19: {  	s7 =	sld [smem:$0x3F93]  }
0x1a: {  	s8 =	sadd.s32 $0xFFFFE003, lr  }
0x1b: {  	s9 =	sadd.s32 $0xFFFFFEF7, lr;
	s5 =	simm.s32 $0xFFFFFFFF;
	p2 =	slt.u32 s8, $0xFFFFF086  }
0x1c: {  	p1 =	slt.u32 s9, $0xF7A;
	s5 =	simm.s32 @!p2 $0x0  }
0x1d: {  	s5 =	simm.s32 @p1 $0x1;
	p0 =	seq.s32 s7, s2  }
0x1e: {  	s7 =	smul.u32 @!p0 $0xF7A, s2;
	p2 =	seq.s32 @!p0 s5, $0x0  }
0x1f: {  	s9 =	smul.u32 $0xF7A, s1;
	s8 =	simm.s32 @!p0 $0x1BF5;
	p2 =	por !p2, p0  }
0x20: {  	[sflag:s8] =	ssyncset.s32 @!p0 $0xFFFFF086;
	s6 =	sadd.s32 @!p0 s3, s7;
	s7 =	simm.s32 @!p0 $0x108  }
0x21: {  	s3 =	sadd.s32 s3, s9;
	s6 =	sadd.s32 @!p0 $0x88, s6;
	s7 =	simm.s32 @p2 $0x1082  }
0x22: {  	[simem:s7], [sflag:s8] =	dma.local @!p0 [hbm:s6], $0xF7A  }
0x23: {  	s9 =	sor.u32 $0xD0000000, s2;
	s6 =	simm.s32 $0x108;
	_ =	swait.ge @!p0 [sflag:s8], $0x0  }
0x24: {  	s3 =	sadd.s32 $0x88, s3;
	s6 =	simm.s32 @!p1 $0x1082;
	[sflag:s4] =	ssyncset.s32 $0xFFFFF086  }
0x25: {  	[simem:s6], [sflag:s4] =	dma.local [hbm:s3], $0xF7A  }
0x26: {  	[smem:$0x3F93] =	sst s1;
	(tag) =	ssettag s2;
	_ =	strace s9  }
0x27: {  	s1 =	sld [smem:$0x3FA3]  }
0x28: {  	s2 =	sld [smem:$0x3FA4]  }
0x29: {  	s4 =	sld [smem:$0x3FA6]  }
0x2a: {  	p0 =	seq.s32 s5, $0x0;
	s5 =	sld [smem:$0x3FA7]  }
0x2b: {  	s6 =	sld [smem:$0x3FA8]  }
0x2c: {  	s7 =	sld [smem:$0x3FA9]  }
0x2d: {  	s3 =	simm.s32 $0x108;
	s8 =	sld [smem:$0x3FAA]  }
0x2e: {  	s3 =	simm.s32 @!p0 $0x1082;
	s9 =	sld [smem:$0x3FAB]  }
0x2f: {  	lr =	sadd.s32 s0, s3;
	s0 =	sld [smem:$0x3FA2]  }
0x30: {  	s3 =	sld [smem:$0x3FA5]  }
0x31: {  	[smem:$0x3FAE] =	sst s10  }
0x32: {  	s10 =	sld [smem:$0x3FAC];
	_ =	sdelay $0x3  }
0x33: {  	p0 =	seq.s32 s10, $0x1;
	s10 =	sld [smem:$0x3FAE];
	_ =	sdelay $0x3  }
0x34: {  	[smem:$0x3FAE] =	sst s10  }
0x35: {  	s10 =	sld [smem:$0x3FAD];
	_ =	sdelay $0x3  }
0x36: {  	p1 =	seq.s32 s10, $0x1;
	s10 =	sld [smem:$0x3FAE];
	_ =	sdelay $0x3  }
0x37: {  	[smem:$0x3FAE] =	sst s10  }
0x38: {  	s10 =	sld [smem:$0x3FAF]  }
0x39: {  	_ = 	snop;
	(pc) =	sbr.ind lr, $3  }
0x3a: {  	_ = 	snop  }
0x3b: {  	_ = 	snop  }
0x3c: {  	p2 =	seq.s32 s10, $0x1;
	s10 =	sld [smem:$0x3FAE]  }
0x3d: {  	_ =	shalt  }
0x3e: {  	_ =	shalt  }
0x3f: {  	_ =	shalt  }
0x40: {  	_ =	shalt  }
0x41: {  	_ =	shalt  }
0x42: {  	_ =	shalt  }
0x43: {  	_ =	shalt  }
0x44: {  	_ =	shalt  }
0x45: {  	_ =	shalt  }
0x46: {  	_ =	shalt  }
0x47: {  	_ =	shalt  }
0x48: {  	_ =	shalt  }
0x49: {  	_ =	shalt  }
0x4a: {  	_ =	shalt  }
0x4b: {  	_ =	shalt  }
0x4c: {  	_ =	shalt  }
0x4d: {  	_ =	shalt  }
0x4e: {  	_ =	shalt  }
0x4f: {  	_ =	shalt  }
0x50: {  	_ =	shalt  }
0x51: {  	_ =	shalt  }
0x52: {  	_ =	shalt  }
0x53: {  	_ =	shalt  }
0x54: {  	_ =	shalt  }
0x55: {  	_ =	shalt  }
0x56: {  	_ =	shalt  }
0x57: {  	_ =	shalt  }
0x58: {  	_ =	shalt  }
0x59: {  	_ =	shalt  }
0x5a: {  	_ =	shalt  }
0x5b: {  	_ =	shalt  }
0x5c: {  	_ =	shalt  }
0x5d: {  	_ =	shalt  }
0x5e: {  	_ =	shalt  }
0x5f: {  	_ =	shalt  }
0x60: {  	_ =	shalt  }
0x61: {  	_ =	shalt  }
0x62: {  	_ =	shalt  }
0x63: {  	_ =	shalt  }
0x64: {  	_ =	shalt  }
0x65: {  	_ =	shalt  }
0x66: {  	_ =	shalt  }
0x67: {  	_ =	shalt  }
0x68: {  	_ =	shalt  }
0x69: {  	_ =	shalt  }
0x6a: {  	_ =	shalt  }
0x6b: {  	_ =	shalt  }
0x6c: {  	_ =	shalt  }
0x6d: {  	_ =	shalt  }
0x6e: {  	_ =	shalt  }
0x6f: {  	_ =	shalt  }
0x70: {  	_ =	shalt  }
0x71: {  	_ =	shalt  }
0x72: {  	_ =	shalt  }
0x73: {  	_ =	shalt  }
0x74: {  	_ =	shalt  }
0x75: {  	_ =	shalt  }
0x76: {  	_ =	shalt  }
0x77: {  	_ =	shalt  }
0x78: {  	_ =	shalt  }
0x79: {  	_ =	shalt  }
0x7a: {  	_ =	shalt  }
0x7b: {  	_ =	shalt  }
0x7c: {  	_ =	shalt  }
0x7d: {  	_ =	shalt  }
0x7e: {  	_ =	shalt  }
0x7f: {  	_ =	shalt  }
0x80: {  	_ =	shalt  }
0x81: {  	_ =	shalt  }
0x82: {  	_ =	shalt  }
0x83: {  	_ =	shalt  }
0x84: {  	_ =	shalt  }
0x85: {  	_ =	shalt  }
0x86: {  	_ =	shalt  }
0x87: {  	_ =	shalt  }
.Lfunc_end0:
.L_simem_size_0:
called_computation.3_lowered:
.L_overlay_start_0:
0x88: {  	s2 =	sld [smem:$0x3FD9]  }
0x89: {  	s3 =	sld [smem:$0x3FFE];
	_ =	sdelay $0x1  }
0x8a: {  	s1 =	srdreg.scid  }
0x8b: {  	s0 =	sand.u32 $0x1, s1  }
0x8c: {  	s14 =	sshll.u32 s0, $0xA;
	s2 =	sadd.s32 s3, s2  }
0x8d: {  	s2 =	sadd.s32 s2, s14  }
0x8e: {  	[smem:$0x3FBA] =	sst s2  }
0x8f: {  	_ = 	snop  }
0x90: {  	s2 =	sld [smem:$0x3FD0];
	_ =	sdelay $0x2  }
0x91: {  	s15 =	simm.s32 $0xA;
	s4 =	simm.s32 $0x10  }
0x92: {  	[smem:s4], [sflag:s15] =	dma.local [hbm:s2], $0x1  }
0x93: {  	_ =	swait.eq [sflag:s15], $0x1  }
0x94: {  	[sflag:s15] =	ssyncset.done $0x0  }
0x95: {  	[sflag:s15] =	ssyncadd.s32 $0xFFFFFFFF  }
0x96: {  	s16 =	sld [smem:$0x11];
	(tm) =	ssettm $0x1  }
0x97: {  	s17 =	sld [smem:$0x3FFB];
	_ =	sdelay $0x3  }
0x98: {  	_ =	strace s17  }
0x99: {  	s3 =	sld [smem:$0x3FFC];
	_ =	sdelay $0x3  }
0x9a: {  	_ =	strace s3  }
0x9b: {  	s3 =	sld [smem:$0x3FFD];
	_ =	sdelay $0x3  }
0x9c: {  	_ =	strace s3  }
0x9d: {  	_ =	strace $0x8FFFFFFF  }
0x9e: {  	s18 =	sld [smem:$0x3FDB];
	_ =	sdelay $0x1  }
0x9f: {  	s19 =	simm.s32 $_scs_section_size  }
0xa0: {  	s5 =	simm.s32 $_size__tile_overlayer_lowered;
	s6 =	simm.s32 $_tile_overlayer_lowered  }
0xa1: {  	s22 =	simm.s32 $0x1BFF;
	s21 =	sshll.u32 s6, $0x1;
	s3 =	sadd.s32 s19, s18  }
0xa2: {  	s7 =	simm.s32 $0x0;
	s20 =	sshll.u32 s5, $0x1;
	s5 =	sadd.s32 s21, s3  }
0xa3: {  	[timem:s7], [sflag:s22] =	dma.local [hbm:s5], s20  }
0xa4: {  	_ =	swait.ge [sflag:s22], s20  }
0xa5: {  	s4 =	ssub.s32 $0x0, s20;
	[sflag:s22] =	ssyncset.done $0x0  }
0xa6: {  	[sflag:s22] =	ssyncadd.s32 s4;
	_ =	sdelay $0x1  }
0xa7: {  	s23 =	simm.s32 $0x1B8B  }
0xa8: {  	_ =	swait.ge [sflag:s23], $0x1  }
0xa9: {  	[sflag:s23] =	ssyncset.done $0x0  }
0xaa: {  	s25 =	simm.s32 $0x1B8E;
	s24 =	sld [smem:$0x3FFE];
	[sflag:s23] =	ssyncadd.s32 $0xFFFFFFFF  }
0xab: {  	s26 =	simm.s32 $execute0_lowered;
	[smem:$0x3FD2] =	sst s25  }
0xac: {  	s5 =	sshll.u32 s26, $0x1;
	_ =	strace $0x8000004F;
	[dreg:$0x1] =	wrdreg $0xFFFFFFFF  }
0xad: {  	s28 =	simm.s32 $_size_execute0_lowered;
	s3 =	sadd.s32 s3, s5;
	[dreg:$0x0] =	wrdreg $0x0  }
0xae: {  	s5 =	sshll.u32 s28, $0x1;
	[dreg:$0x2] =	wrdreg s3  }
0xaf: {  	[dreg:$0x3] =	wrdreg s5  }
0xb0: {  	[dreg:$0x4] =	wrdreg $0xC0  }
0xb1: {  	_ =	task [dreg:s7], $0x5FFFF  }
0xb2: {  	[dreg:$0x1] =	wrdreg $0xFFFFFFFF  }
0xb3: {  	[dreg:$0x0] =	wrdreg $0x60  }
0xb4: {  	[dreg:$0x2] =	wrdreg s16  }
0xb5: {  	[dreg:$0x3] =	wrdreg s24  }
0xb6: {  	[dreg:$0x4] =	wrdreg $0x9  }
0xb7: {  	_ =	task.clear_ibuf [dreg:s7], $0x5FFFF;
	_ =	strace $0x9000004F  }
0xb8: {  	s29 =	simm.s32 $0x9;
	_ =	strace $0x80000051  }
0xb9: {  	_ =	swait.ge [sflag:s29], $0x1  }
0xba: {  	[sflag:s29] =	ssyncadd.s32 $0xFFFFFFFF  }
0xbb: {  	_ =	strace $0x90000051  }
0xbc: {  	_ =	sfence  }
0xbd: {  	s30 =	sld [smem:$0x0];
	_ =	sdelay $0x2  }
0xbe: {  	s31 =	sshll.u32 s1, $0xD;
	s1 =	sshrl.u32 s1, $0x2  }
0xbf: {  	s3 =	sand.u32 $0x4000, s31;
	s1 =	sadd.s32 s1, s30  }
0xc0: {  	s0 =	sor.u32 s3, s0;
	s1 =	sshll.u32 s1, $0x11  }
0xc1: {  	s0 =	sor.u32 s1, s0  }
0xc2: {  	s0 =	sadd.s32 $0x8F2B, s0  }
0xc3: {  	[sflag:s0] =	ssyncadd.remote.s32 $0x1  }
0xc4: {  	_ =	sfence.sel $0xFFFF  }
0xc5: {  	[dreg:$0x0] =	wrdreg $0xFFFFFFFF;
	(pc) =	sbr.abs _section_cstart, $3  }
0xc6: {  	[dreg:$0x1] =	wrdreg $0xFFFFFFFF  }
0xc7: {  	_ =	task.clear_ibuf [dreg:s7], $0x2FFFF;
	_ =	strace $0x9FFFFFFF  }
0xc8: {  	(tm) =	ssettm $0x7FFFFFFF  }
0xc9: {  	_ =	shalt  }
tec
execute0_lowered:
.L_overlay_start_1:
0x0: {  	(tag) =	ssettag $0x1  }
0x1: {  	s1 =	rddreg [dreg:$0x0]  }
0x2: {  	s4 =	rddreg [dreg:$0x1]  }
0x3: {  	s0 =	rddreg [dreg:$0x2]  }
0x4: {  	s3 =	simm.s32 $0x0;
	s5 =	srdreg.scid;
	s2 =	stileid.u32  }
0x5: {  	[smem:$0x7FF] =	sst s3;
	s5 =	sand.u32 $0x1, s5;
	s6 =	sshll.u32 s2, $0x5  }
0x6: {  	s7 =	sshll.u32 s2, $0xC;
	_ =	strace $0x80000050;
	s8 =	ssub.s32 $0x2, s5  }
0x7: {  	s6 =	sadd.s32 s6, s4;
	s7 =	sadd.s32 s7, s4;
	s9 =	sshll.u32 s5, $0xB  }
0x8: {  	s5 =	sshll.u32 s5, $0x4;
	s4 =	sshll.u32 s2, $0x1;
	s30 =	sshrl.u32 s8, $0x1  }
0x9: {  	s7 =	sadd.s32 s9, s7;
	s31 =	sadd.s32 s5, s6;
	s8 =	ssub.s32 s8, s30  }
0xa: {  	s6 =	sadd.s32 $0x26400, s7;
	s7 =	sadd.s32 $0x1C600, s31;
	s5 =	smax.u32 s8, $0x1  }
.LBB2_1:
0xb: {  	s8 =	sadd.s32 $0x0, s4  }
0xc: {  	p0 =	sgt.u32 s8, $0x9C3  }
0xd: {  	s8 =	simm.s32 @!p0 $0x0;
	s9 =	simm.s32 @!p0 $0x3  }
0xe: {  	[tilespmem:s8], [sflag:$0x3] =	stream.linear.gather @!p0 [hbm4b:s7+s8], $0x80, $0x38;
	[tilespmem:$0x4080] =	vst v63  }
0xf: {  	_ =	swait.ge @!p0 [sflag:s9], $0x80  }
0x10: {  	[sflag:s9] =	ssyncset.done @!p0 $0x0;
	p0 =	por p0, p0  }
0x11: {  	[sflag:s9] =	ssyncadd.s32 @!p0 $0xFFFFFF80;
	s10 =	simm.s32 @!p0 $0x80;
	s11 =	simm.s32 @!p0 $0x1  }
0x12: {  	[tilespmem:s10], [sflag:$0x1] =	stream.indirect.gather @!p0 [hbm4b:s1+s10], $0x80, s8, s10, $0xb8;
	[tilespmem:$0x4080] =	vst v63  }
0x13: {  	_ =	swait.ge @!p0 [sflag:s11], $0x4000  }
0x14: {  	[sflag:s11] =	ssyncset.done @!p0 $0x0  }
0x15: {  	s31 =	sadd.s32 $0x20, s4;
	[sflag:s11] =	ssyncadd.s32 @!p0 $0xFFFFC000;
	s11 =	simm.s32 @!p0 $0x2  }
0x16: {  	[hbm4b:s6+s8] =	stream.linear.scatter @!p0 [tilespmem:s10], [sflag:$0x2], $0x4000, $0x38;
	[tilespmem:$0x4080] =	vst v63  }
0x17: {  	p1 =	sgt.u32 s31, $0x9C3;
	s9 =	simm.s32 $0x40;
	_ =	swait.ge @!p0 [sflag:s11], $0x4000  }
0x18: {  	s10 =	sadd.s32 $0x200, s7;
	s8 =	sadd.s32 $0x10000, s6;
	[sflag:s11] =	ssyncset.done @!p0 $0x0  }
.LBB2_2:
0x19: {  	s12 =	simm.s32 @!p1 $0x0;
	s13 =	simm.s32 @!p1 $0x3;
	[sflag:s11] =	ssyncadd.s32 @!p0 $0xFFFFC000  }
0x1a: {  	[tilespmem:s12], [sflag:$0x3] =	stream.linear.gather @!p1 [hbm4b:s10+s12], $0x80, $0x38;
	[tilespmem:$0x4080] =	vst v63  }
0x1b: {  	s14 =	smov.u32 s9;
	s9 =	sadd.s32 $0x20, s9;
	_ =	swait.ge @!p1 [sflag:s13], $0x80  }
0x1c: {  	p0 =	por p1, p1;
	p2 =	sne.s32 s9, $0x9E0;
	[sflag:s13] =	ssyncset.done @!p1 $0x0  }
0x1d: {  	s11 =	simm.s32 @!p0 $0x1;
	[sflag:s13] =	ssyncadd.s32 @!p0 $0xFFFFFF80;
	s13 =	simm.s32 @!p0 $0x80  }
0x1e: {  	[tilespmem:s13], [sflag:$0x1] =	stream.indirect.gather @!p0 [hbm4b:s1+s13], $0x80, s12, s13, $0xb8;
	[tilespmem:$0x4080] =	vst v63  }
0x1f: {  	_ =	swait.ge @!p0 [sflag:s11], $0x4000  }
.Ltmp0:
0x20: {  	[sflag:s11] =	ssyncset.done @!p0 $0x0;
	(pc) =	sbr.rel @p2 .LBB2_2-.Ltmp0, $4  }
0x21: {  	[sflag:s11] =	ssyncadd.s32 @!p0 $0xFFFFC000;
	s11 =	simm.s32 @!p0 $0x2  }
0x22: {  	[hbm4b:s8+s12] =	stream.linear.scatter @!p0 [tilespmem:s13], [sflag:$0x2], $0x4000, $0x38;
	[tilespmem:$0x4080] =	vst v63  }
0x23: {  	s10 =	sadd.s32 $0x200, s10;
	s12 =	sadd.s32 s14, s4;
	_ =	swait.ge @!p0 [sflag:s11], $0x4000  }
0x24: {  	s8 =	sadd.s32 $0x10000, s8;
	p1 =	sgt.u32 s12, $0x9C3;
	[sflag:s11] =	ssyncset.done @!p0 $0x0  }
0x25: {  	s9 =	simm.s32 @!p1 $0x0;
	s12 =	simm.s32 @!p1 $0x3;
	[sflag:s11] =	ssyncadd.s32 @!p0 $0xFFFFC000  }
0x26: {  	[tilespmem:s9], [sflag:$0x3] =	stream.linear.gather @!p1 [hbm4b:s10+s9], $0x80, $0x38;
	[tilespmem:$0x4080] =	vst v63  }
0x27: {  	_ =	swait.ge @!p1 [sflag:s12], $0x80  }
0x28: {  	p0 =	por p1, p1;
	[sflag:s12] =	ssyncset.done @!p1 $0x0  }
0x29: {  	s10 =	simm.s32 @!p0 $0x80;
	s11 =	simm.s32 @!p0 $0x1;
	[sflag:s12] =	ssyncadd.s32 @!p0 $0xFFFFFF80  }
0x2a: {  	[tilespmem:s10], [sflag:$0x1] =	stream.indirect.gather @!p0 [hbm4b:s1+s10], $0x80, s9, s10, $0xb8;
	[tilespmem:$0x4080] =	vst v63  }
0x2b: {  	s3 =	sadd.s32 $0x1, s3;
	_ =	swait.ge @!p0 [sflag:s11], $0x4000  }
0x2c: {  	p1 =	sne.s32 s3, s5;
	[sflag:s11] =	ssyncset.done @!p0 $0x0  }
.Ltmp1:
0x2d: {  	[sflag:s11] =	ssyncadd.s32 @!p0 $0xFFFFC000;
	s11 =	simm.s32 @!p0 $0x2;
	(pc) =	sbr.rel @p1 .LBB2_1-.Ltmp1, $4  }
0x2e: {  	[hbm4b:s8+s9] =	stream.linear.scatter @!p0 [tilespmem:s10], [sflag:$0x2], $0x4000, $0x38;
	[tilespmem:$0x4080] =	vst v63  }
0x2f: {  	_ =	swait.ge @!p0 [sflag:s11], $0x4000  }
0x30: {  	[sflag:s11] =	ssyncset.done @!p0 $0x0  }
0x31: {  	[sflag:s11] =	ssyncadd.s32 @!p0 $0xFFFFC000  }
0x32: {  	_ =	sfence.sel $0x180000  }
0x33: {  	[bflag:$0x0] =	sbarrier.arrive $0xFFFF  }
0x34: {  	p0 =	sne.s32 s2, $0x0;
	_ =	strace $0x90000050  }
0x35: {  	s0 =	sadd.s32 @!p0 $0x100000, s0;
	[bflag:$0x2] =	sbarrier.arrive $0xFFFF  }
0x36: {  	[sflag:s0] =	ssyncadd.tile.s32 @!p0 $0x1;
	_ =	shalt  }
.Lfunc_end2:
_tile_overlayer_lowered:
.L_overlay_start_2:
0x37: {  	(tag) =	ssettag $0x2  }
0x38: {  	s0 =	rddreg [dreg:$0x0];
	s2 =	stileid.u32  }
0x39: {  	s1 =	rddreg [dreg:$0x1];
	p0 =	sne.s32 s2, $0x0  }
0x3a: {  	s3 =	rddreg [dreg:$0x2];
	[bflag:$0x3] =	sbarrier.arrive $0xFFFF;
	s2 =	simm.s32 @!p0 $0x1C02  }
0x3b: {  	[timem:s3], [sflag:s2] =	dma.local @!p0 [hbm:s0], s1  }
0x3c: {  	s0 =	simm.s32 @!p0 $0x2  }
0x3d: {  	_ =	swait.ge @!p0 [sflag:s0], s1  }
0x3e: {  	s1 =	ssub.s32 @!p0 $0x0, s1;
	[sflag:s0] =	ssyncset.done @!p0 $0x0  }
0x3f: {  	[sflag:s0] =	ssyncadd.s32 @!p0 s1  }
0x40: {  	[bflag:$0x3] =	sbarrier.arrive $0xFFFF  }
0x41: {  	_ =	shalt  }

// kernel: kernel.42.cloned.1.call-start
scs
__scs_entry_jumppad:
0x0: {  	(pc) =	sbr.rel $0x88, $3  }
0x1: {  	(tag) =	ssettag $0x0;
	lr =	simm.s32 $0x1  }
0x2: {  	[smem:$0x3F93] =	sst lr;
	_ =	strace $0xD0000000  }
0x3: {  	_ = 	snop  }
0x4: {  	_ = 	snop  }
0x5: {  	_ = 	snop  }
0x6: {  	_ = 	snop  }
0x7: {  	_ = 	snop  }
__scs_overlays_trampoline_lowered:
0x8: {  	[smem:$0x3FA2] =	sst s0  }
0x9: {  	[smem:$0x3FA3] =	sst s1  }
0xa: {  	[smem:$0x3FA4] =	sst s2  }
0xb: {  	[smem:$0x3FA5] =	sst s3  }
0xc: {  	[smem:$0x3FA6] =	sst s4  }
0xd: {  	[smem:$0x3FA7] =	sst s5  }
0xe: {  	[smem:$0x3FA8] =	sst s6  }
0xf: {  	[smem:$0x3FA9] =	sst s7  }
0x10: {  	[smem:$0x3FAA] =	sst s8  }
0x11: {  	[smem:$0x3FAB] =	sst s9;
	s0 =	simm.s32 @!p0 $0x0  }
0x12: {  	s1 =	sld [smem:$0x3F91];
	s0 =	simm.s32 @p0 $0x1  }
0x13: {  	[smem:$0x3FAC] =	sst s0;
	s0 =	simm.s32 @!p1 $0x0  }
0x14: {  	s2 =	sld [smem:$0x3F90];
	s0 =	simm.s32 @p1 $0x1  }
0x15: {  	[smem:$0x3FAD] =	sst s0;
	s0 =	simm.s32 @!p2 $0x0  }
0x16: {  	s3 =	sld [smem:$0x3FDB];
	s0 =	simm.s32 @p2 $0x1  }
0x17: {  	s4 =	simm.s32 $0x1BF5;
	[smem:$0x3FAF] =	sst s0  }
0x18: {  	s0 =	sld [smem:$0x3F92];
	_ =	swait.ge [sflag:s4], $0x0  }
0x19: {  	s7 =	sld [smem:$0x3F93]  }
0x1a: {  	s8 =	sadd.s32 $0xFFFFE003, lr  }
0x1b: {  	s9 =	sadd.s32 $0xFFFFFEF7, lr;
	s5 =	simm.s32 $0xFFFFFFFF;
	p2 =	slt.u32 s8, $0xFFFFF086  }
0x1c: {  	p1 =	slt.u32 s9, $0xF7A;
	s5 =	simm.s32 @!p2 $0x0  }
0x1d: {  	s5 =	simm.s32 @p1 $0x1;
	p0 =	seq.s32 s7, s2  }
0x1e: {  	s7 =	smul.u32 @!p0 $0xF7A, s2;
	p2 =	seq.s32 @!p0 s5, $0x0  }
0x1f: {  	s9 =	smul.u32 $0xF7A, s1;
	s8 =	simm.s32 @!p0 $0x1BF5;
	p2 =	por !p2, p0  }
0x20: {  	[sflag:s8] =	ssyncset.s32 @!p0 $0xFFFFF086;
	s6 =	sadd.s32 @!p0 s3, s7;
	s7 =	simm.s32 @!p0 $0x108  }
0x21: {  	s3 =	sadd.s32 s3, s9;
	s6 =	sadd.s32 @!p0 $0x88, s6;
	s7 =	simm.s32 @p2 $0x1082  }
0x22: {  	[simem:s7], [sflag:s8] =	dma.local @!p0 [hbm:s6], $0xF7A  }
0x23: {  	s9 =	sor.u32 $0xD0000000, s2;
	s6 =	simm.s32 $0x108;
	_ =	swait.ge @!p0 [sflag:s8], $0x0  }
0x24: {  	s3 =	sadd.s32 $0x88, s3;
	s6 =	simm.s32 @!p1 $0x1082;
	[sflag:s4] =	ssyncset.s32 $0xFFFFF086  }
0x25: {  	[simem:s6], [sflag:s4] =	dma.local [hbm:s3], $0xF7A  }
0x26: {  	[smem:$0x3F93] =	sst s1;
	(tag) =	ssettag s2;
	_ =	strace s9  }
0x27: {  	s1 =	sld [smem:$0x3FA3]  }
0x28: {  	s2 =	sld [smem:$0x3FA4]  }
0x29: {  	s4 =	sld [smem:$0x3FA6]  }
0x2a: {  	p0 =	seq.s32 s5, $0x0;
	s5 =	sld [smem:$0x3FA7]  }
0x2b: {  	s6 =	sld [smem:$0x3FA8]  }
0x2c: {  	s7 =	sld [smem:$0x3FA9]  }
0x2d: {  	s3 =	simm.s32 $0x108;
	s8 =	sld [smem:$0x3FAA]  }
0x2e: {  	s3 =	simm.s32 @!p0 $0x1082;
	s9 =	sld [smem:$0x3FAB]  }
0x2f: {  	lr =	sadd.s32 s0, s3;
	s0 =	sld [smem:$0x3FA2]  }
0x30: {  	s3 =	sld [smem:$0x3FA5]  }
0x31: {  	[smem:$0x3FAE] =	sst s10  }
0x32: {  	s10 =	sld [smem:$0x3FAC];
	_ =	sdelay $0x3  }
0x33: {  	p0 =	seq.s32 s10, $0x1;
	s10 =	sld [smem:$0x3FAE];
	_ =	sdelay $0x3  }
0x34: {  	[smem:$0x3FAE] =	sst s10  }
0x35: {  	s10 =	sld [smem:$0x3FAD];
	_ =	sdelay $0x3  }
0x36: {  	p1 =	seq.s32 s10, $0x1;
	s10 =	sld [smem:$0x3FAE];
	_ =	sdelay $0x3  }
0x37: {  	[smem:$0x3FAE] =	sst s10  }
0x38: {  	s10 =	sld [smem:$0x3FAF]  }
0x39: {  	_ = 	snop;
	(pc) =	sbr.ind lr, $3  }
0x3a: {  	_ = 	snop  }
0x3b: {  	_ = 	snop  }
0x3c: {  	p2 =	seq.s32 s10, $0x1;
	s10 =	sld [smem:$0x3FAE]  }
0x3d: {  	_ =	shalt  }
0x3e: {  	_ =	shalt  }
0x3f: {  	_ =	shalt  }
0x40: {  	_ =	shalt  }
0x41: {  	_ =	shalt  }
0x42: {  	_ =	shalt  }
0x43: {  	_ =	shalt  }
0x44: {  	_ =	shalt  }
0x45: {  	_ =	shalt  }
0x46: {  	_ =	shalt  }
0x47: {  	_ =	shalt  }
0x48: {  	_ =	shalt  }
0x49: {  	_ =	shalt  }
0x4a: {  	_ =	shalt  }
0x4b: {  	_ =	shalt  }
0x4c: {  	_ =	shalt  }
0x4d: {  	_ =	shalt  }
0x4e: {  	_ =	shalt  }
0x4f: {  	_ =	shalt  }
0x50: {  	_ =	shalt  }
0x51: {  	_ =	shalt  }
0x52: {  	_ =	shalt  }
0x53: {  	_ =	shalt  }
0x54: {  	_ =	shalt  }
0x55: {  	_ =	shalt  }
0x56: {  	_ =	shalt  }
0x57: {  	_ =	shalt  }
0x58: {  	_ =	shalt  }
0x59: {  	_ =	shalt  }
0x5a: {  	_ =	shalt  }
0x5b: {  	_ =	shalt  }
0x5c: {  	_ =	shalt  }
0x5d: {  	_ =	shalt  }
0x5e: {  	_ =	shalt  }
0x5f: {  	_ =	shalt  }
0x60: {  	_ =	shalt  }
0x61: {  	_ =	shalt  }
0x62: {  	_ =	shalt  }
0x63: {  	_ =	shalt  }
0x64: {  	_ =	shalt  }
0x65: {  	_ =	shalt  }
0x66: {  	_ =	shalt  }
0x67: {  	_ =	shalt  }
0x68: {  	_ =	shalt  }
0x69: {  	_ =	shalt  }
0x6a: {  	_ =	shalt  }
0x6b: {  	_ =	shalt  }
0x6c: {  	_ =	shalt  }
0x6d: {  	_ =	shalt  }
0x6e: {  	_ =	shalt  }
0x6f: {  	_ =	shalt  }
0x70: {  	_ =	shalt  }
0x71: {  	_ =	shalt  }
0x72: {  	_ =	shalt  }
0x73: {  	_ =	shalt  }
0x74: {  	_ =	shalt  }
0x75: {  	_ =	shalt  }
0x76: {  	_ =	shalt  }
0x77: {  	_ =	shalt  }
0x78: {  	_ =	shalt  }
0x79: {  	_ =	shalt  }
0x7a: {  	_ =	shalt  }
0x7b: {  	_ =	shalt  }
0x7c: {  	_ =	shalt  }
0x7d: {  	_ =	shalt  }
0x7e: {  	_ =	shalt  }
0x7f: {  	_ =	shalt  }
0x80: {  	_ =	shalt  }
0x81: {  	_ =	shalt  }
0x82: {  	_ =	shalt  }
0x83: {  	_ =	shalt  }
0x84: {  	_ =	shalt  }
0x85: {  	_ =	shalt  }
0x86: {  	_ =	shalt  }
0x87: {  	_ =	shalt  }
.Lfunc_end0:
.L_simem_size_0:
called_computation.4_lowered:
.L_overlay_start_0:
0x88: {  	s2 =	sld [smem:$0x3FD9]  }
0x89: {  	s3 =	sld [smem:$0x3FFE];
	_ =	sdelay $0x1  }
0x8a: {  	s1 =	srdreg.scid  }
0x8b: {  	s0 =	sand.u32 $0x1, s1  }
0x8c: {  	s14 =	sshll.u32 s0, $0xA;
	s2 =	sadd.s32 s3, s2  }
0x8d: {  	s2 =	sadd.s32 s2, s14  }
0x8e: {  	[smem:$0x3FBA] =	sst s2  }
0x8f: {  	_ = 	snop  }
0x90: {  	s2 =	sld [smem:$0x3FD0];
	_ =	sdelay $0x2  }
0x91: {  	s15 =	simm.s32 $0xA;
	s4 =	simm.s32 $0x10  }
0x92: {  	[smem:s4], [sflag:s15] =	dma.local [hbm:s2], $0x1  }
0x93: {  	_ =	swait.eq [sflag:s15], $0x1  }
0x94: {  	[sflag:s15] =	ssyncset.done $0x0  }
0x95: {  	[sflag:s15] =	ssyncadd.s32 $0xFFFFFFFF  }
0x96: {  	s16 =	sld [smem:$0x11];
	(tm) =	ssettm $0x1  }
0x97: {  	s17 =	sld [smem:$0x3FFB];
	_ =	sdelay $0x3  }
0x98: {  	_ =	strace s17  }
0x99: {  	s3 =	sld [smem:$0x3FFC];
	_ =	sdelay $0x3  }
0x9a: {  	_ =	strace s3  }
0x9b: {  	s3 =	sld [smem:$0x3FFD];
	_ =	sdelay $0x3  }
0x9c: {  	_ =	strace s3  }
0x9d: {  	_ =	strace $0x8FFFFFFF  }
0x9e: {  	s18 =	sld [smem:$0x3FDB];
	_ =	sdelay $0x1  }
0x9f: {  	s19 =	simm.s32 $_scs_section_size  }
0xa0: {  	s5 =	simm.s32 $_size__tile_overlayer_lowered;
	s6 =	simm.s32 $_tile_overlayer_lowered  }
0xa1: {  	s22 =	simm.s32 $0x1BFF;
	s21 =	sshll.u32 s6, $0x1;
	s3 =	sadd.s32 s19, s18  }
0xa2: {  	s7 =	simm.s32 $0x0;
	s20 =	sshll.u32 s5, $0x1;
	s5 =	sadd.s32 s21, s3  }
0xa3: {  	[timem:s7], [sflag:s22] =	dma.local [hbm:s5], s20  }
0xa4: {  	_ =	swait.ge [sflag:s22], s20  }
0xa5: {  	s4 =	ssub.s32 $0x0, s20;
	[sflag:s22] =	ssyncset.done $0x0  }
0xa6: {  	[sflag:s22] =	ssyncadd.s32 s4;
	_ =	sdelay $0x1  }
0xa7: {  	s23 =	simm.s32 $0x1B8B  }
0xa8: {  	_ =	swait.ge [sflag:s23], $0x1  }
0xa9: {  	[sflag:s23] =	ssyncset.done $0x0  }
0xaa: {  	s25 =	simm.s32 $0x1B8E;
	s24 =	sld [smem:$0x3FFE];
	[sflag:s23] =	ssyncadd.s32 $0xFFFFFFFF  }
0xab: {  	s26 =	simm.s32 $execute0_lowered;
	[smem:$0x3FD2] =	sst s25  }
0xac: {  	s5 =	sshll.u32 s26, $0x1;
	_ =	strace $0x80000052;
	[dreg:$0x1] =	wrdreg $0xFFFFFFFF  }
0xad: {  	s28 =	simm.s32 $_size_execute0_lowered;
	s3 =	sadd.s32 s3, s5;
	[dreg:$0x0] =	wrdreg $0x0  }
0xae: {  	s5 =	sshll.u32 s28, $0x1;
	[dreg:$0x2] =	wrdreg s3  }
0xaf: {  	[dreg:$0x3] =	wrdreg s5  }
0xb0: {  	[dreg:$0x4] =	wrdreg $0xC0  }
0xb1: {  	_ =	task [dreg:s7], $0x5FFFF  }
0xb2: {  	[dreg:$0x1] =	wrdreg $0xFFFFFFFF  }
0xb3: {  	[dreg:$0x0] =	wrdreg $0x60  }
0xb4: {  	[dreg:$0x2] =	wrdreg s16  }
0xb5: {  	[dreg:$0x3] =	wrdreg s24  }
0xb6: {  	[dreg:$0x4] =	wrdreg $0x9  }
0xb7: {  	_ =	task.clear_ibuf [dreg:s7], $0x5FFFF;
	_ =	strace $0x90000052  }
0xb8: {  	s29 =	simm.s32 $0x9;
	_ =	strace $0x80000054  }
0xb9: {  	_ =	swait.ge [sflag:s29], $0x1  }
0xba: {  	[sflag:s29] =	ssyncadd.s32 $0xFFFFFFFF  }
0xbb: {  	_ =	strace $0x90000054  }
0xbc: {  	_ =	sfence  }
0xbd: {  	s30 =	sld [smem:$0x0];
	_ =	sdelay $0x2  }
0xbe: {  	s31 =	sshll.u32 s1, $0xD;
	s1 =	sshrl.u32 s1, $0x2  }
0xbf: {  	s3 =	sand.u32 $0x4000, s31;
	s1 =	sadd.s32 s1, s30  }
0xc0: {  	s0 =	sor.u32 s3, s0;
	s1 =	sshll.u32 s1, $0x11  }
0xc1: {  	s0 =	sor.u32 s1, s0  }
0xc2: {  	s0 =	sadd.s32 $0x8F2B, s0  }
0xc3: {  	[sflag:s0] =	ssyncadd.remote.s32 $0x1  }
0xc4: {  	_ =	sfence.sel $0xFFFF  }
0xc5: {  	[dreg:$0x0] =	wrdreg $0xFFFFFFFF;
	(pc) =	sbr.abs _section_cstart, $3  }
0xc6: {  	[dreg:$0x1] =	wrdreg $0xFFFFFFFF  }
0xc7: {  	_ =	task.clear_ibuf [dreg:s7], $0x2FFFF;
	_ =	strace $0x9FFFFFFF  }
0xc8: {  	(tm) =	ssettm $0x7FFFFFFF  }
0xc9: {  	_ =	shalt  }
tec
execute0_lowered:
.L_overlay_start_1:
0x0: {  	(tag) =	ssettag $0x1  }
0x1: {  	s1 =	rddreg [dreg:$0x0]  }
0x2: {  	s4 =	rddreg [dreg:$0x1]  }
0x3: {  	s0 =	rddreg [dreg:$0x2]  }
0x4: {  	s3 =	simm.s32 $0x0;
	s5 =	srdreg.scid;
	s2 =	stileid.u32  }
0x5: {  	[smem:$0x7FF] =	sst s3;
	s5 =	sand.u32 $0x1, s5;
	s6 =	sshll.u32 s2, $0x5  }
0x6: {  	s7 =	sshll.u32 s2, $0xC;
	_ =	strace $0x80000053;
	s8 =	ssub.s32 $0x2, s5  }
0x7: {  	s6 =	sadd.s32 s6, s4;
	s7 =	sadd.s32 s7, s4;
	s9 =	sshll.u32 s5, $0xB  }
0x8: {  	s5 =	sshll.u32 s5, $0x4;
	s4 =	sshll.u32 s2, $0x1;
	s30 =	sshrl.u32 s8, $0x1  }
0x9: {  	s7 =	sadd.s32 s9, s7;
	s31 =	sadd.s32 s5, s6;
	s8 =	ssub.s32 s8, s30  }
0xa: {  	s6 =	sadd.s32 $0x26400, s7;
	s7 =	sadd.s32 $0x1C600, s31;
	s5 =	smax.u32 s8, $0x1  }
.LBB2_1:
0xb: {  	s8 =	sadd.s32 $0x0, s4  }
0xc: {  	p0 =	sgt.u32 s8, $0x9C3  }
0xd: {  	s8 =	simm.s32 @!p0 $0x0;
	s9 =	simm.s32 @!p0 $0x3  }
0xe: {  	[tilespmem:s8], [sflag:$0x3] =	stream.linear.gather @!p0 [hbm4b:s7+s8], $0x80, $0x38;
	[tilespmem:$0x4080] =	vst v63  }
0xf: {  	_ =	swait.ge @!p0 [sflag:s9], $0x80  }
0x10: {  	[sflag:s9] =	ssyncset.done @!p0 $0x0;
	p0 =	por p0, p0  }
0x11: {  	[sflag:s9] =	ssyncadd.s32 @!p0 $0xFFFFFF80;
	s10 =	simm.s32 @!p0 $0x80;
	s11 =	simm.s32 @!p0 $0x1  }
0x12: {  	[tilespmem:s10], [sflag:$0x1] =	stream.indirect.gather @!p0 [hbm4b:s1+s10], $0x80, s8, s10, $0xb8;
	[tilespmem:$0x4080] =	vst v63  }
0x13: {  	_ =	swait.ge @!p0 [sflag:s11], $0x4000  }
0x14: {  	[sflag:s11] =	ssyncset.done @!p0 $0x0  }
0x15: {  	s31 =	sadd.s32 $0x20, s4;
	[sflag:s11] =	ssyncadd.s32 @!p0 $0xFFFFC000;
	s11 =	simm.s32 @!p0 $0x2  }
0x16: {  	[hbm4b:s6+s8] =	stream.linear.scatter @!p0 [tilespmem:s10], [sflag:$0x2], $0x4000, $0x38;
	[tilespmem:$0x4080] =	vst v63  }
0x17: {  	p1 =	sgt.u32 s31, $0x9C3;
	s9 =	simm.s32 $0x40;
	_ =	swait.ge @!p0 [sflag:s11], $0x4000  }
0x18: {  	s10 =	sadd.s32 $0x200, s7;
	s8 =	sadd.s32 $0x10000, s6;
	[sflag:s11] =	ssyncset.done @!p0 $0x0  }
.LBB2_2:
0x19: {  	s12 =	simm.s32 @!p1 $0x0;
	s13 =	simm.s32 @!p1 $0x3;
	[sflag:s11] =	ssyncadd.s32 @!p0 $0xFFFFC000  }
0x1a: {  	[tilespmem:s12], [sflag:$0x3] =	stream.linear.gather @!p1 [hbm4b:s10+s12], $0x80, $0x38;
	[tilespmem:$0x4080] =	vst v63  }
0x1b: {  	s14 =	smov.u32 s9;
	s9 =	sadd.s32 $0x20, s9;
	_ =	swait.ge @!p1 [sflag:s13], $0x80  }
0x1c: {  	p0 =	por p1, p1;
	p2 =	sne.s32 s9, $0x9E0;
	[sflag:s13] =	ssyncset.done @!p1 $0x0  }
0x1d: {  	s11 =	simm.s32 @!p0 $0x1;
	[sflag:s13] =	ssyncadd.s32 @!p0 $0xFFFFFF80;
	s13 =	simm.s32 @!p0 $0x80  }
0x1e: {  	[tilespmem:s13], [sflag:$0x1] =	stream.indirect.gather @!p0 [hbm4b:s1+s13], $0x80, s12, s13, $0xb8;
	[tilespmem:$0x4080] =	vst v63  }
0x1f: {  	_ =	swait.ge @!p0 [sflag:s11], $0x4000  }
.Ltmp0:
0x20: {  	[sflag:s11] =	ssyncset.done @!p0 $0x0;
	(pc) =	sbr.rel @p2 .LBB2_2-.Ltmp0, $4  }
0x21: {  	[sflag:s11] =	ssyncadd.s32 @!p0 $0xFFFFC000;
	s11 =	simm.s32 @!p0 $0x2  }
0x22: {  	[hbm4b:s8+s12] =	stream.linear.scatter @!p0 [tilespmem:s13], [sflag:$0x2], $0x4000, $0x38;
	[tilespmem:$0x4080] =	vst v63  }
0x23: {  	s10 =	sadd.s32 $0x200, s10;
	s12 =	sadd.s32 s14, s4;
	_ =	swait.ge @!p0 [sflag:s11], $0x4000  }
0x24: {  	s8 =	sadd.s32 $0x10000, s8;
	p1 =	sgt.u32 s12, $0x9C3;
	[sflag:s11] =	ssyncset.done @!p0 $0x0  }
0x25: {  	s9 =	simm.s32 @!p1 $0x0;
	s12 =	simm.s32 @!p1 $0x3;
	[sflag:s11] =	ssyncadd.s32 @!p0 $0xFFFFC000  }
0x26: {  	[tilespmem:s9], [sflag:$0x3] =	stream.linear.gather @!p1 [hbm4b:s10+s9], $0x80, $0x38;
	[tilespmem:$0x4080] =	vst v63  }
0x27: {  	_ =	swait.ge @!p1 [sflag:s12], $0x80  }
0x28: {  	p0 =	por p1, p1;
	[sflag:s12] =	ssyncset.done @!p1 $0x0  }
0x29: {  	s10 =	simm.s32 @!p0 $0x80;
	s11 =	simm.s32 @!p0 $0x1;
	[sflag:s12] =	ssyncadd.s32 @!p0 $0xFFFFFF80  }
0x2a: {  	[tilespmem:s10], [sflag:$0x1] =	stream.indirect.gather @!p0 [hbm4b:s1+s10], $0x80, s9, s10, $0xb8;
	[tilespmem:$0x4080] =	vst v63  }
0x2b: {  	s3 =	sadd.s32 $0x1, s3;
	_ =	swait.ge @!p0 [sflag:s11], $0x4000  }
0x2c: {  	p1 =	sne.s32 s3, s5;
	[sflag:s11] =	ssyncset.done @!p0 $0x0  }
.Ltmp1:
0x2d: {  	[sflag:s11] =	ssyncadd.s32 @!p0 $0xFFFFC000;
	s11 =	simm.s32 @!p0 $0x2;
	(pc) =	sbr.rel @p1 .LBB2_1-.Ltmp1, $4  }
0x2e: {  	[hbm4b:s8+s9] =	stream.linear.scatter @!p0 [tilespmem:s10], [sflag:$0x2], $0x4000, $0x38;
	[tilespmem:$0x4080] =	vst v63  }
0x2f: {  	_ =	swait.ge @!p0 [sflag:s11], $0x4000  }
0x30: {  	[sflag:s11] =	ssyncset.done @!p0 $0x0  }
0x31: {  	[sflag:s11] =	ssyncadd.s32 @!p0 $0xFFFFC000  }
0x32: {  	_ =	sfence.sel $0x180000  }
0x33: {  	[bflag:$0x0] =	sbarrier.arrive $0xFFFF  }
0x34: {  	p0 =	sne.s32 s2, $0x0;
	_ =	strace $0x90000053  }
0x35: {  	s0 =	sadd.s32 @!p0 $0x100000, s0;
	[bflag:$0x2] =	sbarrier.arrive $0xFFFF  }
0x36: {  	[sflag:s0] =	ssyncadd.tile.s32 @!p0 $0x1;
	_ =	shalt  }
.Lfunc_end2:
_tile_overlayer_lowered:
.L_overlay_start_2:
0x37: {  	(tag) =	ssettag $0x2  }
0x38: {  	s0 =	rddreg [dreg:$0x0];
	s2 =	stileid.u32  }
0x39: {  	s1 =	rddreg [dreg:$0x1];
	p0 =	sne.s32 s2, $0x0  }
0x3a: {  	s3 =	rddreg [dreg:$0x2];
	[bflag:$0x3] =	sbarrier.arrive $0xFFFF;
	s2 =	simm.s32 @!p0 $0x1C02  }
0x3b: {  	[timem:s3], [sflag:s2] =	dma.local @!p0 [hbm:s0], s1  }
0x3c: {  	s0 =	simm.s32 @!p0 $0x2  }
0x3d: {  	_ =	swait.ge @!p0 [sflag:s0], s1  }
0x3e: {  	s1 =	ssub.s32 @!p0 $0x0, s1;
	[sflag:s0] =	ssyncset.done @!p0 $0x0  }
0x3f: {  	[sflag:s0] =	ssyncadd.s32 @!p0 s1  }
0x40: {  	[bflag:$0x3] =	sbarrier.arrive $0xFFFF  }
0x41: {  	_ =	shalt  }

// kernel: kernel.45.cloned.1.call-start
scs
__scs_entry_jumppad:
0x0: {  	(pc) =	sbr.rel $0x88, $3  }
0x1: {  	(tag) =	ssettag $0x0;
	lr =	simm.s32 $0x1  }
0x2: {  	[smem:$0x3F93] =	sst lr;
	_ =	strace $0xD0000000  }
0x3: {  	_ = 	snop  }
0x4: {  	_ = 	snop  }
0x5: {  	_ = 	snop  }
0x6: {  	_ = 	snop  }
0x7: {  	_ = 	snop  }
__scs_overlays_trampoline_lowered:
0x8: {  	[smem:$0x3FA2] =	sst s0  }
0x9: {  	[smem:$0x3FA3] =	sst s1  }
0xa: {  	[smem:$0x3FA4] =	sst s2  }
0xb: {  	[smem:$0x3FA5] =	sst s3  }
0xc: {  	[smem:$0x3FA6] =	sst s4  }
0xd: {  	[smem:$0x3FA7] =	sst s5  }
0xe: {  	[smem:$0x3FA8] =	sst s6  }
0xf: {  	[smem:$0x3FA9] =	sst s7  }
0x10: {  	[smem:$0x3FAA] =	sst s8  }
0x11: {  	[smem:$0x3FAB] =	sst s9;
	s0 =	simm.s32 @!p0 $0x0  }
0x12: {  	s1 =	sld [smem:$0x3F91];
	s0 =	simm.s32 @p0 $0x1  }
0x13: {  	[smem:$0x3FAC] =	sst s0;
	s0 =	simm.s32 @!p1 $0x0  }
0x14: {  	s2 =	sld [smem:$0x3F90];
	s0 =	simm.s32 @p1 $0x1  }
0x15: {  	[smem:$0x3FAD] =	sst s0;
	s0 =	simm.s32 @!p2 $0x0  }
0x16: {  	s3 =	sld [smem:$0x3FDB];
	s0 =	simm.s32 @p2 $0x1  }
0x17: {  	s4 =	simm.s32 $0x1BF5;
	[smem:$0x3FAF] =	sst s0  }
0x18: {  	s0 =	sld [smem:$0x3F92];
	_ =	swait.ge [sflag:s4], $0x0  }
0x19: {  	s7 =	sld [smem:$0x3F93]  }
0x1a: {  	s8 =	sadd.s32 $0xFFFFE003, lr  }
0x1b: {  	s9 =	sadd.s32 $0xFFFFFEF7, lr;
	s5 =	simm.s32 $0xFFFFFFFF;
	p2 =	slt.u32 s8, $0xFFFFF086  }
0x1c: {  	p1 =	slt.u32 s9, $0xF7A;
	s5 =	simm.s32 @!p2 $0x0  }
0x1d: {  	s5 =	simm.s32 @p1 $0x1;
	p0 =	seq.s32 s7, s2  }
0x1e: {  	s7 =	smul.u32 @!p0 $0xF7A, s2;
	p2 =	seq.s32 @!p0 s5, $0x0  }
0x1f: {  	s9 =	smul.u32 $0xF7A, s1;
	s8 =	simm.s32 @!p0 $0x1BF5;
	p2 =	por !p2, p0  }
0x20: {  	[sflag:s8] =	ssyncset.s32 @!p0 $0xFFFFF086;
	s6 =	sadd.s32 @!p0 s3, s7;
	s7 =	simm.s32 @!p0 $0x108  }
0x21: {  	s3 =	sadd.s32 s3, s9;
	s6 =	sadd.s32 @!p0 $0x88, s6;
	s7 =	simm.s32 @p2 $0x1082  }
0x22: {  	[simem:s7], [sflag:s8] =	dma.local @!p0 [hbm:s6], $0xF7A  }
0x23: {  	s9 =	sor.u32 $0xD0000000, s2;
	s6 =	simm.s32 $0x108;
	_ =	swait.ge @!p0 [sflag:s8], $0x0  }
0x24: {  	s3 =	sadd.s32 $0x88, s3;
	s6 =	simm.s32 @!p1 $0x1082;
	[sflag:s4] =	ssyncset.s32 $0xFFFFF086  }
0x25: {  	[simem:s6], [sflag:s4] =	dma.local [hbm:s3], $0xF7A  }
0x26: {  	[smem:$0x3F93] =	sst s1;
	(tag) =	ssettag s2;
	_ =	strace s9  }
0x27: {  	s1 =	sld [smem:$0x3FA3]  }
0x28: {  	s2 =	sld [smem:$0x3FA4]  }
0x29: {  	s4 =	sld [smem:$0x3FA6]  }
0x2a: {  	p0 =	seq.s32 s5, $0x0;
	s5 =	sld [smem:$0x3FA7]  }
0x2b: {  	s6 =	sld [smem:$0x3FA8]  }
0x2c: {  	s7 =	sld [smem:$0x3FA9]  }
0x2d: {  	s3 =	simm.s32 $0x108;
	s8 =	sld [smem:$0x3FAA]  }
0x2e: {  	s3 =	simm.s32 @!p0 $0x1082;
	s9 =	sld [smem:$0x3FAB]  }
0x2f: {  	lr =	sadd.s32 s0, s3;
	s0 =	sld [smem:$0x3FA2]  }
0x30: {  	s3 =	sld [smem:$0x3FA5]  }
0x31: {  	[smem:$0x3FAE] =	sst s10  }
0x32: {  	s10 =	sld [smem:$0x3FAC];
	_ =	sdelay $0x3  }
0x33: {  	p0 =	seq.s32 s10, $0x1;
	s10 =	sld [smem:$0x3FAE];
	_ =	sdelay $0x3  }
0x34: {  	[smem:$0x3FAE] =	sst s10  }
0x35: {  	s10 =	sld [smem:$0x3FAD];
	_ =	sdelay $0x3  }
0x36: {  	p1 =	seq.s32 s10, $0x1;
	s10 =	sld [smem:$0x3FAE];
	_ =	sdelay $0x3  }
0x37: {  	[smem:$0x3FAE] =	sst s10  }
0x38: {  	s10 =	sld [smem:$0x3FAF]  }
0x39: {  	_ = 	snop;
	(pc) =	sbr.ind lr, $3  }
0x3a: {  	_ = 	snop  }
0x3b: {  	_ = 	snop  }
0x3c: {  	p2 =	seq.s32 s10, $0x1;
	s10 =	sld [smem:$0x3FAE]  }
0x3d: {  	_ =	shalt  }
0x3e: {  	_ =	shalt  }
0x3f: {  	_ =	shalt  }
0x40: {  	_ =	shalt  }
0x41: {  	_ =	shalt  }
0x42: {  	_ =	shalt  }
0x43: {  	_ =	shalt  }
0x44: {  	_ =	shalt  }
0x45: {  	_ =	shalt  }
0x46: {  	_ =	shalt  }
0x47: {  	_ =	shalt  }
0x48: {  	_ =	shalt  }
0x49: {  	_ =	shalt  }
0x4a: {  	_ =	shalt  }
0x4b: {  	_ =	shalt  }
0x4c: {  	_ =	shalt  }
0x4d: {  	_ =	shalt  }
0x4e: {  	_ =	shalt  }
0x4f: {  	_ =	shalt  }
0x50: {  	_ =	shalt  }
0x51: {  	_ =	shalt  }
0x52: {  	_ =	shalt  }
0x53: {  	_ =	shalt  }
0x54: {  	_ =	shalt  }
0x55: {  	_ =	shalt  }
0x56: {  	_ =	shalt  }
0x57: {  	_ =	shalt  }
0x58: {  	_ =	shalt  }
0x59: {  	_ =	shalt  }
0x5a: {  	_ =	shalt  }
0x5b: {  	_ =	shalt  }
0x5c: {  	_ =	shalt  }
0x5d: {  	_ =	shalt  }
0x5e: {  	_ =	shalt  }
0x5f: {  	_ =	shalt  }
0x60: {  	_ =	shalt  }
0x61: {  	_ =	shalt  }
0x62: {  	_ =	shalt  }
0x63: {  	_ =	shalt  }
0x64: {  	_ =	shalt  }
0x65: {  	_ =	shalt  }
0x66: {  	_ =	shalt  }
0x67: {  	_ =	shalt  }
0x68: {  	_ =	shalt  }
0x69: {  	_ =	shalt  }
0x6a: {  	_ =	shalt  }
0x6b: {  	_ =	shalt  }
0x6c: {  	_ =	shalt  }
0x6d: {  	_ =	shalt  }
0x6e: {  	_ =	shalt  }
0x6f: {  	_ =	shalt  }
0x70: {  	_ =	shalt  }
0x71: {  	_ =	shalt  }
0x72: {  	_ =	shalt  }
0x73: {  	_ =	shalt  }
0x74: {  	_ =	shalt  }
0x75: {  	_ =	shalt  }
0x76: {  	_ =	shalt  }
0x77: {  	_ =	shalt  }
0x78: {  	_ =	shalt  }
0x79: {  	_ =	shalt  }
0x7a: {  	_ =	shalt  }
0x7b: {  	_ =	shalt  }
0x7c: {  	_ =	shalt  }
0x7d: {  	_ =	shalt  }
0x7e: {  	_ =	shalt  }
0x7f: {  	_ =	shalt  }
0x80: {  	_ =	shalt  }
0x81: {  	_ =	shalt  }
0x82: {  	_ =	shalt  }
0x83: {  	_ =	shalt  }
0x84: {  	_ =	shalt  }
0x85: {  	_ =	shalt  }
0x86: {  	_ =	shalt  }
0x87: {  	_ =	shalt  }
.Lfunc_end0:
.L_simem_size_0:
called_computation.5_lowered:
.L_overlay_start_0:
0x88: {  	s2 =	sld [smem:$0x3FD9]  }
0x89: {  	s3 =	sld [smem:$0x3FFE];
	_ =	sdelay $0x1  }
0x8a: {  	s1 =	srdreg.scid  }
0x8b: {  	s0 =	sand.u32 $0x1, s1  }
0x8c: {  	s14 =	sshll.u32 s0, $0xA;
	s2 =	sadd.s32 s3, s2  }
0x8d: {  	s2 =	sadd.s32 s2, s14  }
0x8e: {  	[smem:$0x3FBA] =	sst s2  }
0x8f: {  	_ = 	snop  }
0x90: {  	s2 =	sld [smem:$0x3FD0];
	_ =	sdelay $0x2  }
0x91: {  	s15 =	simm.s32 $0xA;
	s4 =	simm.s32 $0x10  }
0x92: {  	[smem:s4], [sflag:s15] =	dma.local [hbm:s2], $0x1  }
0x93: {  	_ =	swait.eq [sflag:s15], $0x1  }
0x94: {  	[sflag:s15] =	ssyncset.done $0x0  }
0x95: {  	[sflag:s15] =	ssyncadd.s32 $0xFFFFFFFF  }
0x96: {  	s16 =	sld [smem:$0x11];
	(tm) =	ssettm $0x1  }
0x97: {  	s17 =	sld [smem:$0x3FFB];
	_ =	sdelay $0x3  }
0x98: {  	_ =	strace s17  }
0x99: {  	s3 =	sld [smem:$0x3FFC];
	_ =	sdelay $0x3  }
0x9a: {  	_ =	strace s3  }
0x9b: {  	s3 =	sld [smem:$0x3FFD];
	_ =	sdelay $0x3  }
0x9c: {  	_ =	strace s3  }
0x9d: {  	_ =	strace $0x8FFFFFFF  }
0x9e: {  	s18 =	sld [smem:$0x3FDB];
	_ =	sdelay $0x1  }
0x9f: {  	s19 =	simm.s32 $_scs_section_size  }
0xa0: {  	s5 =	simm.s32 $_size__tile_overlayer_lowered;
	s6 =	simm.s32 $_tile_overlayer_lowered  }
0xa1: {  	s22 =	simm.s32 $0x1BFF;
	s21 =	sshll.u32 s6, $0x1;
	s3 =	sadd.s32 s19, s18  }
0xa2: {  	s7 =	simm.s32 $0x0;
	s20 =	sshll.u32 s5, $0x1;
	s5 =	sadd.s32 s21, s3  }
0xa3: {  	[timem:s7], [sflag:s22] =	dma.local [hbm:s5], s20  }
0xa4: {  	_ =	swait.ge [sflag:s22], s20  }
0xa5: {  	s4 =	ssub.s32 $0x0, s20;
	[sflag:s22] =	ssyncset.done $0x0  }
0xa6: {  	[sflag:s22] =	ssyncadd.s32 s4;
	_ =	sdelay $0x1  }
0xa7: {  	s23 =	simm.s32 $0x1B8B  }
0xa8: {  	_ =	swait.ge [sflag:s23], $0x1  }
0xa9: {  	[sflag:s23] =	ssyncset.done $0x0  }
0xaa: {  	s25 =	simm.s32 $0x1B8E;
	s24 =	sld [smem:$0x3FFE];
	[sflag:s23] =	ssyncadd.s32 $0xFFFFFFFF  }
0xab: {  	s26 =	simm.s32 $execute0_lowered;
	[smem:$0x3FD2] =	sst s25  }
0xac: {  	s5 =	sshll.u32 s26, $0x1;
	_ =	strace $0x80000055;
	[dreg:$0x1] =	wrdreg $0xFFFFFFFF  }
0xad: {  	s28 =	simm.s32 $_size_execute0_lowered;
	s3 =	sadd.s32 s3, s5;
	[dreg:$0x0] =	wrdreg $0x0  }
0xae: {  	s5 =	sshll.u32 s28, $0x1;
	[dreg:$0x2] =	wrdreg s3  }
0xaf: {  	[dreg:$0x3] =	wrdreg s5  }
0xb0: {  	[dreg:$0x4] =	wrdreg $0xC0  }
0xb1: {  	_ =	task [dreg:s7], $0x5FFFF  }
0xb2: {  	[dreg:$0x1] =	wrdreg $0xFFFFFFFF  }
0xb3: {  	[dreg:$0x0] =	wrdreg $0x60  }
0xb4: {  	[dreg:$0x2] =	wrdreg s16  }
0xb5: {  	[dreg:$0x3] =	wrdreg s24  }
0xb6: {  	[dreg:$0x4] =	wrdreg $0x9  }
0xb7: {  	_ =	task.clear_ibuf [dreg:s7], $0x5FFFF;
	_ =	strace $0x90000055  }
0xb8: {  	s29 =	simm.s32 $0x9;
	_ =	strace $0x80000057  }
0xb9: {  	_ =	swait.ge [sflag:s29], $0x1  }
0xba: {  	[sflag:s29] =	ssyncadd.s32 $0xFFFFFFFF  }
0xbb: {  	_ =	strace $0x90000057  }
0xbc: {  	_ =	sfence  }
0xbd: {  	s30 =	sld [smem:$0x0];
	_ =	sdelay $0x2  }
0xbe: {  	s31 =	sshll.u32 s1, $0xD;
	s1 =	sshrl.u32 s1, $0x2  }
0xbf: {  	s3 =	sand.u32 $0x4000, s31;
	s1 =	sadd.s32 s1, s30  }
0xc0: {  	s0 =	sor.u32 s3, s0;
	s1 =	sshll.u32 s1, $0x11  }
0xc1: {  	s0 =	sor.u32 s1, s0  }
0xc2: {  	s0 =	sadd.s32 $0x8F2B, s0  }
0xc3: {  	[sflag:s0] =	ssyncadd.remote.s32 $0x1  }
0xc4: {  	_ =	sfence.sel $0xFFFF  }
0xc5: {  	[dreg:$0x0] =	wrdreg $0xFFFFFFFF;
	(pc) =	sbr.abs _section_cstart, $3  }
0xc6: {  	[dreg:$0x1] =	wrdreg $0xFFFFFFFF  }
0xc7: {  	_ =	task.clear_ibuf [dreg:s7], $0x2FFFF;
	_ =	strace $0x9FFFFFFF  }
0xc8: {  	(tm) =	ssettm $0x7FFFFFFF  }
0xc9: {  	_ =	shalt  }
tec
execute0_lowered:
.L_overlay_start_1:
0x0: {  	(tag) =	ssettag $0x1  }
0x1: {  	s1 =	rddreg [dreg:$0x0]  }
0x2: {  	s4 =	rddreg [dreg:$0x1]  }
0x3: {  	s0 =	rddreg [dreg:$0x2]  }
0x4: {  	s3 =	simm.s32 $0x0;
	s5 =	srdreg.scid;
	s2 =	stileid.u32  }
0x5: {  	[smem:$0x7FF] =	sst s3;
	s5 =	sand.u32 $0x1, s5;
	s6 =	sshll.u32 s2, $0x5  }
0x6: {  	s7 =	sshll.u32 s2, $0xC;
	_ =	strace $0x80000056;
	s8 =	ssub.s32 $0x2, s5  }
0x7: {  	s6 =	sadd.s32 s6, s4;
	s7 =	sadd.s32 s7, s4;
	s9 =	sshll.u32 s5, $0xB  }
0x8: {  	s5 =	sshll.u32 s5, $0x4;
	s4 =	sshll.u32 s2, $0x1;
	s30 =	sshrl.u32 s8, $0x1  }
0x9: {  	s7 =	sadd.s32 s9, s7;
	s31 =	sadd.s32 s5, s6;
	s8 =	ssub.s32 s8, s30  }
0xa: {  	s6 =	sadd.s32 $0x26400, s7;
	s7 =	sadd.s32 $0x1C600, s31;
	s5 =	smax.u32 s8, $0x1  }
.LBB2_1:
0xb: {  	s8 =	sadd.s32 $0x0, s4  }
0xc: {  	p0 =	sgt.u32 s8, $0x9C3  }
0xd: {  	s8 =	simm.s32 @!p0 $0x0;
	s9 =	simm.s32 @!p0 $0x3  }
0xe: {  	[tilespmem:s8], [sflag:$0x3] =	stream.linear.gather @!p0 [hbm4b:s7+s8], $0x80, $0x38;
	[tilespmem:$0x4080] =	vst v63  }
0xf: {  	_ =	swait.ge @!p0 [sflag:s9], $0x80  }
0x10: {  	[sflag:s9] =	ssyncset.done @!p0 $0x0;
	p0 =	por p0, p0  }
0x11: {  	[sflag:s9] =	ssyncadd.s32 @!p0 $0xFFFFFF80;
	s10 =	simm.s32 @!p0 $0x80;
	s11 =	simm.s32 @!p0 $0x1  }
0x12: {  	[tilespmem:s10], [sflag:$0x1] =	stream.indirect.gather @!p0 [hbm4b:s1+s10], $0x80, s8, s10, $0xb8;
	[tilespmem:$0x4080] =	vst v63  }
0x13: {  	_ =	swait.ge @!p0 [sflag:s11], $0x4000  }
0x14: {  	[sflag:s11] =	ssyncset.done @!p0 $0x0  }
0x15: {  	s31 =	sadd.s32 $0x20, s4;
	[sflag:s11] =	ssyncadd.s32 @!p0 $0xFFFFC000;
	s11 =	simm.s32 @!p0 $0x2  }
0x16: {  	[hbm4b:s6+s8] =	stream.linear.scatter @!p0 [tilespmem:s10], [sflag:$0x2], $0x4000, $0x38;
	[tilespmem:$0x4080] =	vst v63  }
0x17: {  	p1 =	sgt.u32 s31, $0x9C3;
	s9 =	simm.s32 $0x40;
	_ =	swait.ge @!p0 [sflag:s11], $0x4000  }
0x18: {  	s10 =	sadd.s32 $0x200, s7;
	s8 =	sadd.s32 $0x10000, s6;
	[sflag:s11] =	ssyncset.done @!p0 $0x0  }
.LBB2_2:
0x19: {  	s12 =	simm.s32 @!p1 $0x0;
	s13 =	simm.s32 @!p1 $0x3;
	[sflag:s11] =	ssyncadd.s32 @!p0 $0xFFFFC000  }
0x1a: {  	[tilespmem:s12], [sflag:$0x3] =	stream.linear.gather @!p1 [hbm4b:s10+s12], $0x80, $0x38;
	[tilespmem:$0x4080] =	vst v63  }
0x1b: {  	s14 =	smov.u32 s9;
	s9 =	sadd.s32 $0x20, s9;
	_ =	swait.ge @!p1 [sflag:s13], $0x80  }
0x1c: {  	p0 =	por p1, p1;
	p2 =	sne.s32 s9, $0x9E0;
	[sflag:s13] =	ssyncset.done @!p1 $0x0  }
0x1d: {  	s11 =	simm.s32 @!p0 $0x1;
	[sflag:s13] =	ssyncadd.s32 @!p0 $0xFFFFFF80;
	s13 =	simm.s32 @!p0 $0x80  }
0x1e: {  	[tilespmem:s13], [sflag:$0x1] =	stream.indirect.gather @!p0 [hbm4b:s1+s13], $0x80, s12, s13, $0xb8;
	[tilespmem:$0x4080] =	vst v63  }
0x1f: {  	_ =	swait.ge @!p0 [sflag:s11], $0x4000  }
.Ltmp0:
0x20: {  	[sflag:s11] =	ssyncset.done @!p0 $0x0;
	(pc) =	sbr.rel @p2 .LBB2_2-.Ltmp0, $4  }
0x21: {  	[sflag:s11] =	ssyncadd.s32 @!p0 $0xFFFFC000;
	s11 =	simm.s32 @!p0 $0x2  }
0x22: {  	[hbm4b:s8+s12] =	stream.linear.scatter @!p0 [tilespmem:s13], [sflag:$0x2], $0x4000, $0x38;
	[tilespmem:$0x4080] =	vst v63  }
0x23: {  	s10 =	sadd.s32 $0x200, s10;
	s12 =	sadd.s32 s14, s4;
	_ =	swait.ge @!p0 [sflag:s11], $0x4000  }
0x24: {  	s8 =	sadd.s32 $0x10000, s8;
	p1 =	sgt.u32 s12, $0x9C3;
	[sflag:s11] =	ssyncset.done @!p0 $0x0  }
0x25: {  	s9 =	simm.s32 @!p1 $0x0;
	s12 =	simm.s32 @!p1 $0x3;
	[sflag:s11] =	ssyncadd.s32 @!p0 $0xFFFFC000  }
0x26: {  	[tilespmem:s9], [sflag:$0x3] =	stream.linear.gather @!p1 [hbm4b:s10+s9], $0x80, $0x38;
	[tilespmem:$0x4080] =	vst v63  }
0x27: {  	_ =	swait.ge @!p1 [sflag:s12], $0x80  }
0x28: {  	p0 =	por p1, p1;
	[sflag:s12] =	ssyncset.done @!p1 $0x0  }
0x29: {  	s10 =	simm.s32 @!p0 $0x80;
	s11 =	simm.s32 @!p0 $0x1;
	[sflag:s12] =	ssyncadd.s32 @!p0 $0xFFFFFF80  }
0x2a: {  	[tilespmem:s10], [sflag:$0x1] =	stream.indirect.gather @!p0 [hbm4b:s1+s10], $0x80, s9, s10, $0xb8;
	[tilespmem:$0x4080] =	vst v63  }
0x2b: {  	s3 =	sadd.s32 $0x1, s3;
	_ =	swait.ge @!p0 [sflag:s11], $0x4000  }
0x2c: {  	p1 =	sne.s32 s3, s5;
	[sflag:s11] =	ssyncset.done @!p0 $0x0  }
.Ltmp1:
0x2d: {  	[sflag:s11] =	ssyncadd.s32 @!p0 $0xFFFFC000;
	s11 =	simm.s32 @!p0 $0x2;
	(pc) =	sbr.rel @p1 .LBB2_1-.Ltmp1, $4  }
0x2e: {  	[hbm4b:s8+s9] =	stream.linear.scatter @!p0 [tilespmem:s10], [sflag:$0x2], $0x4000, $0x38;
	[tilespmem:$0x4080] =	vst v63  }
0x2f: {  	_ =	swait.ge @!p0 [sflag:s11], $0x4000  }
0x30: {  	[sflag:s11] =	ssyncset.done @!p0 $0x0  }
0x31: {  	[sflag:s11] =	ssyncadd.s32 @!p0 $0xFFFFC000  }
0x32: {  	_ =	sfence.sel $0x180000  }
0x33: {  	[bflag:$0x0] =	sbarrier.arrive $0xFFFF  }
0x34: {  	p0 =	sne.s32 s2, $0x0;
	_ =	strace $0x90000056  }
0x35: {  	s0 =	sadd.s32 @!p0 $0x100000, s0;
	[bflag:$0x2] =	sbarrier.arrive $0xFFFF  }
0x36: {  	[sflag:s0] =	ssyncadd.tile.s32 @!p0 $0x1;
	_ =	shalt  }
.Lfunc_end2:
_tile_overlayer_lowered:
.L_overlay_start_2:
0x37: {  	(tag) =	ssettag $0x2  }
0x38: {  	s0 =	rddreg [dreg:$0x0];
	s2 =	stileid.u32  }
0x39: {  	s1 =	rddreg [dreg:$0x1];
	p0 =	sne.s32 s2, $0x0  }
0x3a: {  	s3 =	rddreg [dreg:$0x2];
	[bflag:$0x3] =	sbarrier.arrive $0xFFFF;
	s2 =	simm.s32 @!p0 $0x1C02  }
0x3b: {  	[timem:s3], [sflag:s2] =	dma.local @!p0 [hbm:s0], s1  }
0x3c: {  	s0 =	simm.s32 @!p0 $0x2  }
0x3d: {  	_ =	swait.ge @!p0 [sflag:s0], s1  }
0x3e: {  	s1 =	ssub.s32 @!p0 $0x0, s1;
	[sflag:s0] =	ssyncset.done @!p0 $0x0  }
0x3f: {  	[sflag:s0] =	ssyncadd.s32 @!p0 s1  }
0x40: {  	[bflag:$0x3] =	sbarrier.arrive $0xFFFF  }
0x41: {  	_ =	shalt  }

// kernel: kernel.48.cloned.1.call-start
scs
__scs_entry_jumppad:
0x0: {  	(pc) =	sbr.rel $0x88, $3  }
0x1: {  	(tag) =	ssettag $0x0;
	lr =	simm.s32 $0x1  }
0x2: {  	[smem:$0x3F93] =	sst lr;
	_ =	strace $0xD0000000  }
0x3: {  	_ = 	snop  }
0x4: {  	_ = 	snop  }
0x5: {  	_ = 	snop  }
0x6: {  	_ = 	snop  }
0x7: {  	_ = 	snop  }
__scs_overlays_trampoline_lowered:
0x8: {  	[smem:$0x3FA2] =	sst s0  }
0x9: {  	[smem:$0x3FA3] =	sst s1  }
0xa: {  	[smem:$0x3FA4] =	sst s2  }
0xb: {  	[smem:$0x3FA5] =	sst s3  }
0xc: {  	[smem:$0x3FA6] =	sst s4  }
0xd: {  	[smem:$0x3FA7] =	sst s5  }
0xe: {  	[smem:$0x3FA8] =	sst s6  }
0xf: {  	[smem:$0x3FA9] =	sst s7  }
0x10: {  	[smem:$0x3FAA] =	sst s8  }
0x11: {  	[smem:$0x3FAB] =	sst s9;
	s0 =	simm.s32 @!p0 $0x0  }
0x12: {  	s1 =	sld [smem:$0x3F91];
	s0 =	simm.s32 @p0 $0x1  }
0x13: {  	[smem:$0x3FAC] =	sst s0;
	s0 =	simm.s32 @!p1 $0x0  }
0x14: {  	s2 =	sld [smem:$0x3F90];
	s0 =	simm.s32 @p1 $0x1  }
0x15: {  	[smem:$0x3FAD] =	sst s0;
	s0 =	simm.s32 @!p2 $0x0  }
0x16: {  	s3 =	sld [smem:$0x3FDB];
	s0 =	simm.s32 @p2 $0x1  }
0x17: {  	s4 =	simm.s32 $0x1BF5;
	[smem:$0x3FAF] =	sst s0  }
0x18: {  	s0 =	sld [smem:$0x3F92];
	_ =	swait.ge [sflag:s4], $0x0  }
0x19: {  	s7 =	sld [smem:$0x3F93]  }
0x1a: {  	s8 =	sadd.s32 $0xFFFFE003, lr  }
0x1b: {  	s9 =	sadd.s32 $0xFFFFFEF7, lr;
	s5 =	simm.s32 $0xFFFFFFFF;
	p2 =	slt.u32 s8, $0xFFFFF086  }
0x1c: {  	p1 =	slt.u32 s9, $0xF7A;
	s5 =	simm.s32 @!p2 $0x0  }
0x1d: {  	s5 =	simm.s32 @p1 $0x1;
	p0 =	seq.s32 s7, s2  }
0x1e: {  	s7 =	smul.u32 @!p0 $0xF7A, s2;
	p2 =	seq.s32 @!p0 s5, $0x0  }
0x1f: {  	s9 =	smul.u32 $0xF7A, s1;
	s8 =	simm.s32 @!p0 $0x1BF5;
	p2 =	por !p2, p0  }
0x20: {  	[sflag:s8] =	ssyncset.s32 @!p0 $0xFFFFF086;
	s6 =	sadd.s32 @!p0 s3, s7;
	s7 =	simm.s32 @!p0 $0x108  }
0x21: {  	s3 =	sadd.s32 s3, s9;
	s6 =	sadd.s32 @!p0 $0x88, s6;
	s7 =	simm.s32 @p2 $0x1082  }
0x22: {  	[simem:s7], [sflag:s8] =	dma.local @!p0 [hbm:s6], $0xF7A  }
0x23: {  	s9 =	sor.u32 $0xD0000000, s2;
	s6 =	simm.s32 $0x108;
	_ =	swait.ge @!p0 [sflag:s8], $0x0  }
0x24: {  	s3 =	sadd.s32 $0x88, s3;
	s6 =	simm.s32 @!p1 $0x1082;
	[sflag:s4] =	ssyncset.s32 $0xFFFFF086  }
0x25: {  	[simem:s6], [sflag:s4] =	dma.local [hbm:s3], $0xF7A  }
0x26: {  	[smem:$0x3F93] =	sst s1;
	(tag) =	ssettag s2;
	_ =	strace s9  }
0x27: {  	s1 =	sld [smem:$0x3FA3]  }
0x28: {  	s2 =	sld [smem:$0x3FA4]  }
0x29: {  	s4 =	sld [smem:$0x3FA6]  }
0x2a: {  	p0 =	seq.s32 s5, $0x0;
	s5 =	sld [smem:$0x3FA7]  }
0x2b: {  	s6 =	sld [smem:$0x3FA8]  }
0x2c: {  	s7 =	sld [smem:$0x3FA9]  }
0x2d: {  	s3 =	simm.s32 $0x108;
	s8 =	sld [smem:$0x3FAA]  }
0x2e: {  	s3 =	simm.s32 @!p0 $0x1082;
	s9 =	sld [smem:$0x3FAB]  }
0x2f: {  	lr =	sadd.s32 s0, s3;
	s0 =	sld [smem:$0x3FA2]  }
0x30: {  	s3 =	sld [smem:$0x3FA5]  }
0x31: {  	[smem:$0x3FAE] =	sst s10  }
0x32: {  	s10 =	sld [smem:$0x3FAC];
	_ =	sdelay $0x3  }
0x33: {  	p0 =	seq.s32 s10, $0x1;
	s10 =	sld [smem:$0x3FAE];
	_ =	sdelay $0x3  }
0x34: {  	[smem:$0x3FAE] =	sst s10  }
0x35: {  	s10 =	sld [smem:$0x3FAD];
	_ =	sdelay $0x3  }
0x36: {  	p1 =	seq.s32 s10, $0x1;
	s10 =	sld [smem:$0x3FAE];
	_ =	sdelay $0x3  }
0x37: {  	[smem:$0x3FAE] =	sst s10  }
0x38: {  	s10 =	sld [smem:$0x3FAF]  }
0x39: {  	_ = 	snop;
	(pc) =	sbr.ind lr, $3  }
0x3a: {  	_ = 	snop  }
0x3b: {  	_ = 	snop  }
0x3c: {  	p2 =	seq.s32 s10, $0x1;
	s10 =	sld [smem:$0x3FAE]  }
0x3d: {  	_ =	shalt  }
0x3e: {  	_ =	shalt  }
0x3f: {  	_ =	shalt  }
0x40: {  	_ =	shalt  }
0x41: {  	_ =	shalt  }
0x42: {  	_ =	shalt  }
0x43: {  	_ =	shalt  }
0x44: {  	_ =	shalt  }
0x45: {  	_ =	shalt  }
0x46: {  	_ =	shalt  }
0x47: {  	_ =	shalt  }
0x48: {  	_ =	shalt  }
0x49: {  	_ =	shalt  }
0x4a: {  	_ =	shalt  }
0x4b: {  	_ =	shalt  }
0x4c: {  	_ =	shalt  }
0x4d: {  	_ =	shalt  }
0x4e: {  	_ =	shalt  }
0x4f: {  	_ =	shalt  }
0x50: {  	_ =	shalt  }
0x51: {  	_ =	shalt  }
0x52: {  	_ =	shalt  }
0x53: {  	_ =	shalt  }
0x54: {  	_ =	shalt  }
0x55: {  	_ =	shalt  }
0x56: {  	_ =	shalt  }
0x57: {  	_ =	shalt  }
0x58: {  	_ =	shalt  }
0x59: {  	_ =	shalt  }
0x5a: {  	_ =	shalt  }
0x5b: {  	_ =	shalt  }
0x5c: {  	_ =	shalt  }
0x5d: {  	_ =	shalt  }
0x5e: {  	_ =	shalt  }
0x5f: {  	_ =	shalt  }
0x60: {  	_ =	shalt  }
0x61: {  	_ =	shalt  }
0x62: {  	_ =	shalt  }
0x63: {  	_ =	shalt  }
0x64: {  	_ =	shalt  }
0x65: {  	_ =	shalt  }
0x66: {  	_ =	shalt  }
0x67: {  	_ =	shalt  }
0x68: {  	_ =	shalt  }
0x69: {  	_ =	shalt  }
0x6a: {  	_ =	shalt  }
0x6b: {  	_ =	shalt  }
0x6c: {  	_ =	shalt  }
0x6d: {  	_ =	shalt  }
0x6e: {  	_ =	shalt  }
0x6f: {  	_ =	shalt  }
0x70: {  	_ =	shalt  }
0x71: {  	_ =	shalt  }
0x72: {  	_ =	shalt  }
0x73: {  	_ =	shalt  }
0x74: {  	_ =	shalt  }
0x75: {  	_ =	shalt  }
0x76: {  	_ =	shalt  }
0x77: {  	_ =	shalt  }
0x78: {  	_ =	shalt  }
0x79: {  	_ =	shalt  }
0x7a: {  	_ =	shalt  }
0x7b: {  	_ =	shalt  }
0x7c: {  	_ =	shalt  }
0x7d: {  	_ =	shalt  }
0x7e: {  	_ =	shalt  }
0x7f: {  	_ =	shalt  }
0x80: {  	_ =	shalt  }
0x81: {  	_ =	shalt  }
0x82: {  	_ =	shalt  }
0x83: {  	_ =	shalt  }
0x84: {  	_ =	shalt  }
0x85: {  	_ =	shalt  }
0x86: {  	_ =	shalt  }
0x87: {  	_ =	shalt  }
.Lfunc_end0:
.L_simem_size_0:
called_computation.6_lowered:
.L_overlay_start_0:
0x88: {  	s2 =	sld [smem:$0x3FD9]  }
0x89: {  	s3 =	sld [smem:$0x3FFE];
	_ =	sdelay $0x1  }
0x8a: {  	s1 =	srdreg.scid  }
0x8b: {  	s0 =	sand.u32 $0x1, s1  }
0x8c: {  	s14 =	sshll.u32 s0, $0xA;
	s2 =	sadd.s32 s3, s2  }
0x8d: {  	s2 =	sadd.s32 s2, s14  }
0x8e: {  	[smem:$0x3FBA] =	sst s2  }
0x8f: {  	_ = 	snop  }
0x90: {  	s2 =	sld [smem:$0x3FD0];
	_ =	sdelay $0x2  }
0x91: {  	s4 =	simm.s32 $0xA;
	s5 =	simm.s32 $0x10;
	s15 =	sld [smem:$0x3FC6]  }
0x92: {  	[smem:s5], [sflag:s4] =	dma.local [hbm:s2], $0x1  }
0x93: {  	_ =	swait.eq [sflag:s4], $0x1  }
0x94: {  	[sflag:s4] =	ssyncset.done $0x0  }
0x95: {  	s16 =	sld [smem:$0x10];
	[sflag:s4] =	ssyncadd.s32 $0xFFFFFFFF  }
0x96: {  	s17 =	sld [smem:$0x11];
	(tm) =	ssettm $0x1  }
0x97: {  	s18 =	sld [smem:$0x3FFB];
	_ =	sdelay $0x3  }
0x98: {  	_ =	strace s18  }
0x99: {  	s5 =	sld [smem:$0x3FFC];
	_ =	sdelay $0x3  }
0x9a: {  	_ =	strace s5  }
0x9b: {  	s5 =	sld [smem:$0x3FFD];
	_ =	sdelay $0x3  }
0x9c: {  	_ =	strace s5  }
0x9d: {  	_ =	strace $0x8FFFFFFF  }
0x9e: {  	s19 =	sld [smem:$0x3FDB];
	_ =	sdelay $0x1  }
0x9f: {  	s6 =	simm.s32 $_scs_section_size  }
0xa0: {  	s7 =	simm.s32 $_size__tile_overlayer_lowered;
	s8 =	simm.s32 $_tile_overlayer_lowered  }
0xa1: {  	s22 =	simm.s32 $0x1BFF;
	s21 =	sshll.u32 s8, $0x1;
	s5 =	sadd.s32 s6, s19  }
0xa2: {  	s9 =	simm.s32 $0x0;
	s20 =	sshll.u32 s7, $0x1;
	s7 =	sadd.s32 s21, s5  }
0xa3: {  	[timem:s9], [sflag:s22] =	dma.local [hbm:s7], s20  }
0xa4: {  	_ =	swait.ge [sflag:s22], s20  }
0xa5: {  	s6 =	ssub.s32 $0x0, s20;
	[sflag:s22] =	ssyncset.done $0x0  }
0xa6: {  	[sflag:s22] =	ssyncadd.s32 s6;
	_ =	sdelay $0x1  }
0xa7: {  	s23 =	simm.s32 $0x1B8B  }
0xa8: {  	_ =	swait.ge [sflag:s23], $0x1  }
0xa9: {  	[sflag:s23] =	ssyncset.done $0x0  }
0xaa: {  	s25 =	simm.s32 $0x1B8E;
	s24 =	sld [smem:$0x3FFE];
	[sflag:s23] =	ssyncadd.s32 $0xFFFFFFFF  }
0xab: {  	s26 =	simm.s32 $execute0_lowered;
	[smem:$0x3FD2] =	sst s25  }
0xac: {  	s7 =	sshll.u32 s26, $0x1;
	_ =	strace $0x80000058;
	[dreg:$0x1] =	wrdreg $0xFFFFFFFF  }
0xad: {  	s28 =	simm.s32 $_size_execute0_lowered;
	s5 =	sadd.s32 s5, s7;
	[dreg:$0x0] =	wrdreg $0x0  }
0xae: {  	s7 =	sshll.u32 s28, $0x1;
	[dreg:$0x2] =	wrdreg s5  }
0xaf: {  	[dreg:$0x3] =	wrdreg s7  }
0xb0: {  	[dreg:$0x4] =	wrdreg $0xC0  }
0xb1: {  	_ =	task [dreg:s9], $0x5FFFF  }
0xb2: {  	[dreg:$0x1] =	wrdreg $0xFFFFFFFF  }
0xb3: {  	[dreg:$0x0] =	wrdreg $0x60  }
0xb4: {  	[dreg:$0x2] =	wrdreg s17  }
0xb5: {  	[dreg:$0x3] =	wrdreg s15  }
0xb6: {  	[dreg:$0x4] =	wrdreg s24  }
0xb7: {  	[dreg:$0x5] =	wrdreg s16  }
0xb8: {  	[dreg:$0x6] =	wrdreg $0x41800  }
0xb9: {  	[dreg:$0x7] =	wrdreg $0x49800  }
0xba: {  	[dreg:$0x8] =	wrdreg $0x9  }
0xbb: {  	_ =	task.clear_ibuf [dreg:s9], $0x9FFFF;
	_ =	strace $0x90000058  }
0xbc: {  	s29 =	simm.s32 $0x9;
	_ =	strace $0x8000005A  }
0xbd: {  	_ =	swait.ge [sflag:s29], $0x1  }
0xbe: {  	[sflag:s29] =	ssyncadd.s32 $0xFFFFFFFF  }
0xbf: {  	_ =	strace $0x9000005A  }
0xc0: {  	_ =	sfence  }
0xc1: {  	s30 =	sld [smem:$0x0];
	_ =	sdelay $0x2  }
0xc2: {  	s31 =	sshll.u32 s1, $0xD;
	s1 =	sshrl.u32 s1, $0x2  }
0xc3: {  	s3 =	sand.u32 $0x4000, s31;
	s1 =	sadd.s32 s1, s30  }
0xc4: {  	s0 =	sor.u32 s3, s0;
	s1 =	sshll.u32 s1, $0x11  }
0xc5: {  	s0 =	sor.u32 s1, s0  }
0xc6: {  	s0 =	sadd.s32 $0x8F2B, s0  }
0xc7: {  	[sflag:s0] =	ssyncadd.remote.s32 $0x1  }
0xc8: {  	_ =	sfence.sel $0xFFFF  }
0xc9: {  	[dreg:$0x0] =	wrdreg $0xFFFFFFFF;
	(pc) =	sbr.abs _section_cstart, $3  }
0xca: {  	[dreg:$0x1] =	wrdreg $0xFFFFFFFF  }
0xcb: {  	_ =	task.clear_ibuf [dreg:s9], $0x2FFFF;
	_ =	strace $0x9FFFFFFF  }
0xcc: {  	(tm) =	ssettm $0x7FFFFFFF  }
0xcd: {  	_ =	shalt  }
tec
execute0_lowered:
.L_overlay_start_1:
0x0: {  	(tag) =	ssettag $0x1  }
0x1: {  	s0 =	rddreg [dreg:$0x0]  }
0x2: {  	s22 =	rddreg [dreg:$0x1]  }
0x3: {  	s7 =	rddreg [dreg:$0x2]  }
0x4: {  	s1 =	rddreg [dreg:$0x3]  }
0x5: {  	s2 =	rddreg [dreg:$0x4]  }
0x6: {  	s3 =	rddreg [dreg:$0x5];
	s4 =	simm.s32 $0x0  }
0x7: {  	s5 =	srdreg.scid;
	s25 =	stileid.u32;
	s28 =	simm.s32 $0x80  }
0x8: {  	s29 =	simm.s32 $0x4100;
	s30 =	simm.s32 $0x4080;
	[smem:$0x7FF] =	sst s4  }
0x9: {  	s20 =	sand.u32 $0x1, s5;
	s5 =	sadd.s32 $0xD000, s7;
	s6 =	sadd.s32 $0xCE00, s7  }
0xa: {  	s12 =	sshll.u32 s25, $0xB;
	s7 =	sadd.s32 $0xD200, s7;
	s31 =	sshll.u32 s25, $0x6  }
0xb: {  	s10 =	sshll.u32 s25, $0x8;
	s17 =	sor.u32 $0x10, s25;
	s18 =	sor.u32 $0x20, s25  }
0xc: {  	s21 =	sor.u32 $0x30, s25;
	s24 =	sor.u32 $0x40, s25;
	s11 =	sshll.u32 s25, $0x4  }
0xd: {  	p0 =	sne.s32 s25, $0x0;
	_ =	strace $0x80000059;
	s8 =	ssub.s32 $0x2, s20  }
0xe: {  	[dreg:$0x7] =	wrdreg s7;
	s10 =	sadd.s32 s1, s10;
	s13 =	sshll.u32 s17, $0xB  }
0xf: {  	s7 =	sadd.s32 $0x27000, s0;
	s14 =	sshll.u32 s18, $0xB;
	s15 =	sshll.u32 s21, $0xB  }
0x10: {  	s16 =	sshll.u32 s24, $0xB;
	s19 =	sshll.u32 s17, $0x4;
	s26 =	sshll.u32 s18, $0x4  }
0x11: {  	s17 =	sadd.s32 s22, s11;
	p1 =	sne.s32 s20, $0x0;
	p2 =	sgt.u32 s24, $0x4D  }
0x12: {  	s9 =	sshrl.u32 s8, $0x1;
	[dreg:$0x8] =	wrdreg s7;
	s13 =	sadd.s32 s0, s13  }
0x13: {  	s14 =	sadd.s32 s0, s14;
	s15 =	sadd.s32 s0, s15;
	s16 =	sadd.s32 s0, s16  }
0x14: {  	s18 =	sadd.s32 s22, s19;
	s19 =	sadd.s32 s22, s26;
	s26 =	sshll.u32 s21, $0x4  }
.Ltmp0:
0x15: {  	p3 =	sne.s32 @!p2 s25, $0x0;
	s25 =	simm.s32 $0x2;
	(pc) =	sbr.rel .LBB2_1-.Ltmp0, $4  }
0x16: {  	s23 =	ssub.s32 s8, s9;
	s8 =	sadd.s32 s12, s2;
	s9 =	sor.u32 $0x1C01, s31  }
0x17: {  	s12 =	sadd.s32 s0, s12;
	s31 =	sshll.u32 s24, $0x4;
	s20 =	sadd.s32 s22, s26  }
0x18: {  	s24 =	simm.s32 $0x1;
	p3 =	por p2, p3;
	s26 =	simm.s32 $0x4000  }
0x19: {  	v0 =	vimm.f32 $1.000000000e+00;
	s21 =	sadd.s32 s22, s31;
	s22 =	sadd.s32 $0x4E0, s22;
	s23 =	smax.u32 s23, $0x1  }
.LBB2_3:
0x1a: {  	[bflag:$0x0] =	sbarrier.arrive $0xFFFF  }
.LBB2_4:
0x1b: {  	s23 =	sadd.s32 $0xFFFFFFFF, s23  }
0x1c: {  	p4 =	sne.s32 s23, $0x0  }
.Ltmp1:
0x1d: {  	_ = 	snop;
	(pc) =	sbr.rel @!p4 .LBB2_5-.Ltmp1, $1  }
0x1e: {  	_ =	sdelay $0x3  }
.LBB2_1:
0x1f: {  	s0 =	sshrl.u32 s8, $0x3  }
0x20: {  	[spmem:s0], [sflag:s9] =	dma.local [hbm:s5], $0x100  }
0x21: {  	_ =	swait.ge [sflag:s24], $0x100  }
0x22: {  	[sflag:s24] =	ssyncset.done $0x0  }
0x23: {  	s1 =	sshrl.u32 @!p0 s3, $0x3;
	[sflag:s24] =	ssyncadd.s32 $0xFFFFFF00  }
0x24: {  	[spmem:s1], [sflag:s9] =	dma.local @!p0 [hbm:s6], $0x20  }
0x25: {  	s1 =	simm.s32 @!p0 $0x1  }
0x26: {  	_ =	swait.ge @!p0 [sflag:s1], $0x20  }
0x27: {  	[sflag:s1] =	ssyncset.done @!p0 $0x0  }
0x28: {  	[sflag:s1] =	ssyncadd.s32 @!p0 $0xFFFFFFE0  }
0x29: {  	[tilespmem:$0x4100] =	vst v0  }
0x2a: {  	[tilespmem:$0x4110] =	vst v0  }
0x2b: {  	[tilespmem:$0x4120] =	vst v0  }
0x2c: {  	[tilespmem:$0x4130] =	vst v0  }
0x2d: {  	[tilespmem:$0x4140] =	vst v0  }
.Ltmp2:
0x2e: {  	[tilespmem:$0x4150] =	vst v0;
	(pc) =	sbr.rel @p1 .LBB2_3-.Ltmp2, $3  }
0x2f: {  	[tilespmem:$0x4160] =	vst v0  }
0x30: {  	[tilespmem:$0x4170] =	vst v0  }
0x31: {  	[bflag:$0x0] =	sbarrier.arrive $0xFFFF;
	_ =	sdelay $0x1  }
0x32: {  	[tilespmem:s4], [sflag:$0x2] =	stream.linear.gather [hbm4b:s12+s4], $0x4000, $0x38;
	[tilespmem:$0x4990] =	vst v63  }
0x33: {  	_ =	swait.ge [sflag:s25], $0x4000  }
0x34: {  	[sflag:s25] =	ssyncset.done $0x0  }
0x35: {  	[sflag:s25] =	ssyncadd.s32 $0xFFFFC000  }
0x36: {  	[tilespmem:s26], [sflag:$0x2] =	stream.linear.gather [hbm4b:s17+s4], $0x80, $0x38;
	[tilespmem:$0x4990] =	vst v63  }
0x37: {  	_ =	swait.ge [sflag:s25], $0x80  }
0x38: {  	[sflag:s25] =	ssyncset.done $0x0  }
0x39: {  	[sflag:s25] =	ssyncadd.s32 $0xFFFFFF80  }
0x3a: {  	[spmem:s2] =	stream.indirect.scatter.add.f32 [tilespmem:s4], [sflag:$0x2], $0x80, s26, s28, $0xb8;
	[tilespmem:$0x4990] =	vst v63  }
0x3b: {  	_ =	swait.ge [sflag:s25], $0x4000  }
0x3c: {  	[sflag:s25] =	ssyncset.done $0x0  }
0x3d: {  	[sflag:s25] =	ssyncadd.s32 $0xFFFFC000  }
0x3e: {  	[spmem:s3] =	stream.indirect.scatter.add.f32 [tilespmem:s29], [sflag:$0x1], $0x1, s26, s28, $0xb8;
	[tilespmem:$0x4990] =	vst v63  }
0x3f: {  	_ =	swait.ge [sflag:s24], $0x80  }
0x40: {  	[sflag:s24] =	ssyncset.done $0x0  }
0x41: {  	[sflag:s24] =	ssyncadd.s32 $0xFFFFFF80  }
0x42: {  	[tilespmem:s4], [sflag:$0x2] =	stream.linear.gather [hbm4b:s13+s4], $0x4000, $0x38;
	[tilespmem:$0x4990] =	vst v63  }
0x43: {  	_ =	swait.ge [sflag:s25], $0x4000  }
0x44: {  	[sflag:s25] =	ssyncset.done $0x0  }
0x45: {  	[sflag:s25] =	ssyncadd.s32 $0xFFFFC000  }
0x46: {  	[tilespmem:s26], [sflag:$0x2] =	stream.linear.gather [hbm4b:s18+s4], $0x80, $0x38;
	[tilespmem:$0x4990] =	vst v63  }
0x47: {  	_ =	swait.ge [sflag:s25], $0x80  }
0x48: {  	[sflag:s25] =	ssyncset.done $0x0  }
0x49: {  	[sflag:s25] =	ssyncadd.s32 $0xFFFFFF80  }
0x4a: {  	[spmem:s2] =	stream.indirect.scatter.add.f32 [tilespmem:s4], [sflag:$0x2], $0x80, s26, s28, $0xb8;
	[tilespmem:$0x4990] =	vst v63  }
0x4b: {  	_ =	swait.ge [sflag:s25], $0x4000  }
0x4c: {  	[sflag:s25] =	ssyncset.done $0x0  }
0x4d: {  	[sflag:s25] =	ssyncadd.s32 $0xFFFFC000  }
0x4e: {  	[spmem:s3] =	stream.indirect.scatter.add.f32 [tilespmem:s29], [sflag:$0x1], $0x1, s26, s28, $0xb8;
	[tilespmem:$0x4990] =	vst v63  }
0x4f: {  	_ =	swait.ge [sflag:s24], $0x80  }
0x50: {  	[sflag:s24] =	ssyncset.done $0x0  }
0x51: {  	[sflag:s24] =	ssyncadd.s32 $0xFFFFFF80  }
0x52: {  	[tilespmem:s4], [sflag:$0x2] =	stream.linear.gather [hbm4b:s14+s4], $0x4000, $0x38;
	[tilespmem:$0x4990] =	vst v63  }
0x53: {  	_ =	swait.ge [sflag:s25], $0x4000  }
0x54: {  	[sflag:s25] =	ssyncset.done $0x0  }
0x55: {  	[sflag:s25] =	ssyncadd.s32 $0xFFFFC000  }
0x56: {  	[tilespmem:s26], [sflag:$0x2] =	stream.linear.gather [hbm4b:s19+s4], $0x80, $0x38;
	[tilespmem:$0x4990] =	vst v63  }
0x57: {  	_ =	swait.ge [sflag:s25], $0x80  }
0x58: {  	[sflag:s25] =	ssyncset.done $0x0  }
0x59: {  	[sflag:s25] =	ssyncadd.s32 $0xFFFFFF80  }
0x5a: {  	[spmem:s2] =	stream.indirect.scatter.add.f32 [tilespmem:s4], [sflag:$0x2], $0x80, s26, s28, $0xb8;
	[tilespmem:$0x4990] =	vst v63  }
0x5b: {  	_ =	swait.ge [sflag:s25], $0x4000  }
0x5c: {  	[sflag:s25] =	ssyncset.done $0x0  }
0x5d: {  	[sflag:s25] =	ssyncadd.s32 $0xFFFFC000  }
0x5e: {  	[spmem:s3] =	stream.indirect.scatter.add.f32 [tilespmem:s29], [sflag:$0x1], $0x1, s26, s28, $0xb8;
	[tilespmem:$0x4990] =	vst v63  }
0x5f: {  	_ =	swait.ge [sflag:s24], $0x80  }
0x60: {  	[sflag:s24] =	ssyncset.done $0x0  }
0x61: {  	[sflag:s24] =	ssyncadd.s32 $0xFFFFFF80  }
0x62: {  	[tilespmem:s4], [sflag:$0x2] =	stream.linear.gather [hbm4b:s15+s4], $0x4000, $0x38;
	[tilespmem:$0x4990] =	vst v63  }
0x63: {  	_ =	swait.ge [sflag:s25], $0x4000  }
0x64: {  	[sflag:s25] =	ssyncset.done $0x0  }
0x65: {  	[sflag:s25] =	ssyncadd.s32 $0xFFFFC000  }
0x66: {  	[tilespmem:s26], [sflag:$0x2] =	stream.linear.gather [hbm4b:s20+s4], $0x80, $0x38;
	[tilespmem:$0x4990] =	vst v63  }
0x67: {  	_ =	swait.ge [sflag:s25], $0x80  }
0x68: {  	[sflag:s25] =	ssyncset.done $0x0  }
0x69: {  	[sflag:s25] =	ssyncadd.s32 $0xFFFFFF80  }
0x6a: {  	[spmem:s2] =	stream.indirect.scatter.add.f32 [tilespmem:s4], [sflag:$0x2], $0x80, s26, s28, $0xb8;
	[tilespmem:$0x4990] =	vst v63  }
0x6b: {  	_ =	swait.ge [sflag:s25], $0x4000  }
0x6c: {  	[sflag:s25] =	ssyncset.done $0x0  }
0x6d: {  	[sflag:s25] =	ssyncadd.s32 $0xFFFFC000  }
0x6e: {  	[spmem:s3] =	stream.indirect.scatter.add.f32 [tilespmem:s29], [sflag:$0x1], $0x1, s26, s28, $0xb8;
	[tilespmem:$0x4990] =	vst v63  }
0x6f: {  	_ =	swait.ge [sflag:s24], $0x80  }
0x70: {  	[sflag:s24] =	ssyncset.done $0x0  }
0x71: {  	s1 =	simm.s32 @!p2 $0x0;
	s7 =	simm.s32 @!p2 $0x2;
	[sflag:s24] =	ssyncadd.s32 $0xFFFFFF80  }
0x72: {  	[tilespmem:s1], [sflag:$0x2] =	stream.linear.gather @!p2 [hbm4b:s16+s1], $0x4000, $0x38;
	[tilespmem:$0x4990] =	vst v63  }
0x73: {  	_ =	swait.ge @!p2 [sflag:s7], $0x4000  }
0x74: {  	[sflag:s7] =	ssyncset.done @!p2 $0x0  }
0x75: {  	s11 =	simm.s32 @!p2 $0x4000;
	[sflag:s7] =	ssyncadd.s32 @!p2 $0xFFFFC000  }
0x76: {  	[tilespmem:s11], [sflag:$0x2] =	stream.linear.gather @!p2 [hbm4b:s21+s1], $0x80, $0x38;
	[tilespmem:$0x4990] =	vst v63  }
0x77: {  	_ =	swait.ge @!p2 [sflag:s7], $0x80  }
0x78: {  	[sflag:s7] =	ssyncset.done @!p2 $0x0  }
0x79: {  	s31 =	simm.s32 @!p2 $0x80;
	[sflag:s7] =	ssyncadd.s32 @!p2 $0xFFFFFF80  }
0x7a: {  	[spmem:s2] =	stream.indirect.scatter.add.f32 @!p2 [tilespmem:s1], [sflag:$0x2], $0x80, s11, s31, $0xb8;
	[tilespmem:$0x4990] =	vst v63  }
0x7b: {  	_ =	swait.ge @!p2 [sflag:s7], $0x4000  }
0x7c: {  	[sflag:s7] =	ssyncset.done @!p2 $0x0  }
0x7d: {  	s1 =	simm.s32 @!p2 $0x4100;
	[sflag:s7] =	ssyncadd.s32 @!p2 $0xFFFFC000  }
0x7e: {  	[spmem:s3] =	stream.indirect.scatter.add.f32 @!p2 [tilespmem:s1], [sflag:$0x1], $0x1, s11, s31, $0xb8;
	[tilespmem:$0x4990] =	vst v63  }
0x7f: {  	s1 =	simm.s32 @!p2 $0x1  }
0x80: {  	_ =	swait.ge @!p2 [sflag:s1], $0x80  }
0x81: {  	[sflag:s1] =	ssyncset.done @!p2 $0x0  }
0x82: {  	[sflag:s1] =	ssyncadd.s32 @!p2 $0xFFFFFF80  }
0x83: {  	[bflag:$0x0] =	sbarrier.arrive @p3 $0xFFFF  }
0x84: {  	[hbm:s10], [sflag:s9] =	dma.local @p3 [spmem:s0], $0x100  }
0x85: {  	_ =	swait.ge @p3 [sflag:s24], $0x100  }
0x86: {  	[sflag:s24] =	ssyncset.done @p3 $0x0  }
0x87: {  	s1 =	rddreg @!p3 [dreg:$0x8];
	[sflag:s24] =	ssyncadd.s32 @p3 $0xFFFFFF00  }
0x88: {  	[tilespmem:s4], [sflag:$0x1] =	stream.linear.gather @!p3 [hbm4b:s1+s4], $0x800, $0x38;
	[tilespmem:$0x4990] =	vst v63  }
0x89: {  	_ =	swait.ge @!p3 [sflag:s24], $0x800  }
0x8a: {  	[sflag:s24] =	ssyncset.done @!p3 $0x0  }
0x8b: {  	[sflag:s24] =	ssyncadd.s32 @!p3 $0xFFFFF800  }
0x8c: {  	[tilespmem:s30], [sflag:$0x1] =	stream.linear.gather @!p3 [hbm4b:s22+s4], $0x10, $0x38;
	[tilespmem:$0x4990] =	vst v63  }
0x8d: {  	_ =	swait.ge @!p3 [sflag:s24], $0x10  }
0x8e: {  	[sflag:s24] =	ssyncset.done @!p3 $0x0  }
0x8f: {  	s1 =	simm.s32 @!p3 $0x10;
	[sflag:s24] =	ssyncadd.s32 @!p3 $0xFFFFFFF0  }
0x90: {  	[spmem:s2] =	stream.indirect.scatter.add.f32 @!p3 [tilespmem:s4], [sflag:$0x1], $0x80, s30, s1, $0xb8;
	[tilespmem:$0x4990] =	vst v63  }
0x91: {  	_ =	swait.ge @!p3 [sflag:s24], $0x800  }
0x92: {  	[sflag:s24] =	ssyncset.done @!p3 $0x0  }
0x93: {  	[sflag:s24] =	ssyncadd.s32 @!p3 $0xFFFFF800  }
0x94: {  	[spmem:s3] =	stream.indirect.scatter.add.f32 @!p3 [tilespmem:s29], [sflag:$0x1], $0x1, s30, s1, $0xb8;
	[tilespmem:$0x4990] =	vst v63  }
0x95: {  	_ =	swait.ge @!p3 [sflag:s24], $0x10  }
0x96: {  	[sflag:s24] =	ssyncset.done @!p3 $0x0  }
0x97: {  	[sflag:s24] =	ssyncadd.s32 @!p3 $0xFFFFFFF0  }
0x98: {  	[bflag:$0x0] =	sbarrier.arrive @!p3 $0xFFFF  }
0x99: {  	s1 =	rddreg @!p3 [dreg:$0x3]  }
0x9a: {  	[hbm:s1], [sflag:s9] =	dma.local @!p3 [spmem:s0], $0x100  }
0x9b: {  	_ =	swait.ge @!p3 [sflag:s24], $0x100  }
0x9c: {  	s0 =	sshrl.u32 @!p3 s3, $0x3;
	[sflag:s24] =	ssyncset.done @!p3 $0x0  }
.Ltmp3:
0x9d: {  	s1 =	rddreg @!p3 [dreg:$0x7];
	[sflag:s24] =	ssyncadd.s32 @!p3 $0xFFFFFF00;
	(pc) =	sbr.rel .LBB2_4-.Ltmp3, $4  }
0x9e: {  	[hbm:s1], [sflag:s9] =	dma.local @!p3 [spmem:s0], $0x20  }
0x9f: {  	_ =	swait.ge @!p3 [sflag:s24], $0x20  }
0xa0: {  	[sflag:s24] =	ssyncset.done @!p3 $0x0  }
0xa1: {  	[sflag:s24] =	ssyncadd.s32 @!p3 $0xFFFFFFE0  }
.LBB2_5:
0xa2: {  	_ =	sfence.sel $0x180000  }
0xa3: {  	[bflag:$0x0] =	sbarrier.arrive $0xFFFF  }
0xa4: {  	_ =	strace $0x90000059  }
0xa5: {  	[bflag:$0x2] =	sbarrier.arrive $0xFFFF  }
0xa6: {  	s0 =	rddreg [dreg:$0x6]  }
0xa7: {  	s0 =	sadd.s32 @!p0 $0x100000, s0  }
0xa8: {  	[sflag:s0] =	ssyncadd.tile.s32 @!p0 $0x1;
	_ =	shalt  }
.Lfunc_end2:
_tile_overlayer_lowered:
.L_overlay_start_2:
0xa9: {  	(tag) =	ssettag $0x2  }
0xaa: {  	s0 =	rddreg [dreg:$0x0];
	s2 =	stileid.u32  }
0xab: {  	s1 =	rddreg [dreg:$0x1];
	p0 =	sne.s32 s2, $0x0  }
0xac: {  	s3 =	rddreg [dreg:$0x2];
	[bflag:$0x3] =	sbarrier.arrive $0xFFFF;
	s2 =	simm.s32 @!p0 $0x1C01  }
0xad: {  	[timem:s3], [sflag:s2] =	dma.local @!p0 [hbm:s0], s1  }
0xae: {  	s0 =	simm.s32 @!p0 $0x1  }
0xaf: {  	_ =	swait.ge @!p0 [sflag:s0], s1  }
0xb0: {  	s1 =	ssub.s32 @!p0 $0x0, s1;
	[sflag:s0] =	ssyncset.done @!p0 $0x0  }
0xb1: {  	[sflag:s0] =	ssyncadd.s32 @!p0 s1  }
0xb2: {  	[bflag:$0x3] =	sbarrier.arrive $0xFFFF  }
0xb3: {  	_ =	shalt  }

</sc_bundles>
